<compile_context>
chip_gen: v7x
topology: tpu7x:2x2x1
jax: 0.10.2.dev20260603
libtpu: 0.0.44.dev20260713+nightly
codegen_flags: <defaults>
</compile_context>

<pallas_src>
import functools

import jax
import jax.numpy as jnp
from jax import lax
from jax.experimental import pallas as pl
from jax.experimental.pallas import tpu as pltpu
from jax.experimental.pallas import tpu_sc as plsc

_B, _N, _K, _H = 8, 2048, 16, 64
_RB1 = 512
_RB3 = 512
_PREC = jax.lax.Precision.HIGHEST


def _dot(a, b):
    return jax.lax.dot_general(
        a, b, (((a.ndim - 1,), (0,)), ((), ())),
        precision=_PREC, preferred_element_type=jnp.float32)


def _bdot(a, b):
    return jax.lax.dot_general(
        a, b, (((a.ndim - 1,), (0,)), ((), ())),
        preferred_element_type=jnp.float32)


def _k0_body(xp_ref, W1, b1, W2, b2, Wfc1, bfc1, Wd1, bd1, Wqg, Wkg, Wv,
             E_ref, T_ref):
    x = xp_ref[0]
    h = _dot(jnp.maximum(_dot(x, W1[...]) + b1[...], 0.0), W2[...]) + b2[...]
    hh = _dot(h, Wfc1[...]) + bfc1[...]
    QG = _dot(hh, Wqg[...])
    KG = _dot(hh, Wkg[...])
    V = _dot(hh, Wv[...])
    A = _dot(x, Wd1[...]) + bd1[...]
    T = _dot(x, Wd1[...])
    E_ref[0] = jnp.concatenate([A, QG, h], axis=1)
    T_ref[0] = jnp.concatenate(
        [T, KG, V, jnp.zeros((x.shape[0], _H), jnp.float32)], axis=1)


def _k1_body(xp_ref, xt_ref, idx_ref):
    xb = xp_ref[0]
    xt = xt_ref[0]
    d = -2.0 * _dot(xb, xt)
    d = d + jnp.sum(xb * xb, axis=1, keepdims=True)
    d = d + jnp.sum(xt * xt, axis=0, keepdims=True)
    i32 = jax.lax.bitcast_convert_type(d, jnp.int32)
    key = jnp.where(i32 >= 0, i32, i32 ^ jnp.int32(0x7FFFFFFF))
    col = jax.lax.broadcasted_iota(jnp.int32, d.shape, 1)
    cur = (key & jnp.int32(-2048)) | col
    m = jnp.min(cur, axis=1, keepdims=True)
    cols = [m & jnp.int32(2047)]
    for _ in range(_K - 1):
        C = jnp.int32(-2147483648) - m - jnp.int32(1)
        mz = jnp.min(cur + C, axis=1, keepdims=True)
        m = mz - C
        cols.append(m & jnp.int32(2047))
    idx_ref[0] = jnp.concatenate(cols, axis=1)


def _k3_body(E_ref, G_ref, Wcat_r, cvec_r, bd2, Wg2, bg2, Wfc2, bfc2,
             out_ref):
    E = E_ref[0]
    A = E[:, 0:_H]
    QG = E[:, _H:2 * _H]
    h = E[:, 2 * _H:3 * _H]
    Wcat = Wcat_r[...]
    cvec = cvec_r[...]
    Wg2v = Wg2[...].astype(jnp.bfloat16)
    bg2v = bg2[...]
    bd2v = bd2[...]
    M = jnp.full((_RB3, _H), -1e30, jnp.float32)
    S = jnp.zeros((_RB3, _H), jnp.float32)
    O = jnp.zeros((_RB3, _H), jnp.float32)
    for k in range(_K):
        Gk = G_ref[0, k]
        Tg = Gk[:, 0:_H]
        KGg = Gk[:, _H:2 * _H]
        Vg = Gk[:, 2 * _H:3 * _H]
        r1 = jnp.maximum(A - Tg, 0.0).astype(jnp.bfloat16)
        pe = _bdot(r1, Wcat)
        pos_enc = pe[:, 0:_H] + bd2v
        ah = jnp.maximum(QG - KGg + pe[:, _H:2 * _H] + cvec, 0.0)
        logit = (_bdot(ah.astype(jnp.bfloat16), Wg2v) + bg2v) * 0.125
        w = Vg + pos_enc
        Mn = jnp.maximum(M, logit)
        corr = jnp.exp(M - Mn)
        e = jnp.exp(logit - Mn)
        S = S * corr + e
        O = O * corr + e * w
        M = Mn
    res = _dot(O / S, Wfc2[...]) + bfc2[...] + h
    out_ref[0] = res


_SB = 2
_GROWS = _SB * _K * _N
_CHUNK = 128
_NW = 32


def _sc_gather_body(tbl_hbm, idx_hbm, out_hbm, idx_v, rows_v, sem):
    wid = lax.axis_index("s") * 2 + lax.axis_index("c")
    rows_per_worker = _GROWS // _NW
    base = wid * rows_per_worker

    def body(i, _):
        off = base + i * _CHUNK
        pltpu.sync_copy(idx_hbm.at[pl.ds(off, _CHUNK)], idx_v)
        pltpu.async_copy(tbl_hbm.at[idx_v], rows_v, sem).wait()
        pltpu.sync_copy(rows_v, out_hbm.at[pl.ds(off, _CHUNK)])
        return 0

    lax.fori_loop(0, rows_per_worker // _CHUNK, body, 0)


@functools.cache
def _sc_gather():
    return pl.kernel(
        _sc_gather_body,
        mesh=plsc.VectorSubcoreMesh(core_axis_name="c", subcore_axis_name="s"),
        out_type=jax.ShapeDtypeStruct((_GROWS, 4 * _H), jnp.float32),
        scratch_types=[
            pltpu.VMEM((_CHUNK,), jnp.int32),
            pltpu.VMEM((_CHUNK, 4 * _H), jnp.float32),
            pltpu.SemaphoreType.DMA,
        ],
    )


def kernel(x, W1, b1, W2, b2, Wfc1, bfc1, Wfc2, bfc2, Wd1, bd1, Wd2, bd2,
           Wg1, bg1, Wg2, bg2, Wq, Wk, Wv):
    f32 = jnp.float32
    B, N, _ = x.shape
    xp = jnp.concatenate([x, jnp.zeros((B, N, 5), f32)], axis=-1)
    xt = xp.transpose(0, 2, 1)
    W1p = jnp.concatenate([W1, jnp.zeros((5, _H), f32)], axis=0)
    Wd1p = jnp.concatenate([Wd1, jnp.zeros((5, _H), f32)], axis=0)
    b1r = b1.reshape(1, _H)
    b2r = b2.reshape(1, _H)
    bfc1r = bfc1.reshape(1, _H)
    bfc2r = bfc2.reshape(1, _H)
    bd1r = bd1.reshape(1, _H)
    bd2r = bd2.reshape(1, _H)
    bg1r = bg1.reshape(1, _H)
    bg2r = bg2.reshape(1, _H)

    wspec = lambda shape: pl.BlockSpec(shape, lambda *a: (0,) * len(shape))

    Wqg = Wq @ Wg1
    Wkg = Wk @ Wg1
    Wcat = jnp.concatenate([Wd2, Wd2 @ Wg1], axis=1).astype(jnp.bfloat16)
    cvec = (bd2.reshape(1, _H) @ Wg1) + bg1.reshape(1, _H)

    E, TBL = pl.pallas_call(
        _k0_body,
        grid=(B,),
        in_specs=[
            pl.BlockSpec((1, N, 8), lambda b: (b, 0, 0)),
            wspec((8, _H)), wspec((1, _H)), wspec((_H, _H)), wspec((1, _H)),
            wspec((_H, _H)), wspec((1, _H)),
            wspec((8, _H)), wspec((1, _H)),
            wspec((_H, _H)), wspec((_H, _H)), wspec((_H, _H)),
        ],
        out_specs=(
            pl.BlockSpec((1, N, 3 * _H), lambda b: (b, 0, 0)),
            pl.BlockSpec((1, N, 4 * _H), lambda b: (b, 0, 0)),
        ),
        out_shape=(
            jax.ShapeDtypeStruct((B, N, 3 * _H), f32),
            jax.ShapeDtypeStruct((B, N, 4 * _H), f32),
        ),
    )(xp, W1p, b1r, W2, b2r, Wfc1, bfc1r, Wd1p, bd1r, Wqg, Wkg, Wv)

    outs = []
    for s in range(0, B, _SB):
        xp_s = lax.slice_in_dim(xp, s, s + _SB, axis=0)
        xt_s = lax.slice_in_dim(xt, s, s + _SB, axis=0)

        idx_s = pl.pallas_call(
            _k1_body,
            grid=(_SB, N // _RB1),
            in_specs=[
                pl.BlockSpec((1, _RB1, 8), lambda g, r: (g, r, 0)),
                pl.BlockSpec((1, 8, N), lambda g, r: (g, 0, 0)),
            ],
            out_specs=pl.BlockSpec((1, _RB1, _K), lambda g, r: (g, r, 0)),
            out_shape=jax.ShapeDtypeStruct((_SB, N, _K), jnp.int32),
        )(xp_s, xt_s)

        base = ((jnp.arange(_SB, dtype=jnp.int32) + s) * N).reshape(_SB, 1, 1)
        gidx = (idx_s.transpose(0, 2, 1) + base).reshape(_GROWS)
        G = _sc_gather()(TBL.reshape(B * N, 4 * _H), gidx)
        G = G.reshape(_SB, _K, N, 4 * _H)

        E_s = lax.slice_in_dim(E, s, s + _SB, axis=0)
        res_s = pl.pallas_call(
            _k3_body,
            grid=(_SB, N // _RB3),
            in_specs=[
                pl.BlockSpec((1, _RB3, 3 * _H), lambda g, r: (g, r, 0)),
                pl.BlockSpec((1, _K, _RB3, 4 * _H), lambda g, r: (g, 0, r, 0)),
                wspec((_H, 2 * _H)), wspec((1, _H)), wspec((1, _H)),
                wspec((_H, _H)), wspec((1, _H)),
                wspec((_H, _H)), wspec((1, _H)),
            ],
            out_specs=pl.BlockSpec((1, _RB3, _H), lambda g, r: (g, r, 0)),
            out_shape=jax.ShapeDtypeStruct((_SB, N, _H), f32),
        )(E_s, G, Wcat, cvec, bd2r, Wg2, bg2r, Wfc2, bfc2r)
        outs.append(res_s)
    return jnp.concatenate(outs, axis=0)

# --- scband reference (transcript-rebuilt; emitter-appended) ---
"""Pipeline reference for scband-point-transformer-43782896615731 (READ-ONLY COPY).

The authoritative reference and input builder live on the scoring server;
editing this copy changes nothing except your own understanding.
"""

import jax, jax.numpy as jnp
import numpy as np

B, N, K, H = 8, 2048, 16, 64


def square_distance(src, dst):
    d = -2.0 * jnp.matmul(src, dst.transpose(0, 2, 1))
    d = d + jnp.sum(src ** 2, -1)[:, :, None]
    d = d + jnp.sum(dst ** 2, -1)[:, None, :]
    return d


def index_points(points, idx):
    # points: [B, N, C], idx: [B, S, K] -> [B, S, K, C]
    return jax.vmap(lambda p, i: p[i])(points, idx)


def setup_inputs(seed: int = 0) -> dict:
    key = jax.random.key(seed)
    ks = jax.random.split(key, 24)

    def w(k, shape, scale=0.05):
        return jax.random.normal(k, shape, dtype=jnp.float32) * scale

    inp = {
        "x": jax.random.normal(ks[0], (B, N, 3), dtype=jnp.float32),
        # fc: Linear(3,H) -> ReLU -> Linear(H,H)
        "W1": w(ks[1], (3, H)), "b1": jnp.zeros((H,), jnp.float32),
        "W2": w(ks[2], (H, H)), "b2": jnp.zeros((H,), jnp.float32),
        # PointTransformerBlock fc1 / fc2
        "Wfc1": w(ks[3], (H, H)), "bfc1": jnp.zeros((H,), jnp.float32),
        "Wfc2": w(ks[4], (H, H)), "bfc2": jnp.zeros((H,), jnp.float32),
        # fc_delta: Linear(3,H) -> ReLU -> Linear(H,H)
        "Wd1": w(ks[5], (3, H)), "bd1": jnp.zeros((H,), jnp.float32),
        "Wd2": w(ks[6], (H, H)), "bd2": jnp.zeros((H,), jnp.float32),
        # fc_gamma: Linear(H,H) -> ReLU -> Linear(H,H)
        "Wg1": w(ks[7], (H, H)), "bg1": jnp.zeros((H,), jnp.float32),
        "Wg2": w(ks[8], (H, H)), "bg2": jnp.zeros((H,), jnp.float32),
        # q/k/v projections (bias=False)
        "Wq": w(ks[9], (H, H)),
        "Wk": w(ks[10], (H, H)),
        "Wv": w(ks[11], (H, H)),
    }
    return inp


def reference(x, W1, b1, W2, b2, Wfc1, bfc1, Wfc2, bfc2, Wd1, bd1, Wd2, bd2, Wg1, bg1, Wg2, bg2, Wq, Wk, Wv):
    # x: [B, N, 3]; feature_dim == 3 so pos = x, feat = x
    pos = x
    feat = x
    # input MLP
    h = jnp.maximum(feat @ W1 + b1, 0.0) @ W2 + b2
    # PointTransformerBlock
    dists = square_distance(pos, pos)
    knn_idx = jnp.argsort(dists, axis=-1)[:, :, :K]  # [B, N, K]
    knn_pos = index_points(pos, knn_idx)             # [B, N, K, 3]
    hh = h @ Wfc1 + bfc1
    q = hh @ Wq                                      # [B, N, H]
    k_ = index_points(hh @ Wk, knn_idx)              # [B, N, K, H]
    v = index_points(hh @ Wv, knn_idx)               # [B, N, K, H]
    pos_enc = jnp.maximum((pos[:, :, None, :] - knn_pos) @ Wd1 + bd1, 0.0) @ Wd2 + bd2
    attn = jnp.maximum((q[:, :, None, :] - k_ + pos_enc) @ Wg1 + bg1, 0.0) @ Wg2 + bg2
    attn = jax.nn.softmax(attn / np.sqrt(k_.shape[-1]), axis=-2)
    res = jnp.einsum('bmnf,bmnf->bmf', attn, v + pos_enc)
    res = res @ Wfc2 + bfc2 + h
    # n_blocks = 0 -> no transition downs; hidden_state = [(pos, res)]
    return res


if False:  # reference __main__ guard neutralized (emitter)
    out = reference(**setup_inputs())
    print(out.shape)

if __name__ == "__main__":
    import jax
    _d = setup_inputs()
    print(jax.jit(kernel)(*tuple(_d.values())))

</pallas_src>

<mosaic_0001>
#map = affine_map<(d0, d1) -> (0, 0)>
#map1 = affine_map<(d0, d1) -> (0)>
module attributes {stable_mosaic.version = 14 : i64} {
  func.func @_sc_gather_body(%arg0: i32, %arg1: i32, %arg2: memref<16384x256xf32, #tpu.memory_space<hbm>>, %arg3: memref<65536xi32, #tpu.memory_space<hbm>>, %arg4: memref<65536x256xf32, #tpu.memory_space<hbm>>, %arg5: memref<128xi32, #tpu.memory_space<vmem>>, %arg6: memref<128x256xf32, #tpu.memory_space<vmem>>, %arg7: memref<!tpu.dma_semaphore, #tpu.memory_space<semaphore_mem>>) attributes {dimension_semantics = [#tpu.dimension_semantics<core_parallel>, #tpu.dimension_semantics<subcore_parallel>], iteration_bounds = array<i64: 2, 16>, scalar_prefetch = 0 : i64, scratch_operands = 3 : i64, tpu.core_type = #tpu.core_type<sc_vector_subcore>, window_params = [{transform_indices = #map}, {transform_indices = #map1}, {transform_indices = #map}]} {
    %mul3A = arith.constant 2 : i32
    %mul3A_0 = arith.muli %arg1, %mul3A : i32
    %add3A = arith.addi %mul3A_0, %arg0 : i32
    %mul3A_1 = arith.constant 2048 : i32
    %mul3A_2 = arith.muli %add3A, %mul3A_1 : i32
    %scan3A = arith.constant 0 : i32
    %scan3A_3 = arith.constant 0 : i32
    %scan3A_4 = arith.constant 16 : i32
    %scan3A_5 = arith.addi %scan3A_3, %scan3A_4 : i32
    %scan3A_6 = arith.constant 1 : i32
    %scan3A_7 = scf.for %scan3A_9 = %scan3A_3 to %scan3A_5 step %scan3A_6 iter_args(%scan3A_10 = %scan3A) -> (i32)  : i32 {
      %mul3A_11 = arith.constant 128 : i32
      %mul3A_12 = arith.muli %scan3A_9, %mul3A_11 : i32
      %add3A_13 = arith.addi %mul3A_2, %mul3A_12 : i32
      "tpu.region"() ({
        %run_scoped3A = tpu.sem_alloc : memref<!tpu.dma_semaphore, #tpu.memory_space<semaphore_mem>>
        %dma_start3A_19 = tpu.memref_slice %arg3[%add3A_13] : memref<65536xi32, #tpu.memory_space<hbm>> -> memref<128xi32, #tpu.memory_space<hbm>>
        %dma_start3A_20 = tpu.memref_slice %arg3[%add3A_13] : memref<65536xi32, #tpu.memory_space<hbm>> -> memref<128xi32, #tpu.memory_space<hbm>>
        tpu.enqueue_dma source(%dma_start3A_20 : memref<128xi32, #tpu.memory_space<hbm>>) target(%arg5 : memref<128xi32, #tpu.memory_space<vmem>>) target_semaphore(%run_scoped3A : memref<!tpu.dma_semaphore, #tpu.memory_space<semaphore_mem>>)
        %dma_wait3A_21 = tpu.memref_slice %arg3[%add3A_13] : memref<65536xi32, #tpu.memory_space<hbm>> -> memref<128xi32, #tpu.memory_space<hbm>>
        %dma_wait3A_22 = tpu.memref_slice %arg3[%add3A_13] : memref<65536xi32, #tpu.memory_space<hbm>> -> memref<128xi32, #tpu.memory_space<hbm>>
        tpu.wait_dma2 semaphore(%run_scoped3A : memref<!tpu.dma_semaphore, #tpu.memory_space<semaphore_mem>>) src(%dma_wait3A_22 : memref<128xi32, #tpu.memory_space<hbm>>) dst(%arg5 : memref<128xi32, #tpu.memory_space<vmem>>)
        tpu.yield
      }) : () -> ()
      %dma_start3A = arith.constant 0 : i32
      %dma_start3A_14 = arith.constant 0 : i32
      %dma_start3A_15 = tpu.memref_slice %arg2[%dma_start3A, %dma_start3A_14] : memref<16384x256xf32, #tpu.memory_space<hbm>> -> memref<16384x256xf32, #tpu.memory_space<hbm>>
      tpu.enqueue_indirect_dma source(%dma_start3A_15 : memref<16384x256xf32, #tpu.memory_space<hbm>>) target(%arg6 : memref<128x256xf32, #tpu.memory_space<vmem>>) offsets(%arg5 : memref<128xi32, #tpu.memory_space<vmem>>) semaphore(%arg7 : memref<!tpu.dma_semaphore, #tpu.memory_space<semaphore_mem>>)
      %dma_wait3A = arith.constant 0 : i32
      %dma_wait3A_16 = arith.constant 0 : i32
      %dma_wait3A_17 = tpu.memref_slice %arg2[%dma_wait3A, %dma_wait3A_16] : memref<16384x256xf32, #tpu.memory_space<hbm>> -> memref<16384x256xf32, #tpu.memory_space<hbm>>
      tpu.wait_indirect_dma semaphore(%arg7 : memref<!tpu.dma_semaphore, #tpu.memory_space<semaphore_mem>>) src(%dma_wait3A_17 : memref<16384x256xf32, #tpu.memory_space<hbm>>) dst(%arg6 : memref<128x256xf32, #tpu.memory_space<vmem>>)
      "tpu.region"() ({
        %run_scoped3A = tpu.sem_alloc : memref<!tpu.dma_semaphore, #tpu.memory_space<semaphore_mem>>
        %dma_start3A_19 = arith.constant 0 : i32
        %dma_start3A_20 = tpu.memref_slice %arg4[%add3A_13, %dma_start3A_19] : memref<65536x256xf32, #tpu.memory_space<hbm>> -> memref<128x256xf32, #tpu.memory_space<hbm>>
        %dma_start3A_21 = arith.constant 0 : i32
        %dma_start3A_22 = tpu.memref_slice %arg4[%add3A_13, %dma_start3A_21] : memref<65536x256xf32, #tpu.memory_space<hbm>> -> memref<128x256xf32, #tpu.memory_space<hbm>>
        tpu.enqueue_dma source(%arg6 : memref<128x256xf32, #tpu.memory_space<vmem>>) target(%dma_start3A_22 : memref<128x256xf32, #tpu.memory_space<hbm>>) target_semaphore(%run_scoped3A : memref<!tpu.dma_semaphore, #tpu.memory_space<semaphore_mem>>)
        %dma_wait3A_23 = arith.constant 0 : i32
        %dma_wait3A_24 = tpu.memref_slice %arg4[%add3A_13, %dma_wait3A_23] : memref<65536x256xf32, #tpu.memory_space<hbm>> -> memref<128x256xf32, #tpu.memory_space<hbm>>
        %dma_wait3A_25 = arith.constant 0 : i32
        %dma_wait3A_26 = tpu.memref_slice %arg4[%add3A_13, %dma_wait3A_25] : memref<65536x256xf32, #tpu.memory_space<hbm>> -> memref<128x256xf32, #tpu.memory_space<hbm>>
        tpu.wait_dma2 semaphore(%run_scoped3A : memref<!tpu.dma_semaphore, #tpu.memory_space<semaphore_mem>>) src(%arg6 : memref<128x256xf32, #tpu.memory_space<vmem>>) dst(%dma_wait3A_26 : memref<128x256xf32, #tpu.memory_space<hbm>>)
        tpu.yield
      }) : () -> ()
      %scan3A_18 = arith.constant 0 : i32
      scf.yield %scan3A_18 : i32
    }
    %scan3A_8 = arith.constant 16 : i32
    return
  }
}

#map = affine_map<(d0, d1) -> (0, 0)>
#map1 = affine_map<(d0, d1) -> (0)>
module attributes {stable_mosaic.version = 14 : i64} {
  func.func @_sc_gather_body(%arg0: i32, %arg1: i32, %arg2: memref<16384x256xf32, #tpu.memory_space<hbm>>, %arg3: memref<65536xi32, #tpu.memory_space<hbm>>, %arg4: memref<65536x256xf32, #tpu.memory_space<hbm>>, %arg5: memref<128xi32, #tpu.memory_space<vmem>>, %arg6: memref<128x256xf32, #tpu.memory_space<vmem>>, %arg7: memref<!tpu.dma_semaphore, #tpu.memory_space<semaphore_mem>>) attributes {dimension_semantics = [#tpu.dimension_semantics<core_parallel>, #tpu.dimension_semantics<subcore_parallel>], iteration_bounds = array<i64: 2, 16>, scalar_prefetch = 0 : i64, scratch_operands = 3 : i64, tpu.core_type = #tpu.core_type<sc_vector_subcore>, window_params = [{transform_indices = #map}, {transform_indices = #map1}, {transform_indices = #map}]} {
    %mul3A = arith.constant 2 : i32
    %mul3A_0 = arith.muli %arg1, %mul3A : i32
    %add3A = arith.addi %mul3A_0, %arg0 : i32
    %mul3A_1 = arith.constant 2048 : i32
    %mul3A_2 = arith.muli %add3A, %mul3A_1 : i32
    %scan3A = arith.constant 0 : i32
    %scan3A_3 = arith.constant 0 : i32
    %scan3A_4 = arith.constant 16 : i32
    %scan3A_5 = arith.addi %scan3A_3, %scan3A_4 : i32
    %scan3A_6 = arith.constant 1 : i32
    %scan3A_7 = scf.for %scan3A_9 = %scan3A_3 to %scan3A_5 step %scan3A_6 iter_args(%scan3A_10 = %scan3A) -> (i32)  : i32 {
      %mul3A_11 = arith.constant 128 : i32
      %mul3A_12 = arith.muli %scan3A_9, %mul3A_11 : i32
      %add3A_13 = arith.addi %mul3A_2, %mul3A_12 : i32
      "tpu.region"() ({
        %run_scoped3A = tpu.sem_alloc : memref<!tpu.dma_semaphore, #tpu.memory_space<semaphore_mem>>
        %dma_start3A_19 = tpu.memref_slice %arg3[%add3A_13] : memref<65536xi32, #tpu.memory_space<hbm>> -> memref<128xi32, #tpu.memory_space<hbm>>
        %dma_start3A_20 = tpu.memref_slice %arg3[%add3A_13] : memref<65536xi32, #tpu.memory_space<hbm>> -> memref<128xi32, #tpu.memory_space<hbm>>
        tpu.enqueue_dma source(%dma_start3A_20 : memref<128xi32, #tpu.memory_space<hbm>>) target(%arg5 : memref<128xi32, #tpu.memory_space<vmem>>) target_semaphore(%run_scoped3A : memref<!tpu.dma_semaphore, #tpu.memory_space<semaphore_mem>>)
        %dma_wait3A_21 = tpu.memref_slice %arg3[%add3A_13] : memref<65536xi32, #tpu.memory_space<hbm>> -> memref<128xi32, #tpu.memory_space<hbm>>
        %dma_wait3A_22 = tpu.memref_slice %arg3[%add3A_13] : memref<65536xi32, #tpu.memory_space<hbm>> -> memref<128xi32, #tpu.memory_space<hbm>>
        tpu.wait_dma2 semaphore(%run_scoped3A : memref<!tpu.dma_semaphore, #tpu.memory_space<semaphore_mem>>) src(%dma_wait3A_22 : memref<128xi32, #tpu.memory_space<hbm>>) dst(%arg5 : memref<128xi32, #tpu.memory_space<vmem>>)
        tpu.yield
      }) : () -> ()
      %dma_start3A = arith.constant 0 : i32
      %dma_start3A_14 = arith.constant 0 : i32
      %dma_start3A_15 = tpu.memref_slice %arg2[%dma_start3A, %dma_start3A_14] : memref<16384x256xf32, #tpu.memory_space<hbm>> -> memref<16384x256xf32, #tpu.memory_space<hbm>>
      tpu.enqueue_indirect_dma source(%dma_start3A_15 : memref<16384x256xf32, #tpu.memory_space<hbm>>) target(%arg6 : memref<128x256xf32, #tpu.memory_space<vmem>>) offsets(%arg5 : memref<128xi32, #tpu.memory_space<vmem>>) semaphore(%arg7 : memref<!tpu.dma_semaphore, #tpu.memory_space<semaphore_mem>>)
      %dma_wait3A = arith.constant 0 : i32
      %dma_wait3A_16 = arith.constant 0 : i32
      %dma_wait3A_17 = tpu.memref_slice %arg2[%dma_wait3A, %dma_wait3A_16] : memref<16384x256xf32, #tpu.memory_space<hbm>> -> memref<16384x256xf32, #tpu.memory_space<hbm>>
      tpu.wait_indirect_dma semaphore(%arg7 : memref<!tpu.dma_semaphore, #tpu.memory_space<semaphore_mem>>) src(%dma_wait3A_17 : memref<16384x256xf32, #tpu.memory_space<hbm>>) dst(%arg6 : memref<128x256xf32, #tpu.memory_space<vmem>>)
      "tpu.region"() ({
        %run_scoped3A = tpu.sem_alloc : memref<!tpu.dma_semaphore, #tpu.memory_space<semaphore_mem>>
        %dma_start3A_19 = arith.constant 0 : i32
        %dma_start3A_20 = tpu.memref_slice %arg4[%add3A_13, %dma_start3A_19] : memref<65536x256xf32, #tpu.memory_space<hbm>> -> memref<128x256xf32, #tpu.memory_space<hbm>>
        %dma_start3A_21 = arith.constant 0 : i32
        %dma_start3A_22 = tpu.memref_slice %arg4[%add3A_13, %dma_start3A_21] : memref<65536x256xf32, #tpu.memory_space<hbm>> -> memref<128x256xf32, #tpu.memory_space<hbm>>
        tpu.enqueue_dma source(%arg6 : memref<128x256xf32, #tpu.memory_space<vmem>>) target(%dma_start3A_22 : memref<128x256xf32, #tpu.memory_space<hbm>>) target_semaphore(%run_scoped3A : memref<!tpu.dma_semaphore, #tpu.memory_space<semaphore_mem>>)
        %dma_wait3A_23 = arith.constant 0 : i32
        %dma_wait3A_24 = tpu.memref_slice %arg4[%add3A_13, %dma_wait3A_23] : memref<65536x256xf32, #tpu.memory_space<hbm>> -> memref<128x256xf32, #tpu.memory_space<hbm>>
        %dma_wait3A_25 = arith.constant 0 : i32
        %dma_wait3A_26 = tpu.memref_slice %arg4[%add3A_13, %dma_wait3A_25] : memref<65536x256xf32, #tpu.memory_space<hbm>> -> memref<128x256xf32, #tpu.memory_space<hbm>>
        tpu.wait_dma2 semaphore(%run_scoped3A : memref<!tpu.dma_semaphore, #tpu.memory_space<semaphore_mem>>) src(%arg6 : memref<128x256xf32, #tpu.memory_space<vmem>>) dst(%dma_wait3A_26 : memref<128x256xf32, #tpu.memory_space<hbm>>)
        tpu.yield
      }) : () -> ()
      %scan3A_18 = arith.constant 0 : i32
      scf.yield %scan3A_18 : i32
    }
    %scan3A_8 = arith.constant 16 : i32
    return
  }
}

#map = affine_map<(d0, d1) -> (0, 0)>
#map1 = affine_map<(d0, d1) -> (0)>
module attributes {stable_mosaic.version = 14 : i64} {
  func.func @_sc_gather_body(%arg0: i32, %arg1: i32, %arg2: memref<16384x256xf32, #tpu.memory_space<hbm>>, %arg3: memref<65536xi32, #tpu.memory_space<hbm>>, %arg4: memref<65536x256xf32, #tpu.memory_space<hbm>>, %arg5: memref<128xi32, #tpu.memory_space<vmem>>, %arg6: memref<128x256xf32, #tpu.memory_space<vmem>>, %arg7: memref<!tpu.dma_semaphore, #tpu.memory_space<semaphore_mem>>) attributes {dimension_semantics = [#tpu.dimension_semantics<core_parallel>, #tpu.dimension_semantics<subcore_parallel>], iteration_bounds = array<i64: 2, 16>, scalar_prefetch = 0 : i64, scratch_operands = 3 : i64, tpu.core_type = #tpu.core_type<sc_vector_subcore>, window_params = [{transform_indices = #map}, {transform_indices = #map1}, {transform_indices = #map}]} {
    %mul3A = arith.constant 2 : i32
    %mul3A_0 = arith.muli %arg1, %mul3A : i32
    %add3A = arith.addi %mul3A_0, %arg0 : i32
    %mul3A_1 = arith.constant 2048 : i32
    %mul3A_2 = arith.muli %add3A, %mul3A_1 : i32
    %scan3A = arith.constant 0 : i32
    %scan3A_3 = arith.constant 0 : i32
    %scan3A_4 = arith.constant 16 : i32
    %scan3A_5 = arith.addi %scan3A_3, %scan3A_4 : i32
    %scan3A_6 = arith.constant 1 : i32
    %scan3A_7 = scf.for %scan3A_9 = %scan3A_3 to %scan3A_5 step %scan3A_6 iter_args(%scan3A_10 = %scan3A) -> (i32)  : i32 {
      %mul3A_11 = arith.constant 128 : i32
      %mul3A_12 = arith.muli %scan3A_9, %mul3A_11 : i32
      %add3A_13 = arith.addi %mul3A_2, %mul3A_12 : i32
      "tpu.region"() ({
        %run_scoped3A = tpu.sem_alloc : memref<!tpu.dma_semaphore, #tpu.memory_space<semaphore_mem>>
        %dma_start3A_19 = tpu.memref_slice %arg3[%add3A_13] : memref<65536xi32, #tpu.memory_space<hbm>> -> memref<128xi32, #tpu.memory_space<hbm>>
        %dma_start3A_20 = tpu.memref_slice %arg3[%add3A_13] : memref<65536xi32, #tpu.memory_space<hbm>> -> memref<128xi32, #tpu.memory_space<hbm>>
        tpu.enqueue_dma source(%dma_start3A_20 : memref<128xi32, #tpu.memory_space<hbm>>) target(%arg5 : memref<128xi32, #tpu.memory_space<vmem>>) target_semaphore(%run_scoped3A : memref<!tpu.dma_semaphore, #tpu.memory_space<semaphore_mem>>)
        %dma_wait3A_21 = tpu.memref_slice %arg3[%add3A_13] : memref<65536xi32, #tpu.memory_space<hbm>> -> memref<128xi32, #tpu.memory_space<hbm>>
        %dma_wait3A_22 = tpu.memref_slice %arg3[%add3A_13] : memref<65536xi32, #tpu.memory_space<hbm>> -> memref<128xi32, #tpu.memory_space<hbm>>
        tpu.wait_dma2 semaphore(%run_scoped3A : memref<!tpu.dma_semaphore, #tpu.memory_space<semaphore_mem>>) src(%dma_wait3A_22 : memref<128xi32, #tpu.memory_space<hbm>>) dst(%arg5 : memref<128xi32, #tpu.memory_space<vmem>>)
        tpu.yield
      }) : () -> ()
      %dma_start3A = arith.constant 0 : i32
      %dma_start3A_14 = arith.constant 0 : i32
      %dma_start3A_15 = tpu.memref_slice %arg2[%dma_start3A, %dma_start3A_14] : memref<16384x256xf32, #tpu.memory_space<hbm>> -> memref<16384x256xf32, #tpu.memory_space<hbm>>
      tpu.enqueue_indirect_dma source(%dma_start3A_15 : memref<16384x256xf32, #tpu.memory_space<hbm>>) target(%arg6 : memref<128x256xf32, #tpu.memory_space<vmem>>) offsets(%arg5 : memref<128xi32, #tpu.memory_space<vmem>>) semaphore(%arg7 : memref<!tpu.dma_semaphore, #tpu.memory_space<semaphore_mem>>)
      %dma_wait3A = arith.constant 0 : i32
      %dma_wait3A_16 = arith.constant 0 : i32
      %dma_wait3A_17 = tpu.memref_slice %arg2[%dma_wait3A, %dma_wait3A_16] : memref<16384x256xf32, #tpu.memory_space<hbm>> -> memref<16384x256xf32, #tpu.memory_space<hbm>>
      tpu.wait_indirect_dma semaphore(%arg7 : memref<!tpu.dma_semaphore, #tpu.memory_space<semaphore_mem>>) src(%dma_wait3A_17 : memref<16384x256xf32, #tpu.memory_space<hbm>>) dst(%arg6 : memref<128x256xf32, #tpu.memory_space<vmem>>)
      "tpu.region"() ({
        %run_scoped3A = tpu.sem_alloc : memref<!tpu.dma_semaphore, #tpu.memory_space<semaphore_mem>>
        %dma_start3A_19 = arith.constant 0 : i32
        %dma_start3A_20 = tpu.memref_slice %arg4[%add3A_13, %dma_start3A_19] : memref<65536x256xf32, #tpu.memory_space<hbm>> -> memref<128x256xf32, #tpu.memory_space<hbm>>
        %dma_start3A_21 = arith.constant 0 : i32
        %dma_start3A_22 = tpu.memref_slice %arg4[%add3A_13, %dma_start3A_21] : memref<65536x256xf32, #tpu.memory_space<hbm>> -> memref<128x256xf32, #tpu.memory_space<hbm>>
        tpu.enqueue_dma source(%arg6 : memref<128x256xf32, #tpu.memory_space<vmem>>) target(%dma_start3A_22 : memref<128x256xf32, #tpu.memory_space<hbm>>) target_semaphore(%run_scoped3A : memref<!tpu.dma_semaphore, #tpu.memory_space<semaphore_mem>>)
        %dma_wait3A_23 = arith.constant 0 : i32
        %dma_wait3A_24 = tpu.memref_slice %arg4[%add3A_13, %dma_wait3A_23] : memref<65536x256xf32, #tpu.memory_space<hbm>> -> memref<128x256xf32, #tpu.memory_space<hbm>>
        %dma_wait3A_25 = arith.constant 0 : i32
        %dma_wait3A_26 = tpu.memref_slice %arg4[%add3A_13, %dma_wait3A_25] : memref<65536x256xf32, #tpu.memory_space<hbm>> -> memref<128x256xf32, #tpu.memory_space<hbm>>
        tpu.wait_dma2 semaphore(%run_scoped3A : memref<!tpu.dma_semaphore, #tpu.memory_space<semaphore_mem>>) src(%arg6 : memref<128x256xf32, #tpu.memory_space<vmem>>) dst(%dma_wait3A_26 : memref<128x256xf32, #tpu.memory_space<hbm>>)
        tpu.yield
      }) : () -> ()
      %scan3A_18 = arith.constant 0 : i32
      scf.yield %scan3A_18 : i32
    }
    %scan3A_8 = arith.constant 16 : i32
    return
  }
}

#map = affine_map<(d0, d1) -> (0, 0)>
#map1 = affine_map<(d0, d1) -> (0)>
module attributes {stable_mosaic.version = 14 : i64} {
  func.func @_sc_gather_body(%arg0: i32, %arg1: i32, %arg2: memref<16384x256xf32, #tpu.memory_space<hbm>>, %arg3: memref<65536xi32, #tpu.memory_space<hbm>>, %arg4: memref<65536x256xf32, #tpu.memory_space<hbm>>, %arg5: memref<128xi32, #tpu.memory_space<vmem>>, %arg6: memref<128x256xf32, #tpu.memory_space<vmem>>, %arg7: memref<!tpu.dma_semaphore, #tpu.memory_space<semaphore_mem>>) attributes {dimension_semantics = [#tpu.dimension_semantics<core_parallel>, #tpu.dimension_semantics<subcore_parallel>], iteration_bounds = array<i64: 2, 16>, scalar_prefetch = 0 : i64, scratch_operands = 3 : i64, tpu.core_type = #tpu.core_type<sc_vector_subcore>, window_params = [{transform_indices = #map}, {transform_indices = #map1}, {transform_indices = #map}]} {
    %mul3A = arith.constant 2 : i32
    %mul3A_0 = arith.muli %arg1, %mul3A : i32
    %add3A = arith.addi %mul3A_0, %arg0 : i32
    %mul3A_1 = arith.constant 2048 : i32
    %mul3A_2 = arith.muli %add3A, %mul3A_1 : i32
    %scan3A = arith.constant 0 : i32
    %scan3A_3 = arith.constant 0 : i32
    %scan3A_4 = arith.constant 16 : i32
    %scan3A_5 = arith.addi %scan3A_3, %scan3A_4 : i32
    %scan3A_6 = arith.constant 1 : i32
    %scan3A_7 = scf.for %scan3A_9 = %scan3A_3 to %scan3A_5 step %scan3A_6 iter_args(%scan3A_10 = %scan3A) -> (i32)  : i32 {
      %mul3A_11 = arith.constant 128 : i32
      %mul3A_12 = arith.muli %scan3A_9, %mul3A_11 : i32
      %add3A_13 = arith.addi %mul3A_2, %mul3A_12 : i32
      "tpu.region"() ({
        %run_scoped3A = tpu.sem_alloc : memref<!tpu.dma_semaphore, #tpu.memory_space<semaphore_mem>>
        %dma_start3A_19 = tpu.memref_slice %arg3[%add3A_13] : memref<65536xi32, #tpu.memory_space<hbm>> -> memref<128xi32, #tpu.memory_space<hbm>>
        %dma_start3A_20 = tpu.memref_slice %arg3[%add3A_13] : memref<65536xi32, #tpu.memory_space<hbm>> -> memref<128xi32, #tpu.memory_space<hbm>>
        tpu.enqueue_dma source(%dma_start3A_20 : memref<128xi32, #tpu.memory_space<hbm>>) target(%arg5 : memref<128xi32, #tpu.memory_space<vmem>>) target_semaphore(%run_scoped3A : memref<!tpu.dma_semaphore, #tpu.memory_space<semaphore_mem>>)
        %dma_wait3A_21 = tpu.memref_slice %arg3[%add3A_13] : memref<65536xi32, #tpu.memory_space<hbm>> -> memref<128xi32, #tpu.memory_space<hbm>>
        %dma_wait3A_22 = tpu.memref_slice %arg3[%add3A_13] : memref<65536xi32, #tpu.memory_space<hbm>> -> memref<128xi32, #tpu.memory_space<hbm>>
        tpu.wait_dma2 semaphore(%run_scoped3A : memref<!tpu.dma_semaphore, #tpu.memory_space<semaphore_mem>>) src(%dma_wait3A_22 : memref<128xi32, #tpu.memory_space<hbm>>) dst(%arg5 : memref<128xi32, #tpu.memory_space<vmem>>)
        tpu.yield
      }) : () -> ()
      %dma_start3A = arith.constant 0 : i32
      %dma_start3A_14 = arith.constant 0 : i32
      %dma_start3A_15 = tpu.memref_slice %arg2[%dma_start3A, %dma_start3A_14] : memref<16384x256xf32, #tpu.memory_space<hbm>> -> memref<16384x256xf32, #tpu.memory_space<hbm>>
      tpu.enqueue_indirect_dma source(%dma_start3A_15 : memref<16384x256xf32, #tpu.memory_space<hbm>>) target(%arg6 : memref<128x256xf32, #tpu.memory_space<vmem>>) offsets(%arg5 : memref<128xi32, #tpu.memory_space<vmem>>) semaphore(%arg7 : memref<!tpu.dma_semaphore, #tpu.memory_space<semaphore_mem>>)
      %dma_wait3A = arith.constant 0 : i32
      %dma_wait3A_16 = arith.constant 0 : i32
      %dma_wait3A_17 = tpu.memref_slice %arg2[%dma_wait3A, %dma_wait3A_16] : memref<16384x256xf32, #tpu.memory_space<hbm>> -> memref<16384x256xf32, #tpu.memory_space<hbm>>
      tpu.wait_indirect_dma semaphore(%arg7 : memref<!tpu.dma_semaphore, #tpu.memory_space<semaphore_mem>>) src(%dma_wait3A_17 : memref<16384x256xf32, #tpu.memory_space<hbm>>) dst(%arg6 : memref<128x256xf32, #tpu.memory_space<vmem>>)
      "tpu.region"() ({
        %run_scoped3A = tpu.sem_alloc : memref<!tpu.dma_semaphore, #tpu.memory_space<semaphore_mem>>
        %dma_start3A_19 = arith.constant 0 : i32
        %dma_start3A_20 = tpu.memref_slice %arg4[%add3A_13, %dma_start3A_19] : memref<65536x256xf32, #tpu.memory_space<hbm>> -> memref<128x256xf32, #tpu.memory_space<hbm>>
        %dma_start3A_21 = arith.constant 0 : i32
        %dma_start3A_22 = tpu.memref_slice %arg4[%add3A_13, %dma_start3A_21] : memref<65536x256xf32, #tpu.memory_space<hbm>> -> memref<128x256xf32, #tpu.memory_space<hbm>>
        tpu.enqueue_dma source(%arg6 : memref<128x256xf32, #tpu.memory_space<vmem>>) target(%dma_start3A_22 : memref<128x256xf32, #tpu.memory_space<hbm>>) target_semaphore(%run_scoped3A : memref<!tpu.dma_semaphore, #tpu.memory_space<semaphore_mem>>)
        %dma_wait3A_23 = arith.constant 0 : i32
        %dma_wait3A_24 = tpu.memref_slice %arg4[%add3A_13, %dma_wait3A_23] : memref<65536x256xf32, #tpu.memory_space<hbm>> -> memref<128x256xf32, #tpu.memory_space<hbm>>
        %dma_wait3A_25 = arith.constant 0 : i32
        %dma_wait3A_26 = tpu.memref_slice %arg4[%add3A_13, %dma_wait3A_25] : memref<65536x256xf32, #tpu.memory_space<hbm>> -> memref<128x256xf32, #tpu.memory_space<hbm>>
        tpu.wait_dma2 semaphore(%run_scoped3A : memref<!tpu.dma_semaphore, #tpu.memory_space<semaphore_mem>>) src(%arg6 : memref<128x256xf32, #tpu.memory_space<vmem>>) dst(%dma_wait3A_26 : memref<128x256xf32, #tpu.memory_space<hbm>>)
        tpu.yield
      }) : () -> ()
      %scan3A_18 = arith.constant 0 : i32
      scf.yield %scan3A_18 : i32
    }
    %scan3A_8 = arith.constant 16 : i32
    return
  }
}

module attributes {stable_mosaic.version = 14 : i64} {
  func.func @_k1_body(%arg0: i32, %arg1: i32, %arg2: memref<1x512x8xf32, #tpu.memory_space<vmem>>, %arg3: memref<1x8x2048xf32, #tpu.memory_space<vmem>>, %arg4: memref<1x512x16xi32, #tpu.memory_space<vmem>>) attributes {dimension_semantics = [#tpu.dimension_semantics<arbitrary>, #tpu.dimension_semantics<arbitrary>], iteration_bounds = array<i64: 2, 4>, scalar_prefetch = 0 : i64, scratch_operands = 0 : i64, tpu.core_type = #tpu.core_type<tc>, window_params = [{transform_indices = @transform_0, window_bounds = array<i64: 1, 512, 8>}, {transform_indices = @transform_1, window_bounds = array<i64: 1, 8, 2048>}, {transform_indices = @transform_2, window_bounds = array<i64: 1, 512, 16>}]} {
    %get3A = arith.constant 0 : index
    %get3A_0 = arith.constant 0 : index
    %get3A_1 = arith.constant 0 : index
    %get3A_2 = vector.load %arg2[%get3A, %get3A_0, %get3A_1] : memref<1x512x8xf32, #tpu.memory_space<vmem>>, vector<1x512x8xf32>
    %get3A_3 = vector.shape_cast %get3A_2 : vector<1x512x8xf32> to vector<512x8xf32>
    %get3A_4 = arith.constant 0 : index
    %get3A_5 = arith.constant 0 : index
    %get3A_6 = arith.constant 0 : index
    %get3A_7 = vector.load %arg3[%get3A_4, %get3A_5, %get3A_6] : memref<1x8x2048xf32, #tpu.memory_space<vmem>>, vector<1x8x2048xf32>
    %get3A_8 = vector.shape_cast %get3A_7 : vector<1x8x2048xf32> to vector<8x2048xf32>
    %dot_general3A = arith.constant dense<0.000000e+00> : vector<512x2048xf32>
    %dot_general3A_9 = tpu.matmul %get3A_3, %get3A_8, %dot_general3A {dimension_numbers = #tpu.dot_dimension_numbers<[1], [0], [0], [1], [0, 0, 1, 1], [], []>, precision = #tpu.contract_precision<fp32>, transpose_lhs_hint = false} : vector<512x8xf32>, vector<8x2048xf32>, vector<512x2048xf32> -> vector<512x2048xf32>
    %mul3A = arith.constant -2.000000e+00 : f32
    %mul3A_10 = vector.broadcast %mul3A : f32 to vector<512x2048xf32>
    %mul3A_11 = arith.mulf %mul3A_10, %dot_general3A_9 : vector<512x2048xf32>
    %mul3A_12 = arith.mulf %get3A_3, %get3A_3 : vector<512x8xf32>
    %reduce_sum3A = arith.constant dense<0.000000e+00> : vector<512xf32>
    %reduce_sum3A_13 = vector.multi_reduction <add>, %mul3A_12, %reduce_sum3A [1] : vector<512x8xf32> to vector<512xf32>
    %broadcast_in_dim3A = vector.shape_cast %reduce_sum3A_13 : vector<512xf32> to vector<512x1xf32>
    %add3A = vector.broadcast %broadcast_in_dim3A : vector<512x1xf32> to vector<512x2048xf32>
    %add3A_14 = arith.addf %mul3A_11, %add3A : vector<512x2048xf32>
    %mul3A_15 = arith.mulf %get3A_8, %get3A_8 : vector<8x2048xf32>
    %reduce_sum3A_16 = arith.constant dense<0.000000e+00> : vector<2048xf32>
    %reduce_sum3A_17 = vector.multi_reduction <add>, %mul3A_15, %reduce_sum3A_16 [0] : vector<8x2048xf32> to vector<2048xf32>
    %broadcast_in_dim3A_18 = vector.shape_cast %reduce_sum3A_17 : vector<2048xf32> to vector<1x2048xf32>
    %add3A_19 = vector.broadcast %broadcast_in_dim3A_18 : vector<1x2048xf32> to vector<512x2048xf32>
    %add3A_20 = arith.addf %add3A_14, %add3A_19 : vector<512x2048xf32>
    %bitcast_convert_type3A = tpu.bitcast %add3A_20 : vector<512x2048xf32> -> vector<512x2048xi32>
    %ge3A = arith.constant 0 : i32
    %ge3A_21 = vector.broadcast %ge3A : i32 to vector<512x2048xi32>
    %ge3A_22 = arith.cmpi sge, %bitcast_convert_type3A, %ge3A_21 : vector<512x2048xi32>
    %xor3A = arith.constant 2147483647 : i32
    %xor3A_23 = vector.broadcast %xor3A : i32 to vector<512x2048xi32>
    %xor3A_24 = arith.xori %bitcast_convert_type3A, %xor3A_23 : vector<512x2048xi32>
    %select_n3A = arith.select %ge3A_22, %bitcast_convert_type3A, %xor3A_24 : vector<512x2048xi1>, vector<512x2048xi32>
    %iota3A = tpu.iota {dimensions = array<i32: 1>} : vector<512x2048xi32>
    %and3A = arith.constant -2048 : i32
    %and3A_25 = vector.broadcast %and3A : i32 to vector<512x2048xi32>
    %and3A_26 = arith.andi %select_n3A, %and3A_25 : vector<512x2048xi32>
    %or3A = arith.ori %and3A_26, %iota3A : vector<512x2048xi32>
    %reduce_min3A = arith.constant dense<2147483647> : vector<512xi32>
    %reduce_min3A_27 = vector.multi_reduction <minsi>, %or3A, %reduce_min3A [1] : vector<512x2048xi32> to vector<512xi32>
    %broadcast_in_dim3A_28 = vector.shape_cast %reduce_min3A_27 : vector<512xi32> to vector<512x1xi32>
    %and3A_29 = arith.constant 2047 : i32
    %and3A_30 = vector.broadcast %and3A_29 : i32 to vector<512x1xi32>
    %and3A_31 = arith.andi %broadcast_in_dim3A_28, %and3A_30 : vector<512x1xi32>
    %sub3A = arith.constant -2147483648 : i32
    %sub3A_32 = vector.broadcast %sub3A : i32 to vector<512x1xi32>
    %sub3A_33 = arith.subi %sub3A_32, %broadcast_in_dim3A_28 : vector<512x1xi32>
    %sub3A_34 = arith.constant 1 : i32
    %sub3A_35 = vector.broadcast %sub3A_34 : i32 to vector<512x1xi32>
    %sub3A_36 = arith.subi %sub3A_33, %sub3A_35 : vector<512x1xi32>
    %add3A_37 = vector.broadcast %sub3A_36 : vector<512x1xi32> to vector<512x2048xi32>
    %add3A_38 = arith.addi %or3A, %add3A_37 : vector<512x2048xi32>
    %reduce_min3A_39 = arith.constant dense<2147483647> : vector<512xi32>
    %reduce_min3A_40 = vector.multi_reduction <minsi>, %add3A_38, %reduce_min3A_39 [1] : vector<512x2048xi32> to vector<512xi32>
    %broadcast_in_dim3A_41 = vector.shape_cast %reduce_min3A_40 : vector<512xi32> to vector<512x1xi32>
    %sub3A_42 = arith.subi %broadcast_in_dim3A_41, %sub3A_36 : vector<512x1xi32>
    %and3A_43 = arith.constant 2047 : i32
    %and3A_44 = vector.broadcast %and3A_43 : i32 to vector<512x1xi32>
    %and3A_45 = arith.andi %sub3A_42, %and3A_44 : vector<512x1xi32>
    %sub3A_46 = arith.constant -2147483648 : i32
    %sub3A_47 = vector.broadcast %sub3A_46 : i32 to vector<512x1xi32>
    %sub3A_48 = arith.subi %sub3A_47, %sub3A_42 : vector<512x1xi32>
    %sub3A_49 = arith.constant 1 : i32
    %sub3A_50 = vector.broadcast %sub3A_49 : i32 to vector<512x1xi32>
    %sub3A_51 = arith.subi %sub3A_48, %sub3A_50 : vector<512x1xi32>
    %add3A_52 = vector.broadcast %sub3A_51 : vector<512x1xi32> to vector<512x2048xi32>
    %add3A_53 = arith.addi %or3A, %add3A_52 : vector<512x2048xi32>
    %reduce_min3A_54 = arith.constant dense<2147483647> : vector<512xi32>
    %reduce_min3A_55 = vector.multi_reduction <minsi>, %add3A_53, %reduce_min3A_54 [1] : vector<512x2048xi32> to vector<512xi32>
    %broadcast_in_dim3A_56 = vector.shape_cast %reduce_min3A_55 : vector<512xi32> to vector<512x1xi32>
    %sub3A_57 = arith.subi %broadcast_in_dim3A_56, %sub3A_51 : vector<512x1xi32>
    %and3A_58 = arith.constant 2047 : i32
    %and3A_59 = vector.broadcast %and3A_58 : i32 to vector<512x1xi32>
    %and3A_60 = arith.andi %sub3A_57, %and3A_59 : vector<512x1xi32>
    %sub3A_61 = arith.constant -2147483648 : i32
    %sub3A_62 = vector.broadcast %sub3A_61 : i32 to vector<512x1xi32>
    %sub3A_63 = arith.subi %sub3A_62, %sub3A_57 : vector<512x1xi32>
    %sub3A_64 = arith.constant 1 : i32
    %sub3A_65 = vector.broadcast %sub3A_64 : i32 to vector<512x1xi32>
    %sub3A_66 = arith.subi %sub3A_63, %sub3A_65 : vector<512x1xi32>
    %add3A_67 = vector.broadcast %sub3A_66 : vector<512x1xi32> to vector<512x2048xi32>
    %add3A_68 = arith.addi %or3A, %add3A_67 : vector<512x2048xi32>
    %reduce_min3A_69 = arith.constant dense<2147483647> : vector<512xi32>
    %reduce_min3A_70 = vector.multi_reduction <minsi>, %add3A_68, %reduce_min3A_69 [1] : vector<512x2048xi32> to vector<512xi32>
    %broadcast_in_dim3A_71 = vector.shape_cast %reduce_min3A_70 : vector<512xi32> to vector<512x1xi32>
    %sub3A_72 = arith.subi %broadcast_in_dim3A_71, %sub3A_66 : vector<512x1xi32>
    %and3A_73 = arith.constant 2047 : i32
    %and3A_74 = vector.broadcast %and3A_73 : i32 to vector<512x1xi32>
    %and3A_75 = arith.andi %sub3A_72, %and3A_74 : vector<512x1xi32>
    %sub3A_76 = arith.constant -2147483648 : i32
    %sub3A_77 = vector.broadcast %sub3A_76 : i32 to vector<512x1xi32>
    %sub3A_78 = arith.subi %sub3A_77, %sub3A_72 : vector<512x1xi32>
    %sub3A_79 = arith.constant 1 : i32
    %sub3A_80 = vector.broadcast %sub3A_79 : i32 to vector<512x1xi32>
    %sub3A_81 = arith.subi %sub3A_78, %sub3A_80 : vector<512x1xi32>
    %add3A_82 = vector.broadcast %sub3A_81 : vector<512x1xi32> to vector<512x2048xi32>
    %add3A_83 = arith.addi %or3A, %add3A_82 : vector<512x2048xi32>
    %reduce_min3A_84 = arith.constant dense<2147483647> : vector<512xi32>
    %reduce_min3A_85 = vector.multi_reduction <minsi>, %add3A_83, %reduce_min3A_84 [1] : vector<512x2048xi32> to vector<512xi32>
    %broadcast_in_dim3A_86 = vector.shape_cast %reduce_min3A_85 : vector<512xi32> to vector<512x1xi32>
    %sub3A_87 = arith.subi %broadcast_in_dim3A_86, %sub3A_81 : vector<512x1xi32>
    %and3A_88 = arith.constant 2047 : i32
    %and3A_89 = vector.broadcast %and3A_88 : i32 to vector<512x1xi32>
    %and3A_90 = arith.andi %sub3A_87, %and3A_89 : vector<512x1xi32>
    %sub3A_91 = arith.constant -2147483648 : i32
    %sub3A_92 = vector.broadcast %sub3A_91 : i32 to vector<512x1xi32>
    %sub3A_93 = arith.subi %sub3A_92, %sub3A_87 : vector<512x1xi32>
    %sub3A_94 = arith.constant 1 : i32
    %sub3A_95 = vector.broadcast %sub3A_94 : i32 to vector<512x1xi32>
    %sub3A_96 = arith.subi %sub3A_93, %sub3A_95 : vector<512x1xi32>
    %add3A_97 = vector.broadcast %sub3A_96 : vector<512x1xi32> to vector<512x2048xi32>
    %add3A_98 = arith.addi %or3A, %add3A_97 : vector<512x2048xi32>
    %reduce_min3A_99 = arith.constant dense<2147483647> : vector<512xi32>
    %reduce_min3A_100 = vector.multi_reduction <minsi>, %add3A_98, %reduce_min3A_99 [1] : vector<512x2048xi32> to vector<512xi32>
    %broadcast_in_dim3A_101 = vector.shape_cast %reduce_min3A_100 : vector<512xi32> to vector<512x1xi32>
    %sub3A_102 = arith.subi %broadcast_in_dim3A_101, %sub3A_96 : vector<512x1xi32>
    %and3A_103 = arith.constant 2047 : i32
    %and3A_104 = vector.broadcast %and3A_103 : i32 to vector<512x1xi32>
    %and3A_105 = arith.andi %sub3A_102, %and3A_104 : vector<512x1xi32>
    %sub3A_106 = arith.constant -2147483648 : i32
    %sub3A_107 = vector.broadcast %sub3A_106 : i32 to vector<512x1xi32>
    %sub3A_108 = arith.subi %sub3A_107, %sub3A_102 : vector<512x1xi32>
    %sub3A_109 = arith.constant 1 : i32
    %sub3A_110 = vector.broadcast %sub3A_109 : i32 to vector<512x1xi32>
    %sub3A_111 = arith.subi %sub3A_108, %sub3A_110 : vector<512x1xi32>
    %add3A_112 = vector.broadcast %sub3A_111 : vector<512x1xi32> to vector<512x2048xi32>
    %add3A_113 = arith.addi %or3A, %add3A_112 : vector<512x2048xi32>
    %reduce_min3A_114 = arith.constant dense<2147483647> : vector<512xi32>
    %reduce_min3A_115 = vector.multi_reduction <minsi>, %add3A_113, %reduce_min3A_114 [1] : vector<512x2048xi32> to vector<512xi32>
    %broadcast_in_dim3A_116 = vector.shape_cast %reduce_min3A_115 : vector<512xi32> to vector<512x1xi32>
    %sub3A_117 = arith.subi %broadcast_in_dim3A_116, %sub3A_111 : vector<512x1xi32>
    %and3A_118 = arith.constant 2047 : i32
    %and3A_119 = vector.broadcast %and3A_118 : i32 to vector<512x1xi32>
    %and3A_120 = arith.andi %sub3A_117, %and3A_119 : vector<512x1xi32>
    %sub3A_121 = arith.constant -2147483648 : i32
    %sub3A_122 = vector.broadcast %sub3A_121 : i32 to vector<512x1xi32>
    %sub3A_123 = arith.subi %sub3A_122, %sub3A_117 : vector<512x1xi32>
    %sub3A_124 = arith.constant 1 : i32
    %sub3A_125 = vector.broadcast %sub3A_124 : i32 to vector<512x1xi32>
    %sub3A_126 = arith.subi %sub3A_123, %sub3A_125 : vector<512x1xi32>
    %add3A_127 = vector.broadcast %sub3A_126 : vector<512x1xi32> to vector<512x2048xi32>
    %add3A_128 = arith.addi %or3A, %add3A_127 : vector<512x2048xi32>
    %reduce_min3A_129 = arith.constant dense<2147483647> : vector<512xi32>
    %reduce_min3A_130 = vector.multi_reduction <minsi>, %add3A_128, %reduce_min3A_129 [1] : vector<512x2048xi32> to vector<512xi32>
    %broadcast_in_dim3A_131 = vector.shape_cast %reduce_min3A_130 : vector<512xi32> to vector<512x1xi32>
    %sub3A_132 = arith.subi %broadcast_in_dim3A_131, %sub3A_126 : vector<512x1xi32>
    %and3A_133 = arith.constant 2047 : i32
    %and3A_134 = vector.broadcast %and3A_133 : i32 to vector<512x1xi32>
    %and3A_135 = arith.andi %sub3A_132, %and3A_134 : vector<512x1xi32>
    %sub3A_136 = arith.constant -2147483648 : i32
    %sub3A_137 = vector.broadcast %sub3A_136 : i32 to vector<512x1xi32>
    %sub3A_138 = arith.subi %sub3A_137, %sub3A_132 : vector<512x1xi32>
    %sub3A_139 = arith.constant 1 : i32
    %sub3A_140 = vector.broadcast %sub3A_139 : i32 to vector<512x1xi32>
    %sub3A_141 = arith.subi %sub3A_138, %sub3A_140 : vector<512x1xi32>
    %add3A_142 = vector.broadcast %sub3A_141 : vector<512x1xi32> to vector<512x2048xi32>
    %add3A_143 = arith.addi %or3A, %add3A_142 : vector<512x2048xi32>
    %reduce_min3A_144 = arith.constant dense<2147483647> : vector<512xi32>
    %reduce_min3A_145 = vector.multi_reduction <minsi>, %add3A_143, %reduce_min3A_144 [1] : vector<512x2048xi32> to vector<512xi32>
    %broadcast_in_dim3A_146 = vector.shape_cast %reduce_min3A_145 : vector<512xi32> to vector<512x1xi32>
    %sub3A_147 = arith.subi %broadcast_in_dim3A_146, %sub3A_141 : vector<512x1xi32>
    %and3A_148 = arith.constant 2047 : i32
    %and3A_149 = vector.broadcast %and3A_148 : i32 to vector<512x1xi32>
    %and3A_150 = arith.andi %sub3A_147, %and3A_149 : vector<512x1xi32>
    %sub3A_151 = arith.constant -2147483648 : i32
    %sub3A_152 = vector.broadcast %sub3A_151 : i32 to vector<512x1xi32>
    %sub3A_153 = arith.subi %sub3A_152, %sub3A_147 : vector<512x1xi32>
    %sub3A_154 = arith.constant 1 : i32
    %sub3A_155 = vector.broadcast %sub3A_154 : i32 to vector<512x1xi32>
    %sub3A_156 = arith.subi %sub3A_153, %sub3A_155 : vector<512x1xi32>
    %add3A_157 = vector.broadcast %sub3A_156 : vector<512x1xi32> to vector<512x2048xi32>
    %add3A_158 = arith.addi %or3A, %add3A_157 : vector<512x2048xi32>
    %reduce_min3A_159 = arith.constant dense<2147483647> : vector<512xi32>
    %reduce_min3A_160 = vector.multi_reduction <minsi>, %add3A_158, %reduce_min3A_159 [1] : vector<512x2048xi32> to vector<512xi32>
    %broadcast_in_dim3A_161 = vector.shape_cast %reduce_min3A_160 : vector<512xi32> to vector<512x1xi32>
    %sub3A_162 = arith.subi %broadcast_in_dim3A_161, %sub3A_156 : vector<512x1xi32>
    %and3A_163 = arith.constant 2047 : i32
    %and3A_164 = vector.broadcast %and3A_163 : i32 to vector<512x1xi32>
    %and3A_165 = arith.andi %sub3A_162, %and3A_164 : vector<512x1xi32>
    %sub3A_166 = arith.constant -2147483648 : i32
    %sub3A_167 = vector.broadcast %sub3A_166 : i32 to vector<512x1xi32>
    %sub3A_168 = arith.subi %sub3A_167, %sub3A_162 : vector<512x1xi32>
    %sub3A_169 = arith.constant 1 : i32
    %sub3A_170 = vector.broadcast %sub3A_169 : i32 to vector<512x1xi32>
    %sub3A_171 = arith.subi %sub3A_168, %sub3A_170 : vector<512x1xi32>
    %add3A_172 = vector.broadcast %sub3A_171 : vector<512x1xi32> to vector<512x2048xi32>
    %add3A_173 = arith.addi %or3A, %add3A_172 : vector<512x2048xi32>
    %reduce_min3A_174 = arith.constant dense<2147483647> : vector<512xi32>
    %reduce_min3A_175 = vector.multi_reduction <minsi>, %add3A_173, %reduce_min3A_174 [1] : vector<512x2048xi32> to vector<512xi32>
    %broadcast_in_dim3A_176 = vector.shape_cast %reduce_min3A_175 : vector<512xi32> to vector<512x1xi32>
    %sub3A_177 = arith.subi %broadcast_in_dim3A_176, %sub3A_171 : vector<512x1xi32>
    %and3A_178 = arith.constant 2047 : i32
    %and3A_179 = vector.broadcast %and3A_178 : i32 to vector<512x1xi32>
    %and3A_180 = arith.andi %sub3A_177, %and3A_179 : vector<512x1xi32>
    %sub3A_181 = arith.constant -2147483648 : i32
    %sub3A_182 = vector.broadcast %sub3A_181 : i32 to vector<512x1xi32>
    %sub3A_183 = arith.subi %sub3A_182, %sub3A_177 : vector<512x1xi32>
    %sub3A_184 = arith.constant 1 : i32
    %sub3A_185 = vector.broadcast %sub3A_184 : i32 to vector<512x1xi32>
    %sub3A_186 = arith.subi %sub3A_183, %sub3A_185 : vector<512x1xi32>
    %add3A_187 = vector.broadcast %sub3A_186 : vector<512x1xi32> to vector<512x2048xi32>
    %add3A_188 = arith.addi %or3A, %add3A_187 : vector<512x2048xi32>
    %reduce_min3A_189 = arith.constant dense<2147483647> : vector<512xi32>
    %reduce_min3A_190 = vector.multi_reduction <minsi>, %add3A_188, %reduce_min3A_189 [1] : vector<512x2048xi32> to vector<512xi32>
    %broadcast_in_dim3A_191 = vector.shape_cast %reduce_min3A_190 : vector<512xi32> to vector<512x1xi32>
    %sub3A_192 = arith.subi %broadcast_in_dim3A_191, %sub3A_186 : vector<512x1xi32>
    %and3A_193 = arith.constant 2047 : i32
    %and3A_194 = vector.broadcast %and3A_193 : i32 to vector<512x1xi32>
    %and3A_195 = arith.andi %sub3A_192, %and3A_194 : vector<512x1xi32>
    %sub3A_196 = arith.constant -2147483648 : i32
    %sub3A_197 = vector.broadcast %sub3A_196 : i32 to vector<512x1xi32>
    %sub3A_198 = arith.subi %sub3A_197, %sub3A_192 : vector<512x1xi32>
    %sub3A_199 = arith.constant 1 : i32
    %sub3A_200 = vector.broadcast %sub3A_199 : i32 to vector<512x1xi32>
    %sub3A_201 = arith.subi %sub3A_198, %sub3A_200 : vector<512x1xi32>
    %add3A_202 = vector.broadcast %sub3A_201 : vector<512x1xi32> to vector<512x2048xi32>
    %add3A_203 = arith.addi %or3A, %add3A_202 : vector<512x2048xi32>
    %reduce_min3A_204 = arith.constant dense<2147483647> : vector<512xi32>
    %reduce_min3A_205 = vector.multi_reduction <minsi>, %add3A_203, %reduce_min3A_204 [1] : vector<512x2048xi32> to vector<512xi32>
    %broadcast_in_dim3A_206 = vector.shape_cast %reduce_min3A_205 : vector<512xi32> to vector<512x1xi32>
    %sub3A_207 = arith.subi %broadcast_in_dim3A_206, %sub3A_201 : vector<512x1xi32>
    %and3A_208 = arith.constant 2047 : i32
    %and3A_209 = vector.broadcast %and3A_208 : i32 to vector<512x1xi32>
    %and3A_210 = arith.andi %sub3A_207, %and3A_209 : vector<512x1xi32>
    %sub3A_211 = arith.constant -2147483648 : i32
    %sub3A_212 = vector.broadcast %sub3A_211 : i32 to vector<512x1xi32>
    %sub3A_213 = arith.subi %sub3A_212, %sub3A_207 : vector<512x1xi32>
    %sub3A_214 = arith.constant 1 : i32
    %sub3A_215 = vector.broadcast %sub3A_214 : i32 to vector<512x1xi32>
    %sub3A_216 = arith.subi %sub3A_213, %sub3A_215 : vector<512x1xi32>
    %add3A_217 = vector.broadcast %sub3A_216 : vector<512x1xi32> to vector<512x2048xi32>
    %add3A_218 = arith.addi %or3A, %add3A_217 : vector<512x2048xi32>
    %reduce_min3A_219 = arith.constant dense<2147483647> : vector<512xi32>
    %reduce_min3A_220 = vector.multi_reduction <minsi>, %add3A_218, %reduce_min3A_219 [1] : vector<512x2048xi32> to vector<512xi32>
    %broadcast_in_dim3A_221 = vector.shape_cast %reduce_min3A_220 : vector<512xi32> to vector<512x1xi32>
    %sub3A_222 = arith.subi %broadcast_in_dim3A_221, %sub3A_216 : vector<512x1xi32>
    %and3A_223 = arith.constant 2047 : i32
    %and3A_224 = vector.broadcast %and3A_223 : i32 to vector<512x1xi32>
    %and3A_225 = arith.andi %sub3A_222, %and3A_224 : vector<512x1xi32>
    %sub3A_226 = arith.constant -2147483648 : i32
    %sub3A_227 = vector.broadcast %sub3A_226 : i32 to vector<512x1xi32>
    %sub3A_228 = arith.subi %sub3A_227, %sub3A_222 : vector<512x1xi32>
    %sub3A_229 = arith.constant 1 : i32
    %sub3A_230 = vector.broadcast %sub3A_229 : i32 to vector<512x1xi32>
    %sub3A_231 = arith.subi %sub3A_228, %sub3A_230 : vector<512x1xi32>
    %add3A_232 = vector.broadcast %sub3A_231 : vector<512x1xi32> to vector<512x2048xi32>
    %add3A_233 = arith.addi %or3A, %add3A_232 : vector<512x2048xi32>
    %reduce_min3A_234 = arith.constant dense<2147483647> : vector<512xi32>
    %reduce_min3A_235 = vector.multi_reduction <minsi>, %add3A_233, %reduce_min3A_234 [1] : vector<512x2048xi32> to vector<512xi32>
    %broadcast_in_dim3A_236 = vector.shape_cast %reduce_min3A_235 : vector<512xi32> to vector<512x1xi32>
    %sub3A_237 = arith.subi %broadcast_in_dim3A_236, %sub3A_231 : vector<512x1xi32>
    %and3A_238 = arith.constant 2047 : i32
    %and3A_239 = vector.broadcast %and3A_238 : i32 to vector<512x1xi32>
    %and3A_240 = arith.andi %sub3A_237, %and3A_239 : vector<512x1xi32>
    %sub3A_241 = arith.constant -2147483648 : i32
    %sub3A_242 = vector.broadcast %sub3A_241 : i32 to vector<512x1xi32>
    %sub3A_243 = arith.subi %sub3A_242, %sub3A_237 : vector<512x1xi32>
    %sub3A_244 = arith.constant 1 : i32
    %sub3A_245 = vector.broadcast %sub3A_244 : i32 to vector<512x1xi32>
    %sub3A_246 = arith.subi %sub3A_243, %sub3A_245 : vector<512x1xi32>
    %add3A_247 = vector.broadcast %sub3A_246 : vector<512x1xi32> to vector<512x2048xi32>
    %add3A_248 = arith.addi %or3A, %add3A_247 : vector<512x2048xi32>
    %reduce_min3A_249 = arith.constant dense<2147483647> : vector<512xi32>
    %reduce_min3A_250 = vector.multi_reduction <minsi>, %add3A_248, %reduce_min3A_249 [1] : vector<512x2048xi32> to vector<512xi32>
    %broadcast_in_dim3A_251 = vector.shape_cast %reduce_min3A_250 : vector<512xi32> to vector<512x1xi32>
    %sub3A_252 = arith.subi %broadcast_in_dim3A_251, %sub3A_246 : vector<512x1xi32>
    %and3A_253 = arith.constant 2047 : i32
    %and3A_254 = vector.broadcast %and3A_253 : i32 to vector<512x1xi32>
    %and3A_255 = arith.andi %sub3A_252, %and3A_254 : vector<512x1xi32>
    %concatenate3A = tpu.concatenate %and3A_31, %and3A_45, %and3A_60, %and3A_75, %and3A_90, %and3A_105, %and3A_120, %and3A_135, %and3A_150, %and3A_165, %and3A_180, %and3A_195, %and3A_210, %and3A_225, %and3A_240, %and3A_255 in 1 : vector<512x1xi32>, vector<512x1xi32>, vector<512x1xi32>, vector<512x1xi32>, vector<512x1xi32>, vector<512x1xi32>, vector<512x1xi32>, vector<512x1xi32>, vector<512x1xi32>, vector<512x1xi32>, vector<512x1xi32>, vector<512x1xi32>, vector<512x1xi32>, vector<512x1xi32>, vector<512x1xi32>, vector<512x1xi32> -> vector<512x16xi32>
    %swap3A = arith.constant 0 : index
    %swap3A_256 = arith.constant 0 : index
    %swap3A_257 = arith.constant 0 : index
    %swap3A_258 = vector.load %arg4[%swap3A, %swap3A_256, %swap3A_257] : memref<1x512x16xi32, #tpu.memory_space<vmem>>, vector<1x512x16xi32>
    %swap3A_259 = vector.shape_cast %swap3A_258 : vector<1x512x16xi32> to vector<512x16xi32>
    %swap3A_260 = vector.shape_cast %concatenate3A : vector<512x16xi32> to vector<1x512x16xi32>
    tpu.vector_store %arg4[%swap3A, %swap3A_256, %swap3A_257], %swap3A_260 {strides = array<i32>} : memref<1x512x16xi32, #tpu.memory_space<vmem>>, vector<1x512x16xi32>,
    return
  }
  func.func @transform_0(%arg0: i32, %arg1: i32) -> (i32, i32, i32) {
    %c0_i32 = arith.constant 0 : i32
    %c0_i32_0 = arith.constant 0 : i32
    return %arg0, %arg1, %c0_i32 : i32, i32, i32
  }
  func.func @transform_1(%arg0: i32, %arg1: i32) -> (i32, i32, i32) {
    %c0_i32 = arith.constant 0 : i32
    %c0_i32_0 = arith.constant 0 : i32
    %c0_i32_1 = arith.constant 0 : i32
    return %arg0, %c0_i32, %c0_i32_0 : i32, i32, i32
  }
  func.func @transform_2(%arg0: i32, %arg1: i32) -> (i32, i32, i32) {
    %c0_i32 = arith.constant 0 : i32
    %c0_i32_0 = arith.constant 0 : i32
    return %arg0, %arg1, %c0_i32 : i32, i32, i32
  }
}

module attributes {stable_mosaic.version = 14 : i64} {
  func.func @_k0_body(%arg0: i32, %arg1: memref<1x2048x8xf32, #tpu.memory_space<vmem>>, %arg2: memref<8x64xf32, #tpu.memory_space<vmem>>, %arg3: memref<1x64xf32, #tpu.memory_space<vmem>>, %arg4: memref<64x64xf32, #tpu.memory_space<vmem>>, %arg5: memref<1x64xf32, #tpu.memory_space<vmem>>, %arg6: memref<64x64xf32, #tpu.memory_space<vmem>>, %arg7: memref<1x64xf32, #tpu.memory_space<vmem>>, %arg8: memref<8x64xf32, #tpu.memory_space<vmem>>, %arg9: memref<1x64xf32, #tpu.memory_space<vmem>>, %arg10: memref<64x64xf32, #tpu.memory_space<vmem>>, %arg11: memref<64x64xf32, #tpu.memory_space<vmem>>, %arg12: memref<64x64xf32, #tpu.memory_space<vmem>>, %arg13: memref<1x2048x192xf32, #tpu.memory_space<vmem>>, %arg14: memref<1x2048x256xf32, #tpu.memory_space<vmem>>) attributes {dimension_semantics = [#tpu.dimension_semantics<arbitrary>], iteration_bounds = array<i64: 8>, scalar_prefetch = 0 : i64, scratch_operands = 0 : i64, tpu.core_type = #tpu.core_type<tc>, window_params = [{transform_indices = @transform_0, window_bounds = array<i64: 1, 2048, 8>}, {pipeline_mode = #tpu.pipeline_mode<synchronous>, transform_indices = @transform_1, window_bounds = array<i64: 8, 64>}, {pipeline_mode = #tpu.pipeline_mode<synchronous>, transform_indices = @transform_2, window_bounds = array<i64: 1, 64>}, {pipeline_mode = #tpu.pipeline_mode<synchronous>, transform_indices = @transform_3, window_bounds = array<i64: 64, 64>}, {pipeline_mode = #tpu.pipeline_mode<synchronous>, transform_indices = @transform_4, window_bounds = array<i64: 1, 64>}, {pipeline_mode = #tpu.pipeline_mode<synchronous>, transform_indices = @transform_5, window_bounds = array<i64: 64, 64>}, {pipeline_mode = #tpu.pipeline_mode<synchronous>, transform_indices = @transform_6, window_bounds = array<i64: 1, 64>}, {pipeline_mode = #tpu.pipeline_mode<synchronous>, transform_indices = @transform_7, window_bounds = array<i64: 8, 64>}, {pipeline_mode = #tpu.pipeline_mode<synchronous>, transform_indices = @transform_8, window_bounds = array<i64: 1, 64>}, {pipeline_mode = #tpu.pipeline_mode<synchronous>, transform_indices = @transform_9, window_bounds = array<i64: 64, 64>}, {pipeline_mode = #tpu.pipeline_mode<synchronous>, transform_indices = @transform_10, window_bounds = array<i64: 64, 64>}, {pipeline_mode = #tpu.pipeline_mode<synchronous>, transform_indices = @transform_11, window_bounds = array<i64: 64, 64>}, {transform_indices = @transform_12, window_bounds = array<i64: 1, 2048, 192>}, {transform_indices = @transform_13, window_bounds = array<i64: 1, 2048, 256>}]} {
    %get3A = arith.constant 0 : index
    %get3A_0 = arith.constant 0 : index
    %get3A_1 = arith.constant 0 : index
    %get3A_2 = vector.load %arg1[%get3A, %get3A_0, %get3A_1] : memref<1x2048x8xf32, #tpu.memory_space<vmem>>, vector<1x2048x8xf32>
    %get3A_3 = vector.shape_cast %get3A_2 : vector<1x2048x8xf32> to vector<2048x8xf32>
    %get3A_4 = arith.constant 0 : index
    %get3A_5 = arith.constant 0 : index
    %get3A_6 = vector.load %arg2[%get3A_4, %get3A_5] : memref<8x64xf32, #tpu.memory_space<vmem>>, vector<8x64xf32>
    %dot_general3A = arith.constant dense<0.000000e+00> : vector<2048x64xf32>
    %dot_general3A_7 = tpu.matmul %get3A_3, %get3A_6, %dot_general3A {dimension_numbers = #tpu.dot_dimension_numbers<[1], [0], [0], [1], [0, 0, 1, 1], [], []>, precision = #tpu.contract_precision<fp32>, transpose_lhs_hint = false} : vector<2048x8xf32>, vector<8x64xf32>, vector<2048x64xf32> -> vector<2048x64xf32>
    %get3A_8 = arith.constant 0 : index
    %get3A_9 = arith.constant 0 : index
    %get3A_10 = vector.load %arg3[%get3A_8, %get3A_9] : memref<1x64xf32, #tpu.memory_space<vmem>>, vector<1x64xf32>
    %add3A = vector.broadcast %get3A_10 : vector<1x64xf32> to vector<2048x64xf32>
    %add3A_11 = arith.addf %dot_general3A_7, %add3A : vector<2048x64xf32>
    %max3A = arith.constant 0.000000e+00 : f32
    %max3A_12 = vector.broadcast %max3A : f32 to vector<2048x64xf32>
    %max3A_13 = arith.maximumf %add3A_11, %max3A_12 : vector<2048x64xf32>
    %get3A_14 = arith.constant 0 : index
    %get3A_15 = arith.constant 0 : index
    %get3A_16 = vector.load %arg4[%get3A_14, %get3A_15] : memref<64x64xf32, #tpu.memory_space<vmem>>, vector<64x64xf32>
    %dot_general3A_17 = arith.constant dense<0.000000e+00> : vector<2048x64xf32>
    %dot_general3A_18 = tpu.matmul %max3A_13, %get3A_16, %dot_general3A_17 {dimension_numbers = #tpu.dot_dimension_numbers<[1], [0], [0], [1], [0, 0, 1, 1], [], []>, precision = #tpu.contract_precision<fp32>, transpose_lhs_hint = false} : vector<2048x64xf32>, vector<64x64xf32>, vector<2048x64xf32> -> vector<2048x64xf32>
    %get3A_19 = arith.constant 0 : index
    %get3A_20 = arith.constant 0 : index
    %get3A_21 = vector.load %arg5[%get3A_19, %get3A_20] : memref<1x64xf32, #tpu.memory_space<vmem>>, vector<1x64xf32>
    %add3A_22 = vector.broadcast %get3A_21 : vector<1x64xf32> to vector<2048x64xf32>
    %add3A_23 = arith.addf %dot_general3A_18, %add3A_22 : vector<2048x64xf32>
    %get3A_24 = arith.constant 0 : index
    %get3A_25 = arith.constant 0 : index
    %get3A_26 = vector.load %arg6[%get3A_24, %get3A_25] : memref<64x64xf32, #tpu.memory_space<vmem>>, vector<64x64xf32>
    %dot_general3A_27 = arith.constant dense<0.000000e+00> : vector<2048x64xf32>
    %dot_general3A_28 = tpu.matmul %add3A_23, %get3A_26, %dot_general3A_27 {dimension_numbers = #tpu.dot_dimension_numbers<[1], [0], [0], [1], [0, 0, 1, 1], [], []>, precision = #tpu.contract_precision<fp32>, transpose_lhs_hint = false} : vector<2048x64xf32>, vector<64x64xf32>, vector<2048x64xf32> -> vector<2048x64xf32>
    %get3A_29 = arith.constant 0 : index
    %get3A_30 = arith.constant 0 : index
    %get3A_31 = vector.load %arg7[%get3A_29, %get3A_30] : memref<1x64xf32, #tpu.memory_space<vmem>>, vector<1x64xf32>
    %add3A_32 = vector.broadcast %get3A_31 : vector<1x64xf32> to vector<2048x64xf32>
    %add3A_33 = arith.addf %dot_general3A_28, %add3A_32 : vector<2048x64xf32>
    %get3A_34 = arith.constant 0 : index
    %get3A_35 = arith.constant 0 : index
    %get3A_36 = vector.load %arg10[%get3A_34, %get3A_35] : memref<64x64xf32, #tpu.memory_space<vmem>>, vector<64x64xf32>
    %dot_general3A_37 = arith.constant dense<0.000000e+00> : vector<2048x64xf32>
    %dot_general3A_38 = tpu.matmul %add3A_33, %get3A_36, %dot_general3A_37 {dimension_numbers = #tpu.dot_dimension_numbers<[1], [0], [0], [1], [0, 0, 1, 1], [], []>, precision = #tpu.contract_precision<fp32>, transpose_lhs_hint = false} : vector<2048x64xf32>, vector<64x64xf32>, vector<2048x64xf32> -> vector<2048x64xf32>
    %get3A_39 = arith.constant 0 : index
    %get3A_40 = arith.constant 0 : index
    %get3A_41 = vector.load %arg11[%get3A_39, %get3A_40] : memref<64x64xf32, #tpu.memory_space<vmem>>, vector<64x64xf32>
    %dot_general3A_42 = arith.constant dense<0.000000e+00> : vector<2048x64xf32>
    %dot_general3A_43 = tpu.matmul %add3A_33, %get3A_41, %dot_general3A_42 {dimension_numbers = #tpu.dot_dimension_numbers<[1], [0], [0], [1], [0, 0, 1, 1], [], []>, precision = #tpu.contract_precision<fp32>, transpose_lhs_hint = false} : vector<2048x64xf32>, vector<64x64xf32>, vector<2048x64xf32> -> vector<2048x64xf32>
    %get3A_44 = arith.constant 0 : index
    %get3A_45 = arith.constant 0 : index
    %get3A_46 = vector.load %arg12[%get3A_44, %get3A_45] : memref<64x64xf32, #tpu.memory_space<vmem>>, vector<64x64xf32>
    %dot_general3A_47 = arith.constant dense<0.000000e+00> : vector<2048x64xf32>
    %dot_general3A_48 = tpu.matmul %add3A_33, %get3A_46, %dot_general3A_47 {dimension_numbers = #tpu.dot_dimension_numbers<[1], [0], [0], [1], [0, 0, 1, 1], [], []>, precision = #tpu.contract_precision<fp32>, transpose_lhs_hint = false} : vector<2048x64xf32>, vector<64x64xf32>, vector<2048x64xf32> -> vector<2048x64xf32>
    %get3A_49 = arith.constant 0 : index
    %get3A_50 = arith.constant 0 : index
    %get3A_51 = vector.load %arg8[%get3A_49, %get3A_50] : memref<8x64xf32, #tpu.memory_space<vmem>>, vector<8x64xf32>
    %dot_general3A_52 = arith.constant dense<0.000000e+00> : vector<2048x64xf32>
    %dot_general3A_53 = tpu.matmul %get3A_3, %get3A_51, %dot_general3A_52 {dimension_numbers = #tpu.dot_dimension_numbers<[1], [0], [0], [1], [0, 0, 1, 1], [], []>, precision = #tpu.contract_precision<fp32>, transpose_lhs_hint = false} : vector<2048x8xf32>, vector<8x64xf32>, vector<2048x64xf32> -> vector<2048x64xf32>
    %get3A_54 = arith.constant 0 : index
    %get3A_55 = arith.constant 0 : index
    %get3A_56 = vector.load %arg9[%get3A_54, %get3A_55] : memref<1x64xf32, #tpu.memory_space<vmem>>, vector<1x64xf32>
    %add3A_57 = vector.broadcast %get3A_56 : vector<1x64xf32> to vector<2048x64xf32>
    %add3A_58 = arith.addf %dot_general3A_53, %add3A_57 : vector<2048x64xf32>
    %get3A_59 = arith.constant 0 : index
    %get3A_60 = arith.constant 0 : index
    %get3A_61 = vector.load %arg8[%get3A_59, %get3A_60] : memref<8x64xf32, #tpu.memory_space<vmem>>, vector<8x64xf32>
    %dot_general3A_62 = arith.constant dense<0.000000e+00> : vector<2048x64xf32>
    %dot_general3A_63 = tpu.matmul %get3A_3, %get3A_61, %dot_general3A_62 {dimension_numbers = #tpu.dot_dimension_numbers<[1], [0], [0], [1], [0, 0, 1, 1], [], []>, precision = #tpu.contract_precision<fp32>, transpose_lhs_hint = false} : vector<2048x8xf32>, vector<8x64xf32>, vector<2048x64xf32> -> vector<2048x64xf32>
    %concatenate3A = tpu.concatenate %add3A_58, %dot_general3A_38, %add3A_23 in 1 : vector<2048x64xf32>, vector<2048x64xf32>, vector<2048x64xf32> -> vector<2048x192xf32>
    %swap3A = arith.constant 0 : index
    %swap3A_64 = arith.constant 0 : index
    %swap3A_65 = arith.constant 0 : index
    %swap3A_66 = vector.load %arg13[%swap3A, %swap3A_64, %swap3A_65] : memref<1x2048x192xf32, #tpu.memory_space<vmem>>, vector<1x2048x192xf32>
    %swap3A_67 = vector.shape_cast %swap3A_66 : vector<1x2048x192xf32> to vector<2048x192xf32>
    %swap3A_68 = vector.shape_cast %concatenate3A : vector<2048x192xf32> to vector<1x2048x192xf32>
    tpu.vector_store %arg13[%swap3A, %swap3A_64, %swap3A_65], %swap3A_68 {strides = array<i32>} : memref<1x2048x192xf32, #tpu.memory_space<vmem>>, vector<1x2048x192xf32>,
    %broadcast_in_dim3A = arith.constant 0.000000e+00 : f32
    %broadcast_in_dim3A_69 = vector.broadcast %broadcast_in_dim3A : f32 to vector<2048x64xf32>
    %concatenate3A_70 = tpu.concatenate %dot_general3A_63, %dot_general3A_43, %dot_general3A_48, %broadcast_in_dim3A_69 in 1 : vector<2048x64xf32>, vector<2048x64xf32>, vector<2048x64xf32>, vector<2048x64xf32> -> vector<2048x256xf32>
    %swap3A_71 = arith.constant 0 : index
    %swap3A_72 = arith.constant 0 : index
    %swap3A_73 = arith.constant 0 : index
    %swap3A_74 = vector.load %arg14[%swap3A_71, %swap3A_72, %swap3A_73] : memref<1x2048x256xf32, #tpu.memory_space<vmem>>, vector<1x2048x256xf32>
    %swap3A_75 = vector.shape_cast %swap3A_74 : vector<1x2048x256xf32> to vector<2048x256xf32>
    %swap3A_76 = vector.shape_cast %concatenate3A_70 : vector<2048x256xf32> to vector<1x2048x256xf32>
    tpu.vector_store %arg14[%swap3A_71, %swap3A_72, %swap3A_73], %swap3A_76 {strides = array<i32>} : memref<1x2048x256xf32, #tpu.memory_space<vmem>>, vector<1x2048x256xf32>,
    return
  }
  func.func @transform_0(%arg0: i32) -> (i32, i32, i32) {
    %c0_i32 = arith.constant 0 : i32
    %c0_i32_0 = arith.constant 0 : i32
    %c0_i32_1 = arith.constant 0 : i32
    return %arg0, %c0_i32, %c0_i32_0 : i32, i32, i32
  }
  func.func @transform_1(%arg0: i32) -> (i32, i32) {
    %c0_i32 = arith.constant 0 : i32
    %c0_i32_0 = arith.constant 0 : i32
    %c0_i32_1 = arith.constant 0 : i32
    return %c0_i32, %c0_i32_0 : i32, i32
  }
  func.func @transform_2(%arg0: i32) -> (i32, i32) {
    %c0_i32 = arith.constant 0 : i32
    %c0_i32_0 = arith.constant 0 : i32
    %c0_i32_1 = arith.constant 0 : i32
    return %c0_i32, %c0_i32_0 : i32, i32
  }
  func.func @transform_3(%arg0: i32) -> (i32, i32) {
    %c0_i32 = arith.constant 0 : i32
    %c0_i32_0 = arith.constant 0 : i32
    %c0_i32_1 = arith.constant 0 : i32
    return %c0_i32, %c0_i32_0 : i32, i32
  }
  func.func @transform_4(%arg0: i32) -> (i32, i32) {
    %c0_i32 = arith.constant 0 : i32
    %c0_i32_0 = arith.constant 0 : i32
    %c0_i32_1 = arith.constant 0 : i32
    return %c0_i32, %c0_i32_0 : i32, i32
  }
  func.func @transform_5(%arg0: i32) -> (i32, i32) {
    %c0_i32 = arith.constant 0 : i32
    %c0_i32_0 = arith.constant 0 : i32
    %c0_i32_1 = arith.constant 0 : i32
    return %c0_i32, %c0_i32_0 : i32, i32
  }
  func.func @transform_6(%arg0: i32) -> (i32, i32) {
    %c0_i32 = arith.constant 0 : i32
    %c0_i32_0 = arith.constant 0 : i32
    %c0_i32_1 = arith.constant 0 : i32
    return %c0_i32, %c0_i32_0 : i32, i32
  }
  func.func @transform_7(%arg0: i32) -> (i32, i32) {
    %c0_i32 = arith.constant 0 : i32
    %c0_i32_0 = arith.constant 0 : i32
    %c0_i32_1 = arith.constant 0 : i32
    return %c0_i32, %c0_i32_0 : i32, i32
  }
  func.func @transform_8(%arg0: i32) -> (i32, i32) {
    %c0_i32 = arith.constant 0 : i32
    %c0_i32_0 = arith.constant 0 : i32
    %c0_i32_1 = arith.constant 0 : i32
    return %c0_i32, %c0_i32_0 : i32, i32
  }
  func.func @transform_9(%arg0: i32) -> (i32, i32) {
    %c0_i32 = arith.constant 0 : i32
    %c0_i32_0 = arith.constant 0 : i32
    %c0_i32_1 = arith.constant 0 : i32
    return %c0_i32, %c0_i32_0 : i32, i32
  }
  func.func @transform_10(%arg0: i32) -> (i32, i32) {
    %c0_i32 = arith.constant 0 : i32
    %c0_i32_0 = arith.constant 0 : i32
    %c0_i32_1 = arith.constant 0 : i32
    return %c0_i32, %c0_i32_0 : i32, i32
  }
  func.func @transform_11(%arg0: i32) -> (i32, i32) {
    %c0_i32 = arith.constant 0 : i32
    %c0_i32_0 = arith.constant 0 : i32
    %c0_i32_1 = arith.constant 0 : i32
    return %c0_i32, %c0_i32_0 : i32, i32
  }
  func.func @transform_12(%arg0: i32) -> (i32, i32, i32) {
    %c0_i32 = arith.constant 0 : i32
    %c0_i32_0 = arith.constant 0 : i32
    %c0_i32_1 = arith.constant 0 : i32
    return %arg0, %c0_i32, %c0_i32_0 : i32, i32, i32
  }
  func.func @transform_13(%arg0: i32) -> (i32, i32, i32) {
    %c0_i32 = arith.constant 0 : i32
    %c0_i32_0 = arith.constant 0 : i32
    %c0_i32_1 = arith.constant 0 : i32
    return %arg0, %c0_i32, %c0_i32_0 : i32, i32, i32
  }
}

module attributes {stable_mosaic.version = 14 : i64} {
  func.func @_k3_body(%arg0: i32, %arg1: i32, %arg2: memref<1x512x192xf32, #tpu.memory_space<vmem>>, %arg3: memref<1x16x512x256xf32, #tpu.memory_space<vmem>>, %arg4: memref<64x128xbf16, #tpu.memory_space<vmem>>, %arg5: memref<1x64xf32, #tpu.memory_space<vmem>>, %arg6: memref<1x64xf32, #tpu.memory_space<vmem>>, %arg7: memref<64x64xf32, #tpu.memory_space<vmem>>, %arg8: memref<1x64xf32, #tpu.memory_space<vmem>>, %arg9: memref<64x64xf32, #tpu.memory_space<vmem>>, %arg10: memref<1x64xf32, #tpu.memory_space<vmem>>, %arg11: memref<1x512x64xf32, #tpu.memory_space<vmem>>) attributes {dimension_semantics = [#tpu.dimension_semantics<arbitrary>, #tpu.dimension_semantics<arbitrary>], iteration_bounds = array<i64: 2, 4>, scalar_prefetch = 0 : i64, scratch_operands = 0 : i64, tpu.core_type = #tpu.core_type<tc>, window_params = [{transform_indices = @transform_0, window_bounds = array<i64: 1, 512, 192>}, {transform_indices = @transform_1, window_bounds = array<i64: 1, 16, 512, 256>}, {pipeline_mode = #tpu.pipeline_mode<synchronous>, transform_indices = @transform_2, window_bounds = array<i64: 64, 128>}, {pipeline_mode = #tpu.pipeline_mode<synchronous>, transform_indices = @transform_3, window_bounds = array<i64: 1, 64>}, {pipeline_mode = #tpu.pipeline_mode<synchronous>, transform_indices = @transform_4, window_bounds = array<i64: 1, 64>}, {pipeline_mode = #tpu.pipeline_mode<synchronous>, transform_indices = @transform_5, window_bounds = array<i64: 64, 64>}, {pipeline_mode = #tpu.pipeline_mode<synchronous>, transform_indices = @transform_6, window_bounds = array<i64: 1, 64>}, {pipeline_mode = #tpu.pipeline_mode<synchronous>, transform_indices = @transform_7, window_bounds = array<i64: 64, 64>}, {pipeline_mode = #tpu.pipeline_mode<synchronous>, transform_indices = @transform_8, window_bounds = array<i64: 1, 64>}, {transform_indices = @transform_9, window_bounds = array<i64: 1, 512, 64>}]} {
    %get3A = arith.constant 0 : index
    %get3A_0 = arith.constant 0 : index
    %get3A_1 = arith.constant 0 : index
    %get3A_2 = vector.load %arg2[%get3A, %get3A_0, %get3A_1] : memref<1x512x192xf32, #tpu.memory_space<vmem>>, vector<1x512x192xf32>
    %get3A_3 = vector.shape_cast %get3A_2 : vector<1x512x192xf32> to vector<512x192xf32>
    %slice3A = vector.extract_strided_slice %get3A_3 {offsets = [0, 0], sizes = [512, 64], strides = [1, 1]} : vector<512x192xf32> to vector<512x64xf32>
    %slice3A_4 = vector.extract_strided_slice %get3A_3 {offsets = [0, 64], sizes = [512, 64], strides = [1, 1]} : vector<512x192xf32> to vector<512x64xf32>
    %slice3A_5 = vector.extract_strided_slice %get3A_3 {offsets = [0, 128], sizes = [512, 64], strides = [1, 1]} : vector<512x192xf32> to vector<512x64xf32>
    %get3A_6 = arith.constant 0 : index
    %get3A_7 = arith.constant 0 : index
    %get3A_8 = vector.load %arg4[%get3A_6, %get3A_7] : memref<64x128xbf16, #tpu.memory_space<vmem>>, vector<64x128xbf16>
    %get3A_9 = arith.constant 0 : index
    %get3A_10 = arith.constant 0 : index
    %get3A_11 = vector.load %arg5[%get3A_9, %get3A_10] : memref<1x64xf32, #tpu.memory_space<vmem>>, vector<1x64xf32>
    %get3A_12 = arith.constant 0 : index
    %get3A_13 = arith.constant 0 : index
    %get3A_14 = vector.load %arg7[%get3A_12, %get3A_13] : memref<64x64xf32, #tpu.memory_space<vmem>>, vector<64x64xf32>
    %convert_element_type3A = arith.truncf %get3A_14 : vector<64x64xf32> to vector<64x64xbf16>
    %get3A_15 = arith.constant 0 : index
    %get3A_16 = arith.constant 0 : index
    %get3A_17 = vector.load %arg8[%get3A_15, %get3A_16] : memref<1x64xf32, #tpu.memory_space<vmem>>, vector<1x64xf32>
    %get3A_18 = arith.constant 0 : index
    %get3A_19 = arith.constant 0 : index
    %get3A_20 = vector.load %arg6[%get3A_18, %get3A_19] : memref<1x64xf32, #tpu.memory_space<vmem>>, vector<1x64xf32>
    %broadcast_in_dim3A = arith.constant -1.000000e+30 : f32
    %broadcast_in_dim3A_21 = vector.broadcast %broadcast_in_dim3A : f32 to vector<512x64xf32>
    %broadcast_in_dim3A_22 = arith.constant 0.000000e+00 : f32
    %broadcast_in_dim3A_23 = vector.broadcast %broadcast_in_dim3A_22 : f32 to vector<512x64xf32>
    %broadcast_in_dim3A_24 = arith.constant 0.000000e+00 : f32
    %broadcast_in_dim3A_25 = vector.broadcast %broadcast_in_dim3A_24 : f32 to vector<512x64xf32>
    %get3A_26 = arith.constant 0 : index
    %get3A_27 = arith.constant 0 : index
    %get3A_28 = arith.constant 0 : index
    %get3A_29 = arith.constant 0 : index
    %get3A_30 = vector.load %arg3[%get3A_26, %get3A_27, %get3A_28, %get3A_29] : memref<1x16x512x256xf32, #tpu.memory_space<vmem>>, vector<1x1x512x256xf32>
    %get3A_31 = vector.shape_cast %get3A_30 : vector<1x1x512x256xf32> to vector<512x256xf32>
    %slice3A_32 = vector.extract_strided_slice %get3A_31 {offsets = [0, 0], sizes = [512, 64], strides = [1, 1]} : vector<512x256xf32> to vector<512x64xf32>
    %slice3A_33 = vector.extract_strided_slice %get3A_31 {offsets = [0, 64], sizes = [512, 64], strides = [1, 1]} : vector<512x256xf32> to vector<512x64xf32>
    %slice3A_34 = vector.extract_strided_slice %get3A_31 {offsets = [0, 128], sizes = [512, 64], strides = [1, 1]} : vector<512x256xf32> to vector<512x64xf32>
    %sub3A = arith.subf %slice3A, %slice3A_32 : vector<512x64xf32>
    %max3A = arith.constant 0.000000e+00 : f32
    %max3A_35 = vector.broadcast %max3A : f32 to vector<512x64xf32>
    %max3A_36 = arith.maximumf %sub3A, %max3A_35 : vector<512x64xf32>
    %convert_element_type3A_37 = arith.truncf %max3A_36 : vector<512x64xf32> to vector<512x64xbf16>
    %dot_general3A = arith.constant dense<0.000000e+00> : vector<512x128xf32>
    %dot_general3A_38 = tpu.matmul %convert_element_type3A_37, %get3A_8, %dot_general3A {dimension_numbers = #tpu.dot_dimension_numbers<[1], [0], [0], [1], [0, 0, 1, 1], [], []>, transpose_lhs_hint = false} : vector<512x64xbf16>, vector<64x128xbf16>, vector<512x128xf32> -> vector<512x128xf32>
    %slice3A_39 = vector.extract_strided_slice %dot_general3A_38 {offsets = [0, 0], sizes = [512, 64], strides = [1, 1]} : vector<512x128xf32> to vector<512x64xf32>
    %add3A = vector.broadcast %get3A_20 : vector<1x64xf32> to vector<512x64xf32>
    %add3A_40 = arith.addf %slice3A_39, %add3A : vector<512x64xf32>
    %sub3A_41 = arith.subf %slice3A_4, %slice3A_33 : vector<512x64xf32>
    %slice3A_42 = vector.extract_strided_slice %dot_general3A_38 {offsets = [0, 64], sizes = [512, 64], strides = [1, 1]} : vector<512x128xf32> to vector<512x64xf32>
    %add3A_43 = arith.addf %sub3A_41, %slice3A_42 : vector<512x64xf32>
    %add3A_44 = vector.broadcast %get3A_11 : vector<1x64xf32> to vector<512x64xf32>
    %add3A_45 = arith.addf %add3A_43, %add3A_44 : vector<512x64xf32>
    %max3A_46 = arith.constant 0.000000e+00 : f32
    %max3A_47 = vector.broadcast %max3A_46 : f32 to vector<512x64xf32>
    %max3A_48 = arith.maximumf %add3A_45, %max3A_47 : vector<512x64xf32>
    %convert_element_type3A_49 = arith.truncf %max3A_48 : vector<512x64xf32> to vector<512x64xbf16>
    %dot_general3A_50 = arith.constant dense<0.000000e+00> : vector<512x64xf32>
    %dot_general3A_51 = tpu.matmul %convert_element_type3A_49, %convert_element_type3A, %dot_general3A_50 {dimension_numbers = #tpu.dot_dimension_numbers<[1], [0], [0], [1], [0, 0, 1, 1], [], []>, transpose_lhs_hint = false} : vector<512x64xbf16>, vector<64x64xbf16>, vector<512x64xf32> -> vector<512x64xf32>
    %add3A_52 = vector.broadcast %get3A_17 : vector<1x64xf32> to vector<512x64xf32>
    %add3A_53 = arith.addf %dot_general3A_51, %add3A_52 : vector<512x64xf32>
    %mul3A = arith.constant 1.250000e-01 : f32
    %mul3A_54 = vector.broadcast %mul3A : f32 to vector<512x64xf32>
    %mul3A_55 = arith.mulf %add3A_53, %mul3A_54 : vector<512x64xf32>
    %add3A_56 = arith.addf %slice3A_34, %add3A_40 : vector<512x64xf32>
    %max3A_57 = arith.maximumf %broadcast_in_dim3A_21, %mul3A_55 : vector<512x64xf32>
    %sub3A_58 = arith.subf %broadcast_in_dim3A_21, %max3A_57 : vector<512x64xf32>
    %exp3A = math.exp %sub3A_58 : vector<512x64xf32>
    %sub3A_59 = arith.subf %mul3A_55, %max3A_57 : vector<512x64xf32>
    %exp3A_60 = math.exp %sub3A_59 : vector<512x64xf32>
    %mul3A_61 = arith.mulf %broadcast_in_dim3A_23, %exp3A : vector<512x64xf32>
    %add3A_62 = arith.addf %mul3A_61, %exp3A_60 : vector<512x64xf32>
    %mul3A_63 = arith.mulf %broadcast_in_dim3A_25, %exp3A : vector<512x64xf32>
    %mul3A_64 = arith.mulf %exp3A_60, %add3A_56 : vector<512x64xf32>
    %add3A_65 = arith.addf %mul3A_63, %mul3A_64 : vector<512x64xf32>
    %get3A_66 = arith.constant 0 : index
    %get3A_67 = arith.constant 1 : index
    %get3A_68 = arith.constant 0 : index
    %get3A_69 = arith.constant 0 : index
    %get3A_70 = vector.load %arg3[%get3A_66, %get3A_67, %get3A_68, %get3A_69] : memref<1x16x512x256xf32, #tpu.memory_space<vmem>>, vector<1x1x512x256xf32>
    %get3A_71 = vector.shape_cast %get3A_70 : vector<1x1x512x256xf32> to vector<512x256xf32>
    %slice3A_72 = vector.extract_strided_slice %get3A_71 {offsets = [0, 0], sizes = [512, 64], strides = [1, 1]} : vector<512x256xf32> to vector<512x64xf32>
    %slice3A_73 = vector.extract_strided_slice %get3A_71 {offsets = [0, 64], sizes = [512, 64], strides = [1, 1]} : vector<512x256xf32> to vector<512x64xf32>
    %slice3A_74 = vector.extract_strided_slice %get3A_71 {offsets = [0, 128], sizes = [512, 64], strides = [1, 1]} : vector<512x256xf32> to vector<512x64xf32>
    %sub3A_75 = arith.subf %slice3A, %slice3A_72 : vector<512x64xf32>
    %max3A_76 = arith.constant 0.000000e+00 : f32
    %max3A_77 = vector.broadcast %max3A_76 : f32 to vector<512x64xf32>
    %max3A_78 = arith.maximumf %sub3A_75, %max3A_77 : vector<512x64xf32>
    %convert_element_type3A_79 = arith.truncf %max3A_78 : vector<512x64xf32> to vector<512x64xbf16>
    %dot_general3A_80 = arith.constant dense<0.000000e+00> : vector<512x128xf32>
    %dot_general3A_81 = tpu.matmul %convert_element_type3A_79, %get3A_8, %dot_general3A_80 {dimension_numbers = #tpu.dot_dimension_numbers<[1], [0], [0], [1], [0, 0, 1, 1], [], []>, transpose_lhs_hint = false} : vector<512x64xbf16>, vector<64x128xbf16>, vector<512x128xf32> -> vector<512x128xf32>
    %slice3A_82 = vector.extract_strided_slice %dot_general3A_81 {offsets = [0, 0], sizes = [512, 64], strides = [1, 1]} : vector<512x128xf32> to vector<512x64xf32>
    %add3A_83 = vector.broadcast %get3A_20 : vector<1x64xf32> to vector<512x64xf32>
    %add3A_84 = arith.addf %slice3A_82, %add3A_83 : vector<512x64xf32>
    %sub3A_85 = arith.subf %slice3A_4, %slice3A_73 : vector<512x64xf32>
    %slice3A_86 = vector.extract_strided_slice %dot_general3A_81 {offsets = [0, 64], sizes = [512, 64], strides = [1, 1]} : vector<512x128xf32> to vector<512x64xf32>
    %add3A_87 = arith.addf %sub3A_85, %slice3A_86 : vector<512x64xf32>
    %add3A_88 = vector.broadcast %get3A_11 : vector<1x64xf32> to vector<512x64xf32>
    %add3A_89 = arith.addf %add3A_87, %add3A_88 : vector<512x64xf32>
    %max3A_90 = arith.constant 0.000000e+00 : f32
    %max3A_91 = vector.broadcast %max3A_90 : f32 to vector<512x64xf32>
    %max3A_92 = arith.maximumf %add3A_89, %max3A_91 : vector<512x64xf32>
    %convert_element_type3A_93 = arith.truncf %max3A_92 : vector<512x64xf32> to vector<512x64xbf16>
    %dot_general3A_94 = arith.constant dense<0.000000e+00> : vector<512x64xf32>
    %dot_general3A_95 = tpu.matmul %convert_element_type3A_93, %convert_element_type3A, %dot_general3A_94 {dimension_numbers = #tpu.dot_dimension_numbers<[1], [0], [0], [1], [0, 0, 1, 1], [], []>, transpose_lhs_hint = false} : vector<512x64xbf16>, vector<64x64xbf16>, vector<512x64xf32> -> vector<512x64xf32>
    %add3A_96 = vector.broadcast %get3A_17 : vector<1x64xf32> to vector<512x64xf32>
    %add3A_97 = arith.addf %dot_general3A_95, %add3A_96 : vector<512x64xf32>
    %mul3A_98 = arith.constant 1.250000e-01 : f32
    %mul3A_99 = vector.broadcast %mul3A_98 : f32 to vector<512x64xf32>
    %mul3A_100 = arith.mulf %add3A_97, %mul3A_99 : vector<512x64xf32>
    %add3A_101 = arith.addf %slice3A_74, %add3A_84 : vector<512x64xf32>
    %max3A_102 = arith.maximumf %max3A_57, %mul3A_100 : vector<512x64xf32>
    %sub3A_103 = arith.subf %max3A_57, %max3A_102 : vector<512x64xf32>
    %exp3A_104 = math.exp %sub3A_103 : vector<512x64xf32>
    %sub3A_105 = arith.subf %mul3A_100, %max3A_102 : vector<512x64xf32>
    %exp3A_106 = math.exp %sub3A_105 : vector<512x64xf32>
    %mul3A_107 = arith.mulf %add3A_62, %exp3A_104 : vector<512x64xf32>
    %add3A_108 = arith.addf %mul3A_107, %exp3A_106 : vector<512x64xf32>
    %mul3A_109 = arith.mulf %add3A_65, %exp3A_104 : vector<512x64xf32>
    %mul3A_110 = arith.mulf %exp3A_106, %add3A_101 : vector<512x64xf32>
    %add3A_111 = arith.addf %mul3A_109, %mul3A_110 : vector<512x64xf32>
    %get3A_112 = arith.constant 0 : index
    %get3A_113 = arith.constant 2 : index
    %get3A_114 = arith.constant 0 : index
    %get3A_115 = arith.constant 0 : index
    %get3A_116 = vector.load %arg3[%get3A_112, %get3A_113, %get3A_114, %get3A_115] : memref<1x16x512x256xf32, #tpu.memory_space<vmem>>, vector<1x1x512x256xf32>
    %get3A_117 = vector.shape_cast %get3A_116 : vector<1x1x512x256xf32> to vector<512x256xf32>
    %slice3A_118 = vector.extract_strided_slice %get3A_117 {offsets = [0, 0], sizes = [512, 64], strides = [1, 1]} : vector<512x256xf32> to vector<512x64xf32>
    %slice3A_119 = vector.extract_strided_slice %get3A_117 {offsets = [0, 64], sizes = [512, 64], strides = [1, 1]} : vector<512x256xf32> to vector<512x64xf32>
    %slice3A_120 = vector.extract_strided_slice %get3A_117 {offsets = [0, 128], sizes = [512, 64], strides = [1, 1]} : vector<512x256xf32> to vector<512x64xf32>
    %sub3A_121 = arith.subf %slice3A, %slice3A_118 : vector<512x64xf32>
    %max3A_122 = arith.constant 0.000000e+00 : f32
    %max3A_123 = vector.broadcast %max3A_122 : f32 to vector<512x64xf32>
    %max3A_124 = arith.maximumf %sub3A_121, %max3A_123 : vector<512x64xf32>
    %convert_element_type3A_125 = arith.truncf %max3A_124 : vector<512x64xf32> to vector<512x64xbf16>
    %dot_general3A_126 = arith.constant dense<0.000000e+00> : vector<512x128xf32>
    %dot_general3A_127 = tpu.matmul %convert_element_type3A_125, %get3A_8, %dot_general3A_126 {dimension_numbers = #tpu.dot_dimension_numbers<[1], [0], [0], [1], [0, 0, 1, 1], [], []>, transpose_lhs_hint = false} : vector<512x64xbf16>, vector<64x128xbf16>, vector<512x128xf32> -> vector<512x128xf32>
    %slice3A_128 = vector.extract_strided_slice %dot_general3A_127 {offsets = [0, 0], sizes = [512, 64], strides = [1, 1]} : vector<512x128xf32> to vector<512x64xf32>
    %add3A_129 = vector.broadcast %get3A_20 : vector<1x64xf32> to vector<512x64xf32>
    %add3A_130 = arith.addf %slice3A_128, %add3A_129 : vector<512x64xf32>
    %sub3A_131 = arith.subf %slice3A_4, %slice3A_119 : vector<512x64xf32>
    %slice3A_132 = vector.extract_strided_slice %dot_general3A_127 {offsets = [0, 64], sizes = [512, 64], strides = [1, 1]} : vector<512x128xf32> to vector<512x64xf32>
    %add3A_133 = arith.addf %sub3A_131, %slice3A_132 : vector<512x64xf32>
    %add3A_134 = vector.broadcast %get3A_11 : vector<1x64xf32> to vector<512x64xf32>
    %add3A_135 = arith.addf %add3A_133, %add3A_134 : vector<512x64xf32>
    %max3A_136 = arith.constant 0.000000e+00 : f32
    %max3A_137 = vector.broadcast %max3A_136 : f32 to vector<512x64xf32>
    %max3A_138 = arith.maximumf %add3A_135, %max3A_137 : vector<512x64xf32>
    %convert_element_type3A_139 = arith.truncf %max3A_138 : vector<512x64xf32> to vector<512x64xbf16>
    %dot_general3A_140 = arith.constant dense<0.000000e+00> : vector<512x64xf32>
    %dot_general3A_141 = tpu.matmul %convert_element_type3A_139, %convert_element_type3A, %dot_general3A_140 {dimension_numbers = #tpu.dot_dimension_numbers<[1], [0], [0], [1], [0, 0, 1, 1], [], []>, transpose_lhs_hint = false} : vector<512x64xbf16>, vector<64x64xbf16>, vector<512x64xf32> -> vector<512x64xf32>
    %add3A_142 = vector.broadcast %get3A_17 : vector<1x64xf32> to vector<512x64xf32>
    %add3A_143 = arith.addf %dot_general3A_141, %add3A_142 : vector<512x64xf32>
    %mul3A_144 = arith.constant 1.250000e-01 : f32
    %mul3A_145 = vector.broadcast %mul3A_144 : f32 to vector<512x64xf32>
    %mul3A_146 = arith.mulf %add3A_143, %mul3A_145 : vector<512x64xf32>
    %add3A_147 = arith.addf %slice3A_120, %add3A_130 : vector<512x64xf32>
    %max3A_148 = arith.maximumf %max3A_102, %mul3A_146 : vector<512x64xf32>
    %sub3A_149 = arith.subf %max3A_102, %max3A_148 : vector<512x64xf32>
    %exp3A_150 = math.exp %sub3A_149 : vector<512x64xf32>
    %sub3A_151 = arith.subf %mul3A_146, %max3A_148 : vector<512x64xf32>
    %exp3A_152 = math.exp %sub3A_151 : vector<512x64xf32>
    %mul3A_153 = arith.mulf %add3A_108, %exp3A_150 : vector<512x64xf32>
    %add3A_154 = arith.addf %mul3A_153, %exp3A_152 : vector<512x64xf32>
    %mul3A_155 = arith.mulf %add3A_111, %exp3A_150 : vector<512x64xf32>
    %mul3A_156 = arith.mulf %exp3A_152, %add3A_147 : vector<512x64xf32>
    %add3A_157 = arith.addf %mul3A_155, %mul3A_156 : vector<512x64xf32>
    %get3A_158 = arith.constant 0 : index
    %get3A_159 = arith.constant 3 : index
    %get3A_160 = arith.constant 0 : index
    %get3A_161 = arith.constant 0 : index
    %get3A_162 = vector.load %arg3[%get3A_158, %get3A_159, %get3A_160, %get3A_161] : memref<1x16x512x256xf32, #tpu.memory_space<vmem>>, vector<1x1x512x256xf32>
    %get3A_163 = vector.shape_cast %get3A_162 : vector<1x1x512x256xf32> to vector<512x256xf32>
    %slice3A_164 = vector.extract_strided_slice %get3A_163 {offsets = [0, 0], sizes = [512, 64], strides = [1, 1]} : vector<512x256xf32> to vector<512x64xf32>
    %slice3A_165 = vector.extract_strided_slice %get3A_163 {offsets = [0, 64], sizes = [512, 64], strides = [1, 1]} : vector<512x256xf32> to vector<512x64xf32>
    %slice3A_166 = vector.extract_strided_slice %get3A_163 {offsets = [0, 128], sizes = [512, 64], strides = [1, 1]} : vector<512x256xf32> to vector<512x64xf32>
    %sub3A_167 = arith.subf %slice3A, %slice3A_164 : vector<512x64xf32>
    %max3A_168 = arith.constant 0.000000e+00 : f32
    %max3A_169 = vector.broadcast %max3A_168 : f32 to vector<512x64xf32>
    %max3A_170 = arith.maximumf %sub3A_167, %max3A_169 : vector<512x64xf32>
    %convert_element_type3A_171 = arith.truncf %max3A_170 : vector<512x64xf32> to vector<512x64xbf16>
    %dot_general3A_172 = arith.constant dense<0.000000e+00> : vector<512x128xf32>
    %dot_general3A_173 = tpu.matmul %convert_element_type3A_171, %get3A_8, %dot_general3A_172 {dimension_numbers = #tpu.dot_dimension_numbers<[1], [0], [0], [1], [0, 0, 1, 1], [], []>, transpose_lhs_hint = false} : vector<512x64xbf16>, vector<64x128xbf16>, vector<512x128xf32> -> vector<512x128xf32>
    %slice3A_174 = vector.extract_strided_slice %dot_general3A_173 {offsets = [0, 0], sizes = [512, 64], strides = [1, 1]} : vector<512x128xf32> to vector<512x64xf32>
    %add3A_175 = vector.broadcast %get3A_20 : vector<1x64xf32> to vector<512x64xf32>
    %add3A_176 = arith.addf %slice3A_174, %add3A_175 : vector<512x64xf32>
    %sub3A_177 = arith.subf %slice3A_4, %slice3A_165 : vector<512x64xf32>
    %slice3A_178 = vector.extract_strided_slice %dot_general3A_173 {offsets = [0, 64], sizes = [512, 64], strides = [1, 1]} : vector<512x128xf32> to vector<512x64xf32>
    %add3A_179 = arith.addf %sub3A_177, %slice3A_178 : vector<512x64xf32>
    %add3A_180 = vector.broadcast %get3A_11 : vector<1x64xf32> to vector<512x64xf32>
    %add3A_181 = arith.addf %add3A_179, %add3A_180 : vector<512x64xf32>
    %max3A_182 = arith.constant 0.000000e+00 : f32
    %max3A_183 = vector.broadcast %max3A_182 : f32 to vector<512x64xf32>
    %max3A_184 = arith.maximumf %add3A_181, %max3A_183 : vector<512x64xf32>
    %convert_element_type3A_185 = arith.truncf %max3A_184 : vector<512x64xf32> to vector<512x64xbf16>
    %dot_general3A_186 = arith.constant dense<0.000000e+00> : vector<512x64xf32>
    %dot_general3A_187 = tpu.matmul %convert_element_type3A_185, %convert_element_type3A, %dot_general3A_186 {dimension_numbers = #tpu.dot_dimension_numbers<[1], [0], [0], [1], [0, 0, 1, 1], [], []>, transpose_lhs_hint = false} : vector<512x64xbf16>, vector<64x64xbf16>, vector<512x64xf32> -> vector<512x64xf32>
    %add3A_188 = vector.broadcast %get3A_17 : vector<1x64xf32> to vector<512x64xf32>
    %add3A_189 = arith.addf %dot_general3A_187, %add3A_188 : vector<512x64xf32>
    %mul3A_190 = arith.constant 1.250000e-01 : f32
    %mul3A_191 = vector.broadcast %mul3A_190 : f32 to vector<512x64xf32>
    %mul3A_192 = arith.mulf %add3A_189, %mul3A_191 : vector<512x64xf32>
    %add3A_193 = arith.addf %slice3A_166, %add3A_176 : vector<512x64xf32>
    %max3A_194 = arith.maximumf %max3A_148, %mul3A_192 : vector<512x64xf32>
    %sub3A_195 = arith.subf %max3A_148, %max3A_194 : vector<512x64xf32>
    %exp3A_196 = math.exp %sub3A_195 : vector<512x64xf32>
    %sub3A_197 = arith.subf %mul3A_192, %max3A_194 : vector<512x64xf32>
    %exp3A_198 = math.exp %sub3A_197 : vector<512x64xf32>
    %mul3A_199 = arith.mulf %add3A_154, %exp3A_196 : vector<512x64xf32>
    %add3A_200 = arith.addf %mul3A_199, %exp3A_198 : vector<512x64xf32>
    %mul3A_201 = arith.mulf %add3A_157, %exp3A_196 : vector<512x64xf32>
    %mul3A_202 = arith.mulf %exp3A_198, %add3A_193 : vector<512x64xf32>
    %add3A_203 = arith.addf %mul3A_201, %mul3A_202 : vector<512x64xf32>
    %get3A_204 = arith.constant 0 : index
    %get3A_205 = arith.constant 4 : index
    %get3A_206 = arith.constant 0 : index
    %get3A_207 = arith.constant 0 : index
    %get3A_208 = vector.load %arg3[%get3A_204, %get3A_205, %get3A_206, %get3A_207] : memref<1x16x512x256xf32, #tpu.memory_space<vmem>>, vector<1x1x512x256xf32>
    %get3A_209 = vector.shape_cast %get3A_208 : vector<1x1x512x256xf32> to vector<512x256xf32>
    %slice3A_210 = vector.extract_strided_slice %get3A_209 {offsets = [0, 0], sizes = [512, 64], strides = [1, 1]} : vector<512x256xf32> to vector<512x64xf32>
    %slice3A_211 = vector.extract_strided_slice %get3A_209 {offsets = [0, 64], sizes = [512, 64], strides = [1, 1]} : vector<512x256xf32> to vector<512x64xf32>
    %slice3A_212 = vector.extract_strided_slice %get3A_209 {offsets = [0, 128], sizes = [512, 64], strides = [1, 1]} : vector<512x256xf32> to vector<512x64xf32>
    %sub3A_213 = arith.subf %slice3A, %slice3A_210 : vector<512x64xf32>
    %max3A_214 = arith.constant 0.000000e+00 : f32
    %max3A_215 = vector.broadcast %max3A_214 : f32 to vector<512x64xf32>
    %max3A_216 = arith.maximumf %sub3A_213, %max3A_215 : vector<512x64xf32>
    %convert_element_type3A_217 = arith.truncf %max3A_216 : vector<512x64xf32> to vector<512x64xbf16>
    %dot_general3A_218 = arith.constant dense<0.000000e+00> : vector<512x128xf32>
    %dot_general3A_219 = tpu.matmul %convert_element_type3A_217, %get3A_8, %dot_general3A_218 {dimension_numbers = #tpu.dot_dimension_numbers<[1], [0], [0], [1], [0, 0, 1, 1], [], []>, transpose_lhs_hint = false} : vector<512x64xbf16>, vector<64x128xbf16>, vector<512x128xf32> -> vector<512x128xf32>
    %slice3A_220 = vector.extract_strided_slice %dot_general3A_219 {offsets = [0, 0], sizes = [512, 64], strides = [1, 1]} : vector<512x128xf32> to vector<512x64xf32>
    %add3A_221 = vector.broadcast %get3A_20 : vector<1x64xf32> to vector<512x64xf32>
    %add3A_222 = arith.addf %slice3A_220, %add3A_221 : vector<512x64xf32>
    %sub3A_223 = arith.subf %slice3A_4, %slice3A_211 : vector<512x64xf32>
    %slice3A_224 = vector.extract_strided_slice %dot_general3A_219 {offsets = [0, 64], sizes = [512, 64], strides = [1, 1]} : vector<512x128xf32> to vector<512x64xf32>
    %add3A_225 = arith.addf %sub3A_223, %slice3A_224 : vector<512x64xf32>
    %add3A_226 = vector.broadcast %get3A_11 : vector<1x64xf32> to vector<512x64xf32>
    %add3A_227 = arith.addf %add3A_225, %add3A_226 : vector<512x64xf32>
    %max3A_228 = arith.constant 0.000000e+00 : f32
    %max3A_229 = vector.broadcast %max3A_228 : f32 to vector<512x64xf32>
    %max3A_230 = arith.maximumf %add3A_227, %max3A_229 : vector<512x64xf32>
    %convert_element_type3A_231 = arith.truncf %max3A_230 : vector<512x64xf32> to vector<512x64xbf16>
    %dot_general3A_232 = arith.constant dense<0.000000e+00> : vector<512x64xf32>
    %dot_general3A_233 = tpu.matmul %convert_element_type3A_231, %convert_element_type3A, %dot_general3A_232 {dimension_numbers = #tpu.dot_dimension_numbers<[1], [0], [0], [1], [0, 0, 1, 1], [], []>, transpose_lhs_hint = false} : vector<512x64xbf16>, vector<64x64xbf16>, vector<512x64xf32> -> vector<512x64xf32>
    %add3A_234 = vector.broadcast %get3A_17 : vector<1x64xf32> to vector<512x64xf32>
    %add3A_235 = arith.addf %dot_general3A_233, %add3A_234 : vector<512x64xf32>
    %mul3A_236 = arith.constant 1.250000e-01 : f32
    %mul3A_237 = vector.broadcast %mul3A_236 : f32 to vector<512x64xf32>
    %mul3A_238 = arith.mulf %add3A_235, %mul3A_237 : vector<512x64xf32>
    %add3A_239 = arith.addf %slice3A_212, %add3A_222 : vector<512x64xf32>
    %max3A_240 = arith.maximumf %max3A_194, %mul3A_238 : vector<512x64xf32>
    %sub3A_241 = arith.subf %max3A_194, %max3A_240 : vector<512x64xf32>
    %exp3A_242 = math.exp %sub3A_241 : vector<512x64xf32>
    %sub3A_243 = arith.subf %mul3A_238, %max3A_240 : vector<512x64xf32>
    %exp3A_244 = math.exp %sub3A_243 : vector<512x64xf32>
    %mul3A_245 = arith.mulf %add3A_200, %exp3A_242 : vector<512x64xf32>
    %add3A_246 = arith.addf %mul3A_245, %exp3A_244 : vector<512x64xf32>
    %mul3A_247 = arith.mulf %add3A_203, %exp3A_242 : vector<512x64xf32>
    %mul3A_248 = arith.mulf %exp3A_244, %add3A_239 : vector<512x64xf32>
    %add3A_249 = arith.addf %mul3A_247, %mul3A_248 : vector<512x64xf32>
    %get3A_250 = arith.constant 0 : index
    %get3A_251 = arith.constant 5 : index
    %get3A_252 = arith.constant 0 : index
    %get3A_253 = arith.constant 0 : index
    %get3A_254 = vector.load %arg3[%get3A_250, %get3A_251, %get3A_252, %get3A_253] : memref<1x16x512x256xf32, #tpu.memory_space<vmem>>, vector<1x1x512x256xf32>
    %get3A_255 = vector.shape_cast %get3A_254 : vector<1x1x512x256xf32> to vector<512x256xf32>
    %slice3A_256 = vector.extract_strided_slice %get3A_255 {offsets = [0, 0], sizes = [512, 64], strides = [1, 1]} : vector<512x256xf32> to vector<512x64xf32>
    %slice3A_257 = vector.extract_strided_slice %get3A_255 {offsets = [0, 64], sizes = [512, 64], strides = [1, 1]} : vector<512x256xf32> to vector<512x64xf32>
    %slice3A_258 = vector.extract_strided_slice %get3A_255 {offsets = [0, 128], sizes = [512, 64], strides = [1, 1]} : vector<512x256xf32> to vector<512x64xf32>
    %sub3A_259 = arith.subf %slice3A, %slice3A_256 : vector<512x64xf32>
    %max3A_260 = arith.constant 0.000000e+00 : f32
    %max3A_261 = vector.broadcast %max3A_260 : f32 to vector<512x64xf32>
    %max3A_262 = arith.maximumf %sub3A_259, %max3A_261 : vector<512x64xf32>
    %convert_element_type3A_263 = arith.truncf %max3A_262 : vector<512x64xf32> to vector<512x64xbf16>
    %dot_general3A_264 = arith.constant dense<0.000000e+00> : vector<512x128xf32>
    %dot_general3A_265 = tpu.matmul %convert_element_type3A_263, %get3A_8, %dot_general3A_264 {dimension_numbers = #tpu.dot_dimension_numbers<[1], [0], [0], [1], [0, 0, 1, 1], [], []>, transpose_lhs_hint = false} : vector<512x64xbf16>, vector<64x128xbf16>, vector<512x128xf32> -> vector<512x128xf32>
    %slice3A_266 = vector.extract_strided_slice %dot_general3A_265 {offsets = [0, 0], sizes = [512, 64], strides = [1, 1]} : vector<512x128xf32> to vector<512x64xf32>
    %add3A_267 = vector.broadcast %get3A_20 : vector<1x64xf32> to vector<512x64xf32>
    %add3A_268 = arith.addf %slice3A_266, %add3A_267 : vector<512x64xf32>
    %sub3A_269 = arith.subf %slice3A_4, %slice3A_257 : vector<512x64xf32>
    %slice3A_270 = vector.extract_strided_slice %dot_general3A_265 {offsets = [0, 64], sizes = [512, 64], strides = [1, 1]} : vector<512x128xf32> to vector<512x64xf32>
    %add3A_271 = arith.addf %sub3A_269, %slice3A_270 : vector<512x64xf32>
    %add3A_272 = vector.broadcast %get3A_11 : vector<1x64xf32> to vector<512x64xf32>
    %add3A_273 = arith.addf %add3A_271, %add3A_272 : vector<512x64xf32>
    %max3A_274 = arith.constant 0.000000e+00 : f32
    %max3A_275 = vector.broadcast %max3A_274 : f32 to vector<512x64xf32>
    %max3A_276 = arith.maximumf %add3A_273, %max3A_275 : vector<512x64xf32>
    %convert_element_type3A_277 = arith.truncf %max3A_276 : vector<512x64xf32> to vector<512x64xbf16>
    %dot_general3A_278 = arith.constant dense<0.000000e+00> : vector<512x64xf32>
    %dot_general3A_279 = tpu.matmul %convert_element_type3A_277, %convert_element_type3A, %dot_general3A_278 {dimension_numbers = #tpu.dot_dimension_numbers<[1], [0], [0], [1], [0, 0, 1, 1], [], []>, transpose_lhs_hint = false} : vector<512x64xbf16>, vector<64x64xbf16>, vector<512x64xf32> -> vector<512x64xf32>
    %add3A_280 = vector.broadcast %get3A_17 : vector<1x64xf32> to vector<512x64xf32>
    %add3A_281 = arith.addf %dot_general3A_279, %add3A_280 : vector<512x64xf32>
    %mul3A_282 = arith.constant 1.250000e-01 : f32
    %mul3A_283 = vector.broadcast %mul3A_282 : f32 to vector<512x64xf32>
    %mul3A_284 = arith.mulf %add3A_281, %mul3A_283 : vector<512x64xf32>
    %add3A_285 = arith.addf %slice3A_258, %add3A_268 : vector<512x64xf32>
    %max3A_286 = arith.maximumf %max3A_240, %mul3A_284 : vector<512x64xf32>
    %sub3A_287 = arith.subf %max3A_240, %max3A_286 : vector<512x64xf32>
    %exp3A_288 = math.exp %sub3A_287 : vector<512x64xf32>
    %sub3A_289 = arith.subf %mul3A_284, %max3A_286 : vector<512x64xf32>
    %exp3A_290 = math.exp %sub3A_289 : vector<512x64xf32>
    %mul3A_291 = arith.mulf %add3A_246, %exp3A_288 : vector<512x64xf32>
    %add3A_292 = arith.addf %mul3A_291, %exp3A_290 : vector<512x64xf32>
    %mul3A_293 = arith.mulf %add3A_249, %exp3A_288 : vector<512x64xf32>
    %mul3A_294 = arith.mulf %exp3A_290, %add3A_285 : vector<512x64xf32>
    %add3A_295 = arith.addf %mul3A_293, %mul3A_294 : vector<512x64xf32>
    %get3A_296 = arith.constant 0 : index
    %get3A_297 = arith.constant 6 : index
    %get3A_298 = arith.constant 0 : index
    %get3A_299 = arith.constant 0 : index
    %get3A_300 = vector.load %arg3[%get3A_296, %get3A_297, %get3A_298, %get3A_299] : memref<1x16x512x256xf32, #tpu.memory_space<vmem>>, vector<1x1x512x256xf32>
    %get3A_301 = vector.shape_cast %get3A_300 : vector<1x1x512x256xf32> to vector<512x256xf32>
    %slice3A_302 = vector.extract_strided_slice %get3A_301 {offsets = [0, 0], sizes = [512, 64], strides = [1, 1]} : vector<512x256xf32> to vector<512x64xf32>
    %slice3A_303 = vector.extract_strided_slice %get3A_301 {offsets = [0, 64], sizes = [512, 64], strides = [1, 1]} : vector<512x256xf32> to vector<512x64xf32>
    %slice3A_304 = vector.extract_strided_slice %get3A_301 {offsets = [0, 128], sizes = [512, 64], strides = [1, 1]} : vector<512x256xf32> to vector<512x64xf32>
    %sub3A_305 = arith.subf %slice3A, %slice3A_302 : vector<512x64xf32>
    %max3A_306 = arith.constant 0.000000e+00 : f32
    %max3A_307 = vector.broadcast %max3A_306 : f32 to vector<512x64xf32>
    %max3A_308 = arith.maximumf %sub3A_305, %max3A_307 : vector<512x64xf32>
    %convert_element_type3A_309 = arith.truncf %max3A_308 : vector<512x64xf32> to vector<512x64xbf16>
    %dot_general3A_310 = arith.constant dense<0.000000e+00> : vector<512x128xf32>
    %dot_general3A_311 = tpu.matmul %convert_element_type3A_309, %get3A_8, %dot_general3A_310 {dimension_numbers = #tpu.dot_dimension_numbers<[1], [0], [0], [1], [0, 0, 1, 1], [], []>, transpose_lhs_hint = false} : vector<512x64xbf16>, vector<64x128xbf16>, vector<512x128xf32> -> vector<512x128xf32>
    %slice3A_312 = vector.extract_strided_slice %dot_general3A_311 {offsets = [0, 0], sizes = [512, 64], strides = [1, 1]} : vector<512x128xf32> to vector<512x64xf32>
    %add3A_313 = vector.broadcast %get3A_20 : vector<1x64xf32> to vector<512x64xf32>
    %add3A_314 = arith.addf %slice3A_312, %add3A_313 : vector<512x64xf32>
    %sub3A_315 = arith.subf %slice3A_4, %slice3A_303 : vector<512x64xf32>
    %slice3A_316 = vector.extract_strided_slice %dot_general3A_311 {offsets = [0, 64], sizes = [512, 64], strides = [1, 1]} : vector<512x128xf32> to vector<512x64xf32>
    %add3A_317 = arith.addf %sub3A_315, %slice3A_316 : vector<512x64xf32>
    %add3A_318 = vector.broadcast %get3A_11 : vector<1x64xf32> to vector<512x64xf32>
    %add3A_319 = arith.addf %add3A_317, %add3A_318 : vector<512x64xf32>
    %max3A_320 = arith.constant 0.000000e+00 : f32
    %max3A_321 = vector.broadcast %max3A_320 : f32 to vector<512x64xf32>
    %max3A_322 = arith.maximumf %add3A_319, %max3A_321 : vector<512x64xf32>
    %convert_element_type3A_323 = arith.truncf %max3A_322 : vector<512x64xf32> to vector<512x64xbf16>
    %dot_general3A_324 = arith.constant dense<0.000000e+00> : vector<512x64xf32>
    %dot_general3A_325 = tpu.matmul %convert_element_type3A_323, %convert_element_type3A, %dot_general3A_324 {dimension_numbers = #tpu.dot_dimension_numbers<[1], [0], [0], [1], [0, 0, 1, 1], [], []>, transpose_lhs_hint = false} : vector<512x64xbf16>, vector<64x64xbf16>, vector<512x64xf32> -> vector<512x64xf32>
    %add3A_326 = vector.broadcast %get3A_17 : vector<1x64xf32> to vector<512x64xf32>
    %add3A_327 = arith.addf %dot_general3A_325, %add3A_326 : vector<512x64xf32>
    %mul3A_328 = arith.constant 1.250000e-01 : f32
    %mul3A_329 = vector.broadcast %mul3A_328 : f32 to vector<512x64xf32>
    %mul3A_330 = arith.mulf %add3A_327, %mul3A_329 : vector<512x64xf32>
    %add3A_331 = arith.addf %slice3A_304, %add3A_314 : vector<512x64xf32>
    %max3A_332 = arith.maximumf %max3A_286, %mul3A_330 : vector<512x64xf32>
    %sub3A_333 = arith.subf %max3A_286, %max3A_332 : vector<512x64xf32>
    %exp3A_334 = math.exp %sub3A_333 : vector<512x64xf32>
    %sub3A_335 = arith.subf %mul3A_330, %max3A_332 : vector<512x64xf32>
    %exp3A_336 = math.exp %sub3A_335 : vector<512x64xf32>
    %mul3A_337 = arith.mulf %add3A_292, %exp3A_334 : vector<512x64xf32>
    %add3A_338 = arith.addf %mul3A_337, %exp3A_336 : vector<512x64xf32>
    %mul3A_339 = arith.mulf %add3A_295, %exp3A_334 : vector<512x64xf32>
    %mul3A_340 = arith.mulf %exp3A_336, %add3A_331 : vector<512x64xf32>
    %add3A_341 = arith.addf %mul3A_339, %mul3A_340 : vector<512x64xf32>
    %get3A_342 = arith.constant 0 : index
    %get3A_343 = arith.constant 7 : index
    %get3A_344 = arith.constant 0 : index
    %get3A_345 = arith.constant 0 : index
    %get3A_346 = vector.load %arg3[%get3A_342, %get3A_343, %get3A_344, %get3A_345] : memref<1x16x512x256xf32, #tpu.memory_space<vmem>>, vector<1x1x512x256xf32>
    %get3A_347 = vector.shape_cast %get3A_346 : vector<1x1x512x256xf32> to vector<512x256xf32>
    %slice3A_348 = vector.extract_strided_slice %get3A_347 {offsets = [0, 0], sizes = [512, 64], strides = [1, 1]} : vector<512x256xf32> to vector<512x64xf32>
    %slice3A_349 = vector.extract_strided_slice %get3A_347 {offsets = [0, 64], sizes = [512, 64], strides = [1, 1]} : vector<512x256xf32> to vector<512x64xf32>
    %slice3A_350 = vector.extract_strided_slice %get3A_347 {offsets = [0, 128], sizes = [512, 64], strides = [1, 1]} : vector<512x256xf32> to vector<512x64xf32>
    %sub3A_351 = arith.subf %slice3A, %slice3A_348 : vector<512x64xf32>
    %max3A_352 = arith.constant 0.000000e+00 : f32
    %max3A_353 = vector.broadcast %max3A_352 : f32 to vector<512x64xf32>
    %max3A_354 = arith.maximumf %sub3A_351, %max3A_353 : vector<512x64xf32>
    %convert_element_type3A_355 = arith.truncf %max3A_354 : vector<512x64xf32> to vector<512x64xbf16>
    %dot_general3A_356 = arith.constant dense<0.000000e+00> : vector<512x128xf32>
    %dot_general3A_357 = tpu.matmul %convert_element_type3A_355, %get3A_8, %dot_general3A_356 {dimension_numbers = #tpu.dot_dimension_numbers<[1], [0], [0], [1], [0, 0, 1, 1], [], []>, transpose_lhs_hint = false} : vector<512x64xbf16>, vector<64x128xbf16>, vector<512x128xf32> -> vector<512x128xf32>
    %slice3A_358 = vector.extract_strided_slice %dot_general3A_357 {offsets = [0, 0], sizes = [512, 64], strides = [1, 1]} : vector<512x128xf32> to vector<512x64xf32>
    %add3A_359 = vector.broadcast %get3A_20 : vector<1x64xf32> to vector<512x64xf32>
    %add3A_360 = arith.addf %slice3A_358, %add3A_359 : vector<512x64xf32>
    %sub3A_361 = arith.subf %slice3A_4, %slice3A_349 : vector<512x64xf32>
    %slice3A_362 = vector.extract_strided_slice %dot_general3A_357 {offsets = [0, 64], sizes = [512, 64], strides = [1, 1]} : vector<512x128xf32> to vector<512x64xf32>
    %add3A_363 = arith.addf %sub3A_361, %slice3A_362 : vector<512x64xf32>
    %add3A_364 = vector.broadcast %get3A_11 : vector<1x64xf32> to vector<512x64xf32>
    %add3A_365 = arith.addf %add3A_363, %add3A_364 : vector<512x64xf32>
    %max3A_366 = arith.constant 0.000000e+00 : f32
    %max3A_367 = vector.broadcast %max3A_366 : f32 to vector<512x64xf32>
    %max3A_368 = arith.maximumf %add3A_365, %max3A_367 : vector<512x64xf32>
    %convert_element_type3A_369 = arith.truncf %max3A_368 : vector<512x64xf32> to vector<512x64xbf16>
    %dot_general3A_370 = arith.constant dense<0.000000e+00> : vector<512x64xf32>
    %dot_general3A_371 = tpu.matmul %convert_element_type3A_369, %convert_element_type3A, %dot_general3A_370 {dimension_numbers = #tpu.dot_dimension_numbers<[1], [0], [0], [1], [0, 0, 1, 1], [], []>, transpose_lhs_hint = false} : vector<512x64xbf16>, vector<64x64xbf16>, vector<512x64xf32> -> vector<512x64xf32>
    %add3A_372 = vector.broadcast %get3A_17 : vector<1x64xf32> to vector<512x64xf32>
    %add3A_373 = arith.addf %dot_general3A_371, %add3A_372 : vector<512x64xf32>
    %mul3A_374 = arith.constant 1.250000e-01 : f32
    %mul3A_375 = vector.broadcast %mul3A_374 : f32 to vector<512x64xf32>
    %mul3A_376 = arith.mulf %add3A_373, %mul3A_375 : vector<512x64xf32>
    %add3A_377 = arith.addf %slice3A_350, %add3A_360 : vector<512x64xf32>
    %max3A_378 = arith.maximumf %max3A_332, %mul3A_376 : vector<512x64xf32>
    %sub3A_379 = arith.subf %max3A_332, %max3A_378 : vector<512x64xf32>
    %exp3A_380 = math.exp %sub3A_379 : vector<512x64xf32>
    %sub3A_381 = arith.subf %mul3A_376, %max3A_378 : vector<512x64xf32>
    %exp3A_382 = math.exp %sub3A_381 : vector<512x64xf32>
    %mul3A_383 = arith.mulf %add3A_338, %exp3A_380 : vector<512x64xf32>
    %add3A_384 = arith.addf %mul3A_383, %exp3A_382 : vector<512x64xf32>
    %mul3A_385 = arith.mulf %add3A_341, %exp3A_380 : vector<512x64xf32>
    %mul3A_386 = arith.mulf %exp3A_382, %add3A_377 : vector<512x64xf32>
    %add3A_387 = arith.addf %mul3A_385, %mul3A_386 : vector<512x64xf32>
    %get3A_388 = arith.constant 0 : index
    %get3A_389 = arith.constant 8 : index
    %get3A_390 = arith.constant 0 : index
    %get3A_391 = arith.constant 0 : index
    %get3A_392 = vector.load %arg3[%get3A_388, %get3A_389, %get3A_390, %get3A_391] : memref<1x16x512x256xf32, #tpu.memory_space<vmem>>, vector<1x1x512x256xf32>
    %get3A_393 = vector.shape_cast %get3A_392 : vector<1x1x512x256xf32> to vector<512x256xf32>
    %slice3A_394 = vector.extract_strided_slice %get3A_393 {offsets = [0, 0], sizes = [512, 64], strides = [1, 1]} : vector<512x256xf32> to vector<512x64xf32>
    %slice3A_395 = vector.extract_strided_slice %get3A_393 {offsets = [0, 64], sizes = [512, 64], strides = [1, 1]} : vector<512x256xf32> to vector<512x64xf32>
    %slice3A_396 = vector.extract_strided_slice %get3A_393 {offsets = [0, 128], sizes = [512, 64], strides = [1, 1]} : vector<512x256xf32> to vector<512x64xf32>
    %sub3A_397 = arith.subf %slice3A, %slice3A_394 : vector<512x64xf32>
    %max3A_398 = arith.constant 0.000000e+00 : f32
    %max3A_399 = vector.broadcast %max3A_398 : f32 to vector<512x64xf32>
    %max3A_400 = arith.maximumf %sub3A_397, %max3A_399 : vector<512x64xf32>
    %convert_element_type3A_401 = arith.truncf %max3A_400 : vector<512x64xf32> to vector<512x64xbf16>
    %dot_general3A_402 = arith.constant dense<0.000000e+00> : vector<512x128xf32>
    %dot_general3A_403 = tpu.matmul %convert_element_type3A_401, %get3A_8, %dot_general3A_402 {dimension_numbers = #tpu.dot_dimension_numbers<[1], [0], [0], [1], [0, 0, 1, 1], [], []>, transpose_lhs_hint = false} : vector<512x64xbf16>, vector<64x128xbf16>, vector<512x128xf32> -> vector<512x128xf32>
    %slice3A_404 = vector.extract_strided_slice %dot_general3A_403 {offsets = [0, 0], sizes = [512, 64], strides = [1, 1]} : vector<512x128xf32> to vector<512x64xf32>
    %add3A_405 = vector.broadcast %get3A_20 : vector<1x64xf32> to vector<512x64xf32>
    %add3A_406 = arith.addf %slice3A_404, %add3A_405 : vector<512x64xf32>
    %sub3A_407 = arith.subf %slice3A_4, %slice3A_395 : vector<512x64xf32>
    %slice3A_408 = vector.extract_strided_slice %dot_general3A_403 {offsets = [0, 64], sizes = [512, 64], strides = [1, 1]} : vector<512x128xf32> to vector<512x64xf32>
    %add3A_409 = arith.addf %sub3A_407, %slice3A_408 : vector<512x64xf32>
    %add3A_410 = vector.broadcast %get3A_11 : vector<1x64xf32> to vector<512x64xf32>
    %add3A_411 = arith.addf %add3A_409, %add3A_410 : vector<512x64xf32>
    %max3A_412 = arith.constant 0.000000e+00 : f32
    %max3A_413 = vector.broadcast %max3A_412 : f32 to vector<512x64xf32>
    %max3A_414 = arith.maximumf %add3A_411, %max3A_413 : vector<512x64xf32>
    %convert_element_type3A_415 = arith.truncf %max3A_414 : vector<512x64xf32> to vector<512x64xbf16>
    %dot_general3A_416 = arith.constant dense<0.000000e+00> : vector<512x64xf32>
    %dot_general3A_417 = tpu.matmul %convert_element_type3A_415, %convert_element_type3A, %dot_general3A_416 {dimension_numbers = #tpu.dot_dimension_numbers<[1], [0], [0], [1], [0, 0, 1, 1], [], []>, transpose_lhs_hint = false} : vector<512x64xbf16>, vector<64x64xbf16>, vector<512x64xf32> -> vector<512x64xf32>
    %add3A_418 = vector.broadcast %get3A_17 : vector<1x64xf32> to vector<512x64xf32>
    %add3A_419 = arith.addf %dot_general3A_417, %add3A_418 : vector<512x64xf32>
    %mul3A_420 = arith.constant 1.250000e-01 : f32
    %mul3A_421 = vector.broadcast %mul3A_420 : f32 to vector<512x64xf32>
    %mul3A_422 = arith.mulf %add3A_419, %mul3A_421 : vector<512x64xf32>
    %add3A_423 = arith.addf %slice3A_396, %add3A_406 : vector<512x64xf32>
    %max3A_424 = arith.maximumf %max3A_378, %mul3A_422 : vector<512x64xf32>
    %sub3A_425 = arith.subf %max3A_378, %max3A_424 : vector<512x64xf32>
    %exp3A_426 = math.exp %sub3A_425 : vector<512x64xf32>
    %sub3A_427 = arith.subf %mul3A_422, %max3A_424 : vector<512x64xf32>
    %exp3A_428 = math.exp %sub3A_427 : vector<512x64xf32>
    %mul3A_429 = arith.mulf %add3A_384, %exp3A_426 : vector<512x64xf32>
    %add3A_430 = arith.addf %mul3A_429, %exp3A_428 : vector<512x64xf32>
    %mul3A_431 = arith.mulf %add3A_387, %exp3A_426 : vector<512x64xf32>
    %mul3A_432 = arith.mulf %exp3A_428, %add3A_423 : vector<512x64xf32>
    %add3A_433 = arith.addf %mul3A_431, %mul3A_432 : vector<512x64xf32>
    %get3A_434 = arith.constant 0 : index
    %get3A_435 = arith.constant 9 : index
    %get3A_436 = arith.constant 0 : index
    %get3A_437 = arith.constant 0 : index
    %get3A_438 = vector.load %arg3[%get3A_434, %get3A_435, %get3A_436, %get3A_437] : memref<1x16x512x256xf32, #tpu.memory_space<vmem>>, vector<1x1x512x256xf32>
    %get3A_439 = vector.shape_cast %get3A_438 : vector<1x1x512x256xf32> to vector<512x256xf32>
    %slice3A_440 = vector.extract_strided_slice %get3A_439 {offsets = [0, 0], sizes = [512, 64], strides = [1, 1]} : vector<512x256xf32> to vector<512x64xf32>
    %slice3A_441 = vector.extract_strided_slice %get3A_439 {offsets = [0, 64], sizes = [512, 64], strides = [1, 1]} : vector<512x256xf32> to vector<512x64xf32>
    %slice3A_442 = vector.extract_strided_slice %get3A_439 {offsets = [0, 128], sizes = [512, 64], strides = [1, 1]} : vector<512x256xf32> to vector<512x64xf32>
    %sub3A_443 = arith.subf %slice3A, %slice3A_440 : vector<512x64xf32>
    %max3A_444 = arith.constant 0.000000e+00 : f32
    %max3A_445 = vector.broadcast %max3A_444 : f32 to vector<512x64xf32>
    %max3A_446 = arith.maximumf %sub3A_443, %max3A_445 : vector<512x64xf32>
    %convert_element_type3A_447 = arith.truncf %max3A_446 : vector<512x64xf32> to vector<512x64xbf16>
    %dot_general3A_448 = arith.constant dense<0.000000e+00> : vector<512x128xf32>
    %dot_general3A_449 = tpu.matmul %convert_element_type3A_447, %get3A_8, %dot_general3A_448 {dimension_numbers = #tpu.dot_dimension_numbers<[1], [0], [0], [1], [0, 0, 1, 1], [], []>, transpose_lhs_hint = false} : vector<512x64xbf16>, vector<64x128xbf16>, vector<512x128xf32> -> vector<512x128xf32>
    %slice3A_450 = vector.extract_strided_slice %dot_general3A_449 {offsets = [0, 0], sizes = [512, 64], strides = [1, 1]} : vector<512x128xf32> to vector<512x64xf32>
    %add3A_451 = vector.broadcast %get3A_20 : vector<1x64xf32> to vector<512x64xf32>
    %add3A_452 = arith.addf %slice3A_450, %add3A_451 : vector<512x64xf32>
    %sub3A_453 = arith.subf %slice3A_4, %slice3A_441 : vector<512x64xf32>
    %slice3A_454 = vector.extract_strided_slice %dot_general3A_449 {offsets = [0, 64], sizes = [512, 64], strides = [1, 1]} : vector<512x128xf32> to vector<512x64xf32>
    %add3A_455 = arith.addf %sub3A_453, %slice3A_454 : vector<512x64xf32>
    %add3A_456 = vector.broadcast %get3A_11 : vector<1x64xf32> to vector<512x64xf32>
    %add3A_457 = arith.addf %add3A_455, %add3A_456 : vector<512x64xf32>
    %max3A_458 = arith.constant 0.000000e+00 : f32
    %max3A_459 = vector.broadcast %max3A_458 : f32 to vector<512x64xf32>
    %max3A_460 = arith.maximumf %add3A_457, %max3A_459 : vector<512x64xf32>
    %convert_element_type3A_461 = arith.truncf %max3A_460 : vector<512x64xf32> to vector<512x64xbf16>
    %dot_general3A_462 = arith.constant dense<0.000000e+00> : vector<512x64xf32>
    %dot_general3A_463 = tpu.matmul %convert_element_type3A_461, %convert_element_type3A, %dot_general3A_462 {dimension_numbers = #tpu.dot_dimension_numbers<[1], [0], [0], [1], [0, 0, 1, 1], [], []>, transpose_lhs_hint = false} : vector<512x64xbf16>, vector<64x64xbf16>, vector<512x64xf32> -> vector<512x64xf32>
    %add3A_464 = vector.broadcast %get3A_17 : vector<1x64xf32> to vector<512x64xf32>
    %add3A_465 = arith.addf %dot_general3A_463, %add3A_464 : vector<512x64xf32>
    %mul3A_466 = arith.constant 1.250000e-01 : f32
    %mul3A_467 = vector.broadcast %mul3A_466 : f32 to vector<512x64xf32>
    %mul3A_468 = arith.mulf %add3A_465, %mul3A_467 : vector<512x64xf32>
    %add3A_469 = arith.addf %slice3A_442, %add3A_452 : vector<512x64xf32>
    %max3A_470 = arith.maximumf %max3A_424, %mul3A_468 : vector<512x64xf32>
    %sub3A_471 = arith.subf %max3A_424, %max3A_470 : vector<512x64xf32>
    %exp3A_472 = math.exp %sub3A_471 : vector<512x64xf32>
    %sub3A_473 = arith.subf %mul3A_468, %max3A_470 : vector<512x64xf32>
    %exp3A_474 = math.exp %sub3A_473 : vector<512x64xf32>
    %mul3A_475 = arith.mulf %add3A_430, %exp3A_472 : vector<512x64xf32>
    %add3A_476 = arith.addf %mul3A_475, %exp3A_474 : vector<512x64xf32>
    %mul3A_477 = arith.mulf %add3A_433, %exp3A_472 : vector<512x64xf32>
    %mul3A_478 = arith.mulf %exp3A_474, %add3A_469 : vector<512x64xf32>
    %add3A_479 = arith.addf %mul3A_477, %mul3A_478 : vector<512x64xf32>
    %get3A_480 = arith.constant 0 : index
    %get3A_481 = arith.constant 10 : index
    %get3A_482 = arith.constant 0 : index
    %get3A_483 = arith.constant 0 : index
    %get3A_484 = vector.load %arg3[%get3A_480, %get3A_481, %get3A_482, %get3A_483] : memref<1x16x512x256xf32, #tpu.memory_space<vmem>>, vector<1x1x512x256xf32>
    %get3A_485 = vector.shape_cast %get3A_484 : vector<1x1x512x256xf32> to vector<512x256xf32>
    %slice3A_486 = vector.extract_strided_slice %get3A_485 {offsets = [0, 0], sizes = [512, 64], strides = [1, 1]} : vector<512x256xf32> to vector<512x64xf32>
    %slice3A_487 = vector.extract_strided_slice %get3A_485 {offsets = [0, 64], sizes = [512, 64], strides = [1, 1]} : vector<512x256xf32> to vector<512x64xf32>
    %slice3A_488 = vector.extract_strided_slice %get3A_485 {offsets = [0, 128], sizes = [512, 64], strides = [1, 1]} : vector<512x256xf32> to vector<512x64xf32>
    %sub3A_489 = arith.subf %slice3A, %slice3A_486 : vector<512x64xf32>
    %max3A_490 = arith.constant 0.000000e+00 : f32
    %max3A_491 = vector.broadcast %max3A_490 : f32 to vector<512x64xf32>
    %max3A_492 = arith.maximumf %sub3A_489, %max3A_491 : vector<512x64xf32>
    %convert_element_type3A_493 = arith.truncf %max3A_492 : vector<512x64xf32> to vector<512x64xbf16>
    %dot_general3A_494 = arith.constant dense<0.000000e+00> : vector<512x128xf32>
    %dot_general3A_495 = tpu.matmul %convert_element_type3A_493, %get3A_8, %dot_general3A_494 {dimension_numbers = #tpu.dot_dimension_numbers<[1], [0], [0], [1], [0, 0, 1, 1], [], []>, transpose_lhs_hint = false} : vector<512x64xbf16>, vector<64x128xbf16>, vector<512x128xf32> -> vector<512x128xf32>
    %slice3A_496 = vector.extract_strided_slice %dot_general3A_495 {offsets = [0, 0], sizes = [512, 64], strides = [1, 1]} : vector<512x128xf32> to vector<512x64xf32>
    %add3A_497 = vector.broadcast %get3A_20 : vector<1x64xf32> to vector<512x64xf32>
    %add3A_498 = arith.addf %slice3A_496, %add3A_497 : vector<512x64xf32>
    %sub3A_499 = arith.subf %slice3A_4, %slice3A_487 : vector<512x64xf32>
    %slice3A_500 = vector.extract_strided_slice %dot_general3A_495 {offsets = [0, 64], sizes = [512, 64], strides = [1, 1]} : vector<512x128xf32> to vector<512x64xf32>
    %add3A_501 = arith.addf %sub3A_499, %slice3A_500 : vector<512x64xf32>
    %add3A_502 = vector.broadcast %get3A_11 : vector<1x64xf32> to vector<512x64xf32>
    %add3A_503 = arith.addf %add3A_501, %add3A_502 : vector<512x64xf32>
    %max3A_504 = arith.constant 0.000000e+00 : f32
    %max3A_505 = vector.broadcast %max3A_504 : f32 to vector<512x64xf32>
    %max3A_506 = arith.maximumf %add3A_503, %max3A_505 : vector<512x64xf32>
    %convert_element_type3A_507 = arith.truncf %max3A_506 : vector<512x64xf32> to vector<512x64xbf16>
    %dot_general3A_508 = arith.constant dense<0.000000e+00> : vector<512x64xf32>
    %dot_general3A_509 = tpu.matmul %convert_element_type3A_507, %convert_element_type3A, %dot_general3A_508 {dimension_numbers = #tpu.dot_dimension_numbers<[1], [0], [0], [1], [0, 0, 1, 1], [], []>, transpose_lhs_hint = false} : vector<512x64xbf16>, vector<64x64xbf16>, vector<512x64xf32> -> vector<512x64xf32>
    %add3A_510 = vector.broadcast %get3A_17 : vector<1x64xf32> to vector<512x64xf32>
    %add3A_511 = arith.addf %dot_general3A_509, %add3A_510 : vector<512x64xf32>
    %mul3A_512 = arith.constant 1.250000e-01 : f32
    %mul3A_513 = vector.broadcast %mul3A_512 : f32 to vector<512x64xf32>
    %mul3A_514 = arith.mulf %add3A_511, %mul3A_513 : vector<512x64xf32>
    %add3A_515 = arith.addf %slice3A_488, %add3A_498 : vector<512x64xf32>
    %max3A_516 = arith.maximumf %max3A_470, %mul3A_514 : vector<512x64xf32>
    %sub3A_517 = arith.subf %max3A_470, %max3A_516 : vector<512x64xf32>
    %exp3A_518 = math.exp %sub3A_517 : vector<512x64xf32>
    %sub3A_519 = arith.subf %mul3A_514, %max3A_516 : vector<512x64xf32>
    %exp3A_520 = math.exp %sub3A_519 : vector<512x64xf32>
    %mul3A_521 = arith.mulf %add3A_476, %exp3A_518 : vector<512x64xf32>
    %add3A_522 = arith.addf %mul3A_521, %exp3A_520 : vector<512x64xf32>
    %mul3A_523 = arith.mulf %add3A_479, %exp3A_518 : vector<512x64xf32>
    %mul3A_524 = arith.mulf %exp3A_520, %add3A_515 : vector<512x64xf32>
    %add3A_525 = arith.addf %mul3A_523, %mul3A_524 : vector<512x64xf32>
    %get3A_526 = arith.constant 0 : index
    %get3A_527 = arith.constant 11 : index
    %get3A_528 = arith.constant 0 : index
    %get3A_529 = arith.constant 0 : index
    %get3A_530 = vector.load %arg3[%get3A_526, %get3A_527, %get3A_528, %get3A_529] : memref<1x16x512x256xf32, #tpu.memory_space<vmem>>, vector<1x1x512x256xf32>
    %get3A_531 = vector.shape_cast %get3A_530 : vector<1x1x512x256xf32> to vector<512x256xf32>
    %slice3A_532 = vector.extract_strided_slice %get3A_531 {offsets = [0, 0], sizes = [512, 64], strides = [1, 1]} : vector<512x256xf32> to vector<512x64xf32>
    %slice3A_533 = vector.extract_strided_slice %get3A_531 {offsets = [0, 64], sizes = [512, 64], strides = [1, 1]} : vector<512x256xf32> to vector<512x64xf32>
    %slice3A_534 = vector.extract_strided_slice %get3A_531 {offsets = [0, 128], sizes = [512, 64], strides = [1, 1]} : vector<512x256xf32> to vector<512x64xf32>
    %sub3A_535 = arith.subf %slice3A, %slice3A_532 : vector<512x64xf32>
    %max3A_536 = arith.constant 0.000000e+00 : f32
    %max3A_537 = vector.broadcast %max3A_536 : f32 to vector<512x64xf32>
    %max3A_538 = arith.maximumf %sub3A_535, %max3A_537 : vector<512x64xf32>
    %convert_element_type3A_539 = arith.truncf %max3A_538 : vector<512x64xf32> to vector<512x64xbf16>
    %dot_general3A_540 = arith.constant dense<0.000000e+00> : vector<512x128xf32>
    %dot_general3A_541 = tpu.matmul %convert_element_type3A_539, %get3A_8, %dot_general3A_540 {dimension_numbers = #tpu.dot_dimension_numbers<[1], [0], [0], [1], [0, 0, 1, 1], [], []>, transpose_lhs_hint = false} : vector<512x64xbf16>, vector<64x128xbf16>, vector<512x128xf32> -> vector<512x128xf32>
    %slice3A_542 = vector.extract_strided_slice %dot_general3A_541 {offsets = [0, 0], sizes = [512, 64], strides = [1, 1]} : vector<512x128xf32> to vector<512x64xf32>
    %add3A_543 = vector.broadcast %get3A_20 : vector<1x64xf32> to vector<512x64xf32>
    %add3A_544 = arith.addf %slice3A_542, %add3A_543 : vector<512x64xf32>
    %sub3A_545 = arith.subf %slice3A_4, %slice3A_533 : vector<512x64xf32>
    %slice3A_546 = vector.extract_strided_slice %dot_general3A_541 {offsets = [0, 64], sizes = [512, 64], strides = [1, 1]} : vector<512x128xf32> to vector<512x64xf32>
    %add3A_547 = arith.addf %sub3A_545, %slice3A_546 : vector<512x64xf32>
    %add3A_548 = vector.broadcast %get3A_11 : vector<1x64xf32> to vector<512x64xf32>
    %add3A_549 = arith.addf %add3A_547, %add3A_548 : vector<512x64xf32>
    %max3A_550 = arith.constant 0.000000e+00 : f32
    %max3A_551 = vector.broadcast %max3A_550 : f32 to vector<512x64xf32>
    %max3A_552 = arith.maximumf %add3A_549, %max3A_551 : vector<512x64xf32>
    %convert_element_type3A_553 = arith.truncf %max3A_552 : vector<512x64xf32> to vector<512x64xbf16>
    %dot_general3A_554 = arith.constant dense<0.000000e+00> : vector<512x64xf32>
    %dot_general3A_555 = tpu.matmul %convert_element_type3A_553, %convert_element_type3A, %dot_general3A_554 {dimension_numbers = #tpu.dot_dimension_numbers<[1], [0], [0], [1], [0, 0, 1, 1], [], []>, transpose_lhs_hint = false} : vector<512x64xbf16>, vector<64x64xbf16>, vector<512x64xf32> -> vector<512x64xf32>
    %add3A_556 = vector.broadcast %get3A_17 : vector<1x64xf32> to vector<512x64xf32>
    %add3A_557 = arith.addf %dot_general3A_555, %add3A_556 : vector<512x64xf32>
    %mul3A_558 = arith.constant 1.250000e-01 : f32
    %mul3A_559 = vector.broadcast %mul3A_558 : f32 to vector<512x64xf32>
    %mul3A_560 = arith.mulf %add3A_557, %mul3A_559 : vector<512x64xf32>
    %add3A_561 = arith.addf %slice3A_534, %add3A_544 : vector<512x64xf32>
    %max3A_562 = arith.maximumf %max3A_516, %mul3A_560 : vector<512x64xf32>
    %sub3A_563 = arith.subf %max3A_516, %max3A_562 : vector<512x64xf32>
    %exp3A_564 = math.exp %sub3A_563 : vector<512x64xf32>
    %sub3A_565 = arith.subf %mul3A_560, %max3A_562 : vector<512x64xf32>
    %exp3A_566 = math.exp %sub3A_565 : vector<512x64xf32>
    %mul3A_567 = arith.mulf %add3A_522, %exp3A_564 : vector<512x64xf32>
    %add3A_568 = arith.addf %mul3A_567, %exp3A_566 : vector<512x64xf32>
    %mul3A_569 = arith.mulf %add3A_525, %exp3A_564 : vector<512x64xf32>
    %mul3A_570 = arith.mulf %exp3A_566, %add3A_561 : vector<512x64xf32>
    %add3A_571 = arith.addf %mul3A_569, %mul3A_570 : vector<512x64xf32>
    %get3A_572 = arith.constant 0 : index
    %get3A_573 = arith.constant 12 : index
    %get3A_574 = arith.constant 0 : index
    %get3A_575 = arith.constant 0 : index
    %get3A_576 = vector.load %arg3[%get3A_572, %get3A_573, %get3A_574, %get3A_575] : memref<1x16x512x256xf32, #tpu.memory_space<vmem>>, vector<1x1x512x256xf32>
    %get3A_577 = vector.shape_cast %get3A_576 : vector<1x1x512x256xf32> to vector<512x256xf32>
    %slice3A_578 = vector.extract_strided_slice %get3A_577 {offsets = [0, 0], sizes = [512, 64], strides = [1, 1]} : vector<512x256xf32> to vector<512x64xf32>
    %slice3A_579 = vector.extract_strided_slice %get3A_577 {offsets = [0, 64], sizes = [512, 64], strides = [1, 1]} : vector<512x256xf32> to vector<512x64xf32>
    %slice3A_580 = vector.extract_strided_slice %get3A_577 {offsets = [0, 128], sizes = [512, 64], strides = [1, 1]} : vector<512x256xf32> to vector<512x64xf32>
    %sub3A_581 = arith.subf %slice3A, %slice3A_578 : vector<512x64xf32>
    %max3A_582 = arith.constant 0.000000e+00 : f32
    %max3A_583 = vector.broadcast %max3A_582 : f32 to vector<512x64xf32>
    %max3A_584 = arith.maximumf %sub3A_581, %max3A_583 : vector<512x64xf32>
    %convert_element_type3A_585 = arith.truncf %max3A_584 : vector<512x64xf32> to vector<512x64xbf16>
    %dot_general3A_586 = arith.constant dense<0.000000e+00> : vector<512x128xf32>
    %dot_general3A_587 = tpu.matmul %convert_element_type3A_585, %get3A_8, %dot_general3A_586 {dimension_numbers = #tpu.dot_dimension_numbers<[1], [0], [0], [1], [0, 0, 1, 1], [], []>, transpose_lhs_hint = false} : vector<512x64xbf16>, vector<64x128xbf16>, vector<512x128xf32> -> vector<512x128xf32>
    %slice3A_588 = vector.extract_strided_slice %dot_general3A_587 {offsets = [0, 0], sizes = [512, 64], strides = [1, 1]} : vector<512x128xf32> to vector<512x64xf32>
    %add3A_589 = vector.broadcast %get3A_20 : vector<1x64xf32> to vector<512x64xf32>
    %add3A_590 = arith.addf %slice3A_588, %add3A_589 : vector<512x64xf32>
    %sub3A_591 = arith.subf %slice3A_4, %slice3A_579 : vector<512x64xf32>
    %slice3A_592 = vector.extract_strided_slice %dot_general3A_587 {offsets = [0, 64], sizes = [512, 64], strides = [1, 1]} : vector<512x128xf32> to vector<512x64xf32>
    %add3A_593 = arith.addf %sub3A_591, %slice3A_592 : vector<512x64xf32>
    %add3A_594 = vector.broadcast %get3A_11 : vector<1x64xf32> to vector<512x64xf32>
    %add3A_595 = arith.addf %add3A_593, %add3A_594 : vector<512x64xf32>
    %max3A_596 = arith.constant 0.000000e+00 : f32
    %max3A_597 = vector.broadcast %max3A_596 : f32 to vector<512x64xf32>
    %max3A_598 = arith.maximumf %add3A_595, %max3A_597 : vector<512x64xf32>
    %convert_element_type3A_599 = arith.truncf %max3A_598 : vector<512x64xf32> to vector<512x64xbf16>
    %dot_general3A_600 = arith.constant dense<0.000000e+00> : vector<512x64xf32>
    %dot_general3A_601 = tpu.matmul %convert_element_type3A_599, %convert_element_type3A, %dot_general3A_600 {dimension_numbers = #tpu.dot_dimension_numbers<[1], [0], [0], [1], [0, 0, 1, 1], [], []>, transpose_lhs_hint = false} : vector<512x64xbf16>, vector<64x64xbf16>, vector<512x64xf32> -> vector<512x64xf32>
    %add3A_602 = vector.broadcast %get3A_17 : vector<1x64xf32> to vector<512x64xf32>
    %add3A_603 = arith.addf %dot_general3A_601, %add3A_602 : vector<512x64xf32>
    %mul3A_604 = arith.constant 1.250000e-01 : f32
    %mul3A_605 = vector.broadcast %mul3A_604 : f32 to vector<512x64xf32>
    %mul3A_606 = arith.mulf %add3A_603, %mul3A_605 : vector<512x64xf32>
    %add3A_607 = arith.addf %slice3A_580, %add3A_590 : vector<512x64xf32>
    %max3A_608 = arith.maximumf %max3A_562, %mul3A_606 : vector<512x64xf32>
    %sub3A_609 = arith.subf %max3A_562, %max3A_608 : vector<512x64xf32>
    %exp3A_610 = math.exp %sub3A_609 : vector<512x64xf32>
    %sub3A_611 = arith.subf %mul3A_606, %max3A_608 : vector<512x64xf32>
    %exp3A_612 = math.exp %sub3A_611 : vector<512x64xf32>
    %mul3A_613 = arith.mulf %add3A_568, %exp3A_610 : vector<512x64xf32>
    %add3A_614 = arith.addf %mul3A_613, %exp3A_612 : vector<512x64xf32>
    %mul3A_615 = arith.mulf %add3A_571, %exp3A_610 : vector<512x64xf32>
    %mul3A_616 = arith.mulf %exp3A_612, %add3A_607 : vector<512x64xf32>
    %add3A_617 = arith.addf %mul3A_615, %mul3A_616 : vector<512x64xf32>
    %get3A_618 = arith.constant 0 : index
    %get3A_619 = arith.constant 13 : index
    %get3A_620 = arith.constant 0 : index
    %get3A_621 = arith.constant 0 : index
    %get3A_622 = vector.load %arg3[%get3A_618, %get3A_619, %get3A_620, %get3A_621] : memref<1x16x512x256xf32, #tpu.memory_space<vmem>>, vector<1x1x512x256xf32>
    %get3A_623 = vector.shape_cast %get3A_622 : vector<1x1x512x256xf32> to vector<512x256xf32>
    %slice3A_624 = vector.extract_strided_slice %get3A_623 {offsets = [0, 0], sizes = [512, 64], strides = [1, 1]} : vector<512x256xf32> to vector<512x64xf32>
    %slice3A_625 = vector.extract_strided_slice %get3A_623 {offsets = [0, 64], sizes = [512, 64], strides = [1, 1]} : vector<512x256xf32> to vector<512x64xf32>
    %slice3A_626 = vector.extract_strided_slice %get3A_623 {offsets = [0, 128], sizes = [512, 64], strides = [1, 1]} : vector<512x256xf32> to vector<512x64xf32>
    %sub3A_627 = arith.subf %slice3A, %slice3A_624 : vector<512x64xf32>
    %max3A_628 = arith.constant 0.000000e+00 : f32
    %max3A_629 = vector.broadcast %max3A_628 : f32 to vector<512x64xf32>
    %max3A_630 = arith.maximumf %sub3A_627, %max3A_629 : vector<512x64xf32>
    %convert_element_type3A_631 = arith.truncf %max3A_630 : vector<512x64xf32> to vector<512x64xbf16>
    %dot_general3A_632 = arith.constant dense<0.000000e+00> : vector<512x128xf32>
    %dot_general3A_633 = tpu.matmul %convert_element_type3A_631, %get3A_8, %dot_general3A_632 {dimension_numbers = #tpu.dot_dimension_numbers<[1], [0], [0], [1], [0, 0, 1, 1], [], []>, transpose_lhs_hint = false} : vector<512x64xbf16>, vector<64x128xbf16>, vector<512x128xf32> -> vector<512x128xf32>
    %slice3A_634 = vector.extract_strided_slice %dot_general3A_633 {offsets = [0, 0], sizes = [512, 64], strides = [1, 1]} : vector<512x128xf32> to vector<512x64xf32>
    %add3A_635 = vector.broadcast %get3A_20 : vector<1x64xf32> to vector<512x64xf32>
    %add3A_636 = arith.addf %slice3A_634, %add3A_635 : vector<512x64xf32>
    %sub3A_637 = arith.subf %slice3A_4, %slice3A_625 : vector<512x64xf32>
    %slice3A_638 = vector.extract_strided_slice %dot_general3A_633 {offsets = [0, 64], sizes = [512, 64], strides = [1, 1]} : vector<512x128xf32> to vector<512x64xf32>
    %add3A_639 = arith.addf %sub3A_637, %slice3A_638 : vector<512x64xf32>
    %add3A_640 = vector.broadcast %get3A_11 : vector<1x64xf32> to vector<512x64xf32>
    %add3A_641 = arith.addf %add3A_639, %add3A_640 : vector<512x64xf32>
    %max3A_642 = arith.constant 0.000000e+00 : f32
    %max3A_643 = vector.broadcast %max3A_642 : f32 to vector<512x64xf32>
    %max3A_644 = arith.maximumf %add3A_641, %max3A_643 : vector<512x64xf32>
    %convert_element_type3A_645 = arith.truncf %max3A_644 : vector<512x64xf32> to vector<512x64xbf16>
    %dot_general3A_646 = arith.constant dense<0.000000e+00> : vector<512x64xf32>
    %dot_general3A_647 = tpu.matmul %convert_element_type3A_645, %convert_element_type3A, %dot_general3A_646 {dimension_numbers = #tpu.dot_dimension_numbers<[1], [0], [0], [1], [0, 0, 1, 1], [], []>, transpose_lhs_hint = false} : vector<512x64xbf16>, vector<64x64xbf16>, vector<512x64xf32> -> vector<512x64xf32>
    %add3A_648 = vector.broadcast %get3A_17 : vector<1x64xf32> to vector<512x64xf32>
    %add3A_649 = arith.addf %dot_general3A_647, %add3A_648 : vector<512x64xf32>
    %mul3A_650 = arith.constant 1.250000e-01 : f32
    %mul3A_651 = vector.broadcast %mul3A_650 : f32 to vector<512x64xf32>
    %mul3A_652 = arith.mulf %add3A_649, %mul3A_651 : vector<512x64xf32>
    %add3A_653 = arith.addf %slice3A_626, %add3A_636 : vector<512x64xf32>
    %max3A_654 = arith.maximumf %max3A_608, %mul3A_652 : vector<512x64xf32>
    %sub3A_655 = arith.subf %max3A_608, %max3A_654 : vector<512x64xf32>
    %exp3A_656 = math.exp %sub3A_655 : vector<512x64xf32>
    %sub3A_657 = arith.subf %mul3A_652, %max3A_654 : vector<512x64xf32>
    %exp3A_658 = math.exp %sub3A_657 : vector<512x64xf32>
    %mul3A_659 = arith.mulf %add3A_614, %exp3A_656 : vector<512x64xf32>
    %add3A_660 = arith.addf %mul3A_659, %exp3A_658 : vector<512x64xf32>
    %mul3A_661 = arith.mulf %add3A_617, %exp3A_656 : vector<512x64xf32>
    %mul3A_662 = arith.mulf %exp3A_658, %add3A_653 : vector<512x64xf32>
    %add3A_663 = arith.addf %mul3A_661, %mul3A_662 : vector<512x64xf32>
    %get3A_664 = arith.constant 0 : index
    %get3A_665 = arith.constant 14 : index
    %get3A_666 = arith.constant 0 : index
    %get3A_667 = arith.constant 0 : index
    %get3A_668 = vector.load %arg3[%get3A_664, %get3A_665, %get3A_666, %get3A_667] : memref<1x16x512x256xf32, #tpu.memory_space<vmem>>, vector<1x1x512x256xf32>
    %get3A_669 = vector.shape_cast %get3A_668 : vector<1x1x512x256xf32> to vector<512x256xf32>
    %slice3A_670 = vector.extract_strided_slice %get3A_669 {offsets = [0, 0], sizes = [512, 64], strides = [1, 1]} : vector<512x256xf32> to vector<512x64xf32>
    %slice3A_671 = vector.extract_strided_slice %get3A_669 {offsets = [0, 64], sizes = [512, 64], strides = [1, 1]} : vector<512x256xf32> to vector<512x64xf32>
    %slice3A_672 = vector.extract_strided_slice %get3A_669 {offsets = [0, 128], sizes = [512, 64], strides = [1, 1]} : vector<512x256xf32> to vector<512x64xf32>
    %sub3A_673 = arith.subf %slice3A, %slice3A_670 : vector<512x64xf32>
    %max3A_674 = arith.constant 0.000000e+00 : f32
    %max3A_675 = vector.broadcast %max3A_674 : f32 to vector<512x64xf32>
    %max3A_676 = arith.maximumf %sub3A_673, %max3A_675 : vector<512x64xf32>
    %convert_element_type3A_677 = arith.truncf %max3A_676 : vector<512x64xf32> to vector<512x64xbf16>
    %dot_general3A_678 = arith.constant dense<0.000000e+00> : vector<512x128xf32>
    %dot_general3A_679 = tpu.matmul %convert_element_type3A_677, %get3A_8, %dot_general3A_678 {dimension_numbers = #tpu.dot_dimension_numbers<[1], [0], [0], [1], [0, 0, 1, 1], [], []>, transpose_lhs_hint = false} : vector<512x64xbf16>, vector<64x128xbf16>, vector<512x128xf32> -> vector<512x128xf32>
    %slice3A_680 = vector.extract_strided_slice %dot_general3A_679 {offsets = [0, 0], sizes = [512, 64], strides = [1, 1]} : vector<512x128xf32> to vector<512x64xf32>
    %add3A_681 = vector.broadcast %get3A_20 : vector<1x64xf32> to vector<512x64xf32>
    %add3A_682 = arith.addf %slice3A_680, %add3A_681 : vector<512x64xf32>
    %sub3A_683 = arith.subf %slice3A_4, %slice3A_671 : vector<512x64xf32>
    %slice3A_684 = vector.extract_strided_slice %dot_general3A_679 {offsets = [0, 64], sizes = [512, 64], strides = [1, 1]} : vector<512x128xf32> to vector<512x64xf32>
    %add3A_685 = arith.addf %sub3A_683, %slice3A_684 : vector<512x64xf32>
    %add3A_686 = vector.broadcast %get3A_11 : vector<1x64xf32> to vector<512x64xf32>
    %add3A_687 = arith.addf %add3A_685, %add3A_686 : vector<512x64xf32>
    %max3A_688 = arith.constant 0.000000e+00 : f32
    %max3A_689 = vector.broadcast %max3A_688 : f32 to vector<512x64xf32>
    %max3A_690 = arith.maximumf %add3A_687, %max3A_689 : vector<512x64xf32>
    %convert_element_type3A_691 = arith.truncf %max3A_690 : vector<512x64xf32> to vector<512x64xbf16>
    %dot_general3A_692 = arith.constant dense<0.000000e+00> : vector<512x64xf32>
    %dot_general3A_693 = tpu.matmul %convert_element_type3A_691, %convert_element_type3A, %dot_general3A_692 {dimension_numbers = #tpu.dot_dimension_numbers<[1], [0], [0], [1], [0, 0, 1, 1], [], []>, transpose_lhs_hint = false} : vector<512x64xbf16>, vector<64x64xbf16>, vector<512x64xf32> -> vector<512x64xf32>
    %add3A_694 = vector.broadcast %get3A_17 : vector<1x64xf32> to vector<512x64xf32>
    %add3A_695 = arith.addf %dot_general3A_693, %add3A_694 : vector<512x64xf32>
    %mul3A_696 = arith.constant 1.250000e-01 : f32
    %mul3A_697 = vector.broadcast %mul3A_696 : f32 to vector<512x64xf32>
    %mul3A_698 = arith.mulf %add3A_695, %mul3A_697 : vector<512x64xf32>
    %add3A_699 = arith.addf %slice3A_672, %add3A_682 : vector<512x64xf32>
    %max3A_700 = arith.maximumf %max3A_654, %mul3A_698 : vector<512x64xf32>
    %sub3A_701 = arith.subf %max3A_654, %max3A_700 : vector<512x64xf32>
    %exp3A_702 = math.exp %sub3A_701 : vector<512x64xf32>
    %sub3A_703 = arith.subf %mul3A_698, %max3A_700 : vector<512x64xf32>
    %exp3A_704 = math.exp %sub3A_703 : vector<512x64xf32>
    %mul3A_705 = arith.mulf %add3A_660, %exp3A_702 : vector<512x64xf32>
    %add3A_706 = arith.addf %mul3A_705, %exp3A_704 : vector<512x64xf32>
    %mul3A_707 = arith.mulf %add3A_663, %exp3A_702 : vector<512x64xf32>
    %mul3A_708 = arith.mulf %exp3A_704, %add3A_699 : vector<512x64xf32>
    %add3A_709 = arith.addf %mul3A_707, %mul3A_708 : vector<512x64xf32>
    %get3A_710 = arith.constant 0 : index
    %get3A_711 = arith.constant 15 : index
    %get3A_712 = arith.constant 0 : index
    %get3A_713 = arith.constant 0 : index
    %get3A_714 = vector.load %arg3[%get3A_710, %get3A_711, %get3A_712, %get3A_713] : memref<1x16x512x256xf32, #tpu.memory_space<vmem>>, vector<1x1x512x256xf32>
    %get3A_715 = vector.shape_cast %get3A_714 : vector<1x1x512x256xf32> to vector<512x256xf32>
    %slice3A_716 = vector.extract_strided_slice %get3A_715 {offsets = [0, 0], sizes = [512, 64], strides = [1, 1]} : vector<512x256xf32> to vector<512x64xf32>
    %slice3A_717 = vector.extract_strided_slice %get3A_715 {offsets = [0, 64], sizes = [512, 64], strides = [1, 1]} : vector<512x256xf32> to vector<512x64xf32>
    %slice3A_718 = vector.extract_strided_slice %get3A_715 {offsets = [0, 128], sizes = [512, 64], strides = [1, 1]} : vector<512x256xf32> to vector<512x64xf32>
    %sub3A_719 = arith.subf %slice3A, %slice3A_716 : vector<512x64xf32>
    %max3A_720 = arith.constant 0.000000e+00 : f32
    %max3A_721 = vector.broadcast %max3A_720 : f32 to vector<512x64xf32>
    %max3A_722 = arith.maximumf %sub3A_719, %max3A_721 : vector<512x64xf32>
    %convert_element_type3A_723 = arith.truncf %max3A_722 : vector<512x64xf32> to vector<512x64xbf16>
    %dot_general3A_724 = arith.constant dense<0.000000e+00> : vector<512x128xf32>
    %dot_general3A_725 = tpu.matmul %convert_element_type3A_723, %get3A_8, %dot_general3A_724 {dimension_numbers = #tpu.dot_dimension_numbers<[1], [0], [0], [1], [0, 0, 1, 1], [], []>, transpose_lhs_hint = false} : vector<512x64xbf16>, vector<64x128xbf16>, vector<512x128xf32> -> vector<512x128xf32>
    %slice3A_726 = vector.extract_strided_slice %dot_general3A_725 {offsets = [0, 0], sizes = [512, 64], strides = [1, 1]} : vector<512x128xf32> to vector<512x64xf32>
    %add3A_727 = vector.broadcast %get3A_20 : vector<1x64xf32> to vector<512x64xf32>
    %add3A_728 = arith.addf %slice3A_726, %add3A_727 : vector<512x64xf32>
    %sub3A_729 = arith.subf %slice3A_4, %slice3A_717 : vector<512x64xf32>
    %slice3A_730 = vector.extract_strided_slice %dot_general3A_725 {offsets = [0, 64], sizes = [512, 64], strides = [1, 1]} : vector<512x128xf32> to vector<512x64xf32>
    %add3A_731 = arith.addf %sub3A_729, %slice3A_730 : vector<512x64xf32>
    %add3A_732 = vector.broadcast %get3A_11 : vector<1x64xf32> to vector<512x64xf32>
    %add3A_733 = arith.addf %add3A_731, %add3A_732 : vector<512x64xf32>
    %max3A_734 = arith.constant 0.000000e+00 : f32
    %max3A_735 = vector.broadcast %max3A_734 : f32 to vector<512x64xf32>
    %max3A_736 = arith.maximumf %add3A_733, %max3A_735 : vector<512x64xf32>
    %convert_element_type3A_737 = arith.truncf %max3A_736 : vector<512x64xf32> to vector<512x64xbf16>
    %dot_general3A_738 = arith.constant dense<0.000000e+00> : vector<512x64xf32>
    %dot_general3A_739 = tpu.matmul %convert_element_type3A_737, %convert_element_type3A, %dot_general3A_738 {dimension_numbers = #tpu.dot_dimension_numbers<[1], [0], [0], [1], [0, 0, 1, 1], [], []>, transpose_lhs_hint = false} : vector<512x64xbf16>, vector<64x64xbf16>, vector<512x64xf32> -> vector<512x64xf32>
    %add3A_740 = vector.broadcast %get3A_17 : vector<1x64xf32> to vector<512x64xf32>
    %add3A_741 = arith.addf %dot_general3A_739, %add3A_740 : vector<512x64xf32>
    %mul3A_742 = arith.constant 1.250000e-01 : f32
    %mul3A_743 = vector.broadcast %mul3A_742 : f32 to vector<512x64xf32>
    %mul3A_744 = arith.mulf %add3A_741, %mul3A_743 : vector<512x64xf32>
    %add3A_745 = arith.addf %slice3A_718, %add3A_728 : vector<512x64xf32>
    %max3A_746 = arith.maximumf %max3A_700, %mul3A_744 : vector<512x64xf32>
    %sub3A_747 = arith.subf %max3A_700, %max3A_746 : vector<512x64xf32>
    %exp3A_748 = math.exp %sub3A_747 : vector<512x64xf32>
    %sub3A_749 = arith.subf %mul3A_744, %max3A_746 : vector<512x64xf32>
    %exp3A_750 = math.exp %sub3A_749 : vector<512x64xf32>
    %mul3A_751 = arith.mulf %add3A_706, %exp3A_748 : vector<512x64xf32>
    %add3A_752 = arith.addf %mul3A_751, %exp3A_750 : vector<512x64xf32>
    %mul3A_753 = arith.mulf %add3A_709, %exp3A_748 : vector<512x64xf32>
    %mul3A_754 = arith.mulf %exp3A_750, %add3A_745 : vector<512x64xf32>
    %add3A_755 = arith.addf %mul3A_753, %mul3A_754 : vector<512x64xf32>
    %div3A = arith.divf %add3A_755, %add3A_752 : vector<512x64xf32>
    %get3A_756 = arith.constant 0 : index
    %get3A_757 = arith.constant 0 : index
    %get3A_758 = vector.load %arg9[%get3A_756, %get3A_757] : memref<64x64xf32, #tpu.memory_space<vmem>>, vector<64x64xf32>
    %dot_general3A_759 = arith.constant dense<0.000000e+00> : vector<512x64xf32>
    %dot_general3A_760 = tpu.matmul %div3A, %get3A_758, %dot_general3A_759 {dimension_numbers = #tpu.dot_dimension_numbers<[1], [0], [0], [1], [0, 0, 1, 1], [], []>, precision = #tpu.contract_precision<fp32>, transpose_lhs_hint = false} : vector<512x64xf32>, vector<64x64xf32>, vector<512x64xf32> -> vector<512x64xf32>
    %get3A_761 = arith.constant 0 : index
    %get3A_762 = arith.constant 0 : index
    %get3A_763 = vector.load %arg10[%get3A_761, %get3A_762] : memref<1x64xf32, #tpu.memory_space<vmem>>, vector<1x64xf32>
    %add3A_764 = vector.broadcast %get3A_763 : vector<1x64xf32> to vector<512x64xf32>
    %add3A_765 = arith.addf %dot_general3A_760, %add3A_764 : vector<512x64xf32>
    %add3A_766 = arith.addf %add3A_765, %slice3A_5 : vector<512x64xf32>
    %swap3A = arith.constant 0 : index
    %swap3A_767 = arith.constant 0 : index
    %swap3A_768 = arith.constant 0 : index
    %swap3A_769 = vector.load %arg11[%swap3A, %swap3A_767, %swap3A_768] : memref<1x512x64xf32, #tpu.memory_space<vmem>>, vector<1x512x64xf32>
    %swap3A_770 = vector.shape_cast %swap3A_769 : vector<1x512x64xf32> to vector<512x64xf32>
    %swap3A_771 = vector.shape_cast %add3A_766 : vector<512x64xf32> to vector<1x512x64xf32>
    tpu.vector_store %arg11[%swap3A, %swap3A_767, %swap3A_768], %swap3A_771 {strides = array<i32>} : memref<1x512x64xf32, #tpu.memory_space<vmem>>, vector<1x512x64xf32>,
    return
  }
  func.func @transform_0(%arg0: i32, %arg1: i32) -> (i32, i32, i32) {
    %c0_i32 = arith.constant 0 : i32
    %c0_i32_0 = arith.constant 0 : i32
    return %arg0, %arg1, %c0_i32 : i32, i32, i32
  }
  func.func @transform_1(%arg0: i32, %arg1: i32) -> (i32, i32, i32, i32) {
    %c0_i32 = arith.constant 0 : i32
    %c0_i32_0 = arith.constant 0 : i32
    %c0_i32_1 = arith.constant 0 : i32
    return %arg0, %c0_i32, %arg1, %c0_i32_0 : i32, i32, i32, i32
  }
  func.func @transform_2(%arg0: i32, %arg1: i32) -> (i32, i32) {
    %c0_i32 = arith.constant 0 : i32
    %c0_i32_0 = arith.constant 0 : i32
    %c0_i32_1 = arith.constant 0 : i32
    return %c0_i32, %c0_i32_0 : i32, i32
  }
  func.func @transform_3(%arg0: i32, %arg1: i32) -> (i32, i32) {
    %c0_i32 = arith.constant 0 : i32
    %c0_i32_0 = arith.constant 0 : i32
    %c0_i32_1 = arith.constant 0 : i32
    return %c0_i32, %c0_i32_0 : i32, i32
  }
  func.func @transform_4(%arg0: i32, %arg1: i32) -> (i32, i32) {
    %c0_i32 = arith.constant 0 : i32
    %c0_i32_0 = arith.constant 0 : i32
    %c0_i32_1 = arith.constant 0 : i32
    return %c0_i32, %c0_i32_0 : i32, i32
  }
  func.func @transform_5(%arg0: i32, %arg1: i32) -> (i32, i32) {
    %c0_i32 = arith.constant 0 : i32
    %c0_i32_0 = arith.constant 0 : i32
    %c0_i32_1 = arith.constant 0 : i32
    return %c0_i32, %c0_i32_0 : i32, i32
  }
  func.func @transform_6(%arg0: i32, %arg1: i32) -> (i32, i32) {
    %c0_i32 = arith.constant 0 : i32
    %c0_i32_0 = arith.constant 0 : i32
    %c0_i32_1 = arith.constant 0 : i32
    return %c0_i32, %c0_i32_0 : i32, i32
  }
  func.func @transform_7(%arg0: i32, %arg1: i32) -> (i32, i32) {
    %c0_i32 = arith.constant 0 : i32
    %c0_i32_0 = arith.constant 0 : i32
    %c0_i32_1 = arith.constant 0 : i32
    return %c0_i32, %c0_i32_0 : i32, i32
  }
  func.func @transform_8(%arg0: i32, %arg1: i32) -> (i32, i32) {
    %c0_i32 = arith.constant 0 : i32
    %c0_i32_0 = arith.constant 0 : i32
    %c0_i32_1 = arith.constant 0 : i32
    return %c0_i32, %c0_i32_0 : i32, i32
  }
  func.func @transform_9(%arg0: i32, %arg1: i32) -> (i32, i32, i32) {
    %c0_i32 = arith.constant 0 : i32
    %c0_i32_0 = arith.constant 0 : i32
    return %arg0, %arg1, %c0_i32 : i32, i32, i32
  }
}

</mosaic_0001>

<sc_bundles>
// kernel: kernel.15.cloned.1.call-start
scs
__scs_entry_jumppad:
0x0: {  	(pc) =	sbr.rel $0x88, $3  }
0x1: {  	(tag) =	ssettag $0x0;
	lr =	simm.s32 $0x1  }
0x2: {  	[smem:$0x3F8D] =	sst lr;
	_ =	strace $0xD0000000  }
0x3: {  	_ = 	snop  }
0x4: {  	_ = 	snop  }
0x5: {  	_ = 	snop  }
0x6: {  	_ = 	snop  }
0x7: {  	_ = 	snop  }
__scs_overlays_trampoline_lowered:
0x8: {  	[smem:$0x3F9C] =	sst s0  }
0x9: {  	[smem:$0x3F9D] =	sst s1  }
0xa: {  	[smem:$0x3F9E] =	sst s2  }
0xb: {  	[smem:$0x3F9F] =	sst s3  }
0xc: {  	[smem:$0x3FA0] =	sst s4  }
0xd: {  	[smem:$0x3FA1] =	sst s5  }
0xe: {  	[smem:$0x3FA2] =	sst s6  }
0xf: {  	[smem:$0x3FA3] =	sst s7  }
0x10: {  	[smem:$0x3FA4] =	sst s8  }
0x11: {  	[smem:$0x3FA5] =	sst s9;
	s0 =	simm.s32 @!p0 $0x0  }
0x12: {  	s1 =	sld [smem:$0x3F8B];
	s0 =	simm.s32 @p0 $0x1  }
0x13: {  	[smem:$0x3FA6] =	sst s0;
	s0 =	simm.s32 @!p1 $0x0  }
0x14: {  	s2 =	sld [smem:$0x3F8A];
	s0 =	simm.s32 @p1 $0x1  }
0x15: {  	[smem:$0x3FA7] =	sst s0;
	s0 =	simm.s32 @!p2 $0x0  }
0x16: {  	s3 =	sld [smem:$0x3FDB];
	s0 =	simm.s32 @p2 $0x1  }
0x17: {  	s4 =	simm.s32 $0x1BF5;
	[smem:$0x3FA9] =	sst s0  }
0x18: {  	s0 =	sld [smem:$0x3F8C];
	_ =	swait.ge [sflag:s4], $0x0  }
0x19: {  	s7 =	sld [smem:$0x3F8D]  }
0x1a: {  	s8 =	sadd.s32 $0xFFFFE003, lr  }
0x1b: {  	s9 =	sadd.s32 $0xFFFFFEF7, lr;
	s5 =	simm.s32 $0xFFFFFFFF;
	p2 =	slt.u32 s8, $0xFFFFF086  }
0x1c: {  	p1 =	slt.u32 s9, $0xF7A;
	s5 =	simm.s32 @!p2 $0x0  }
0x1d: {  	s5 =	simm.s32 @p1 $0x1;
	p0 =	seq.s32 s7, s2  }
0x1e: {  	s7 =	smul.u32 @!p0 $0xF7A, s2;
	p2 =	seq.s32 @!p0 s5, $0x0  }
0x1f: {  	s9 =	smul.u32 $0xF7A, s1;
	s8 =	simm.s32 @!p0 $0x1BF5;
	p2 =	por !p2, p0  }
0x20: {  	[sflag:s8] =	ssyncset.s32 @!p0 $0xFFFFF086;
	s6 =	sadd.s32 @!p0 s3, s7;
	s7 =	simm.s32 @!p0 $0x108  }
0x21: {  	s3 =	sadd.s32 s3, s9;
	s6 =	sadd.s32 @!p0 $0x88, s6;
	s7 =	simm.s32 @p2 $0x1082  }
0x22: {  	[simem:s7], [sflag:s8] =	dma.local @!p0 [hbm:s6], $0xF7A  }
0x23: {  	s9 =	sor.u32 $0xD0000000, s2;
	s6 =	simm.s32 $0x108;
	_ =	swait.ge @!p0 [sflag:s8], $0x0  }
0x24: {  	s3 =	sadd.s32 $0x88, s3;
	s6 =	simm.s32 @!p1 $0x1082;
	[sflag:s4] =	ssyncset.s32 $0xFFFFF086  }
0x25: {  	[simem:s6], [sflag:s4] =	dma.local [hbm:s3], $0xF7A  }
0x26: {  	[smem:$0x3F8D] =	sst s1;
	(tag) =	ssettag s2;
	_ =	strace s9  }
0x27: {  	s1 =	sld [smem:$0x3F9D]  }
0x28: {  	s2 =	sld [smem:$0x3F9E]  }
0x29: {  	s4 =	sld [smem:$0x3FA0]  }
0x2a: {  	p0 =	seq.s32 s5, $0x0;
	s5 =	sld [smem:$0x3FA1]  }
0x2b: {  	s6 =	sld [smem:$0x3FA2]  }
0x2c: {  	s7 =	sld [smem:$0x3FA3]  }
0x2d: {  	s3 =	simm.s32 $0x108;
	s8 =	sld [smem:$0x3FA4]  }
0x2e: {  	s3 =	simm.s32 @!p0 $0x1082;
	s9 =	sld [smem:$0x3FA5]  }
0x2f: {  	lr =	sadd.s32 s0, s3;
	s0 =	sld [smem:$0x3F9C]  }
0x30: {  	s3 =	sld [smem:$0x3F9F]  }
0x31: {  	[smem:$0x3FA8] =	sst s10  }
0x32: {  	s10 =	sld [smem:$0x3FA6];
	_ =	sdelay $0x3  }
0x33: {  	p0 =	seq.s32 s10, $0x1;
	s10 =	sld [smem:$0x3FA8];
	_ =	sdelay $0x3  }
0x34: {  	[smem:$0x3FA8] =	sst s10  }
0x35: {  	s10 =	sld [smem:$0x3FA7];
	_ =	sdelay $0x3  }
0x36: {  	p1 =	seq.s32 s10, $0x1;
	s10 =	sld [smem:$0x3FA8];
	_ =	sdelay $0x3  }
0x37: {  	[smem:$0x3FA8] =	sst s10  }
0x38: {  	s10 =	sld [smem:$0x3FA9]  }
0x39: {  	_ = 	snop;
	(pc) =	sbr.ind lr, $3  }
0x3a: {  	_ = 	snop  }
0x3b: {  	_ = 	snop  }
0x3c: {  	p2 =	seq.s32 s10, $0x1;
	s10 =	sld [smem:$0x3FA8]  }
0x3d: {  	_ =	shalt  }
0x3e: {  	_ =	shalt  }
0x3f: {  	_ =	shalt  }
0x40: {  	_ =	shalt  }
0x41: {  	_ =	shalt  }
0x42: {  	_ =	shalt  }
0x43: {  	_ =	shalt  }
0x44: {  	_ =	shalt  }
0x45: {  	_ =	shalt  }
0x46: {  	_ =	shalt  }
0x47: {  	_ =	shalt  }
0x48: {  	_ =	shalt  }
0x49: {  	_ =	shalt  }
0x4a: {  	_ =	shalt  }
0x4b: {  	_ =	shalt  }
0x4c: {  	_ =	shalt  }
0x4d: {  	_ =	shalt  }
0x4e: {  	_ =	shalt  }
0x4f: {  	_ =	shalt  }
0x50: {  	_ =	shalt  }
0x51: {  	_ =	shalt  }
0x52: {  	_ =	shalt  }
0x53: {  	_ =	shalt  }
0x54: {  	_ =	shalt  }
0x55: {  	_ =	shalt  }
0x56: {  	_ =	shalt  }
0x57: {  	_ =	shalt  }
0x58: {  	_ =	shalt  }
0x59: {  	_ =	shalt  }
0x5a: {  	_ =	shalt  }
0x5b: {  	_ =	shalt  }
0x5c: {  	_ =	shalt  }
0x5d: {  	_ =	shalt  }
0x5e: {  	_ =	shalt  }
0x5f: {  	_ =	shalt  }
0x60: {  	_ =	shalt  }
0x61: {  	_ =	shalt  }
0x62: {  	_ =	shalt  }
0x63: {  	_ =	shalt  }
0x64: {  	_ =	shalt  }
0x65: {  	_ =	shalt  }
0x66: {  	_ =	shalt  }
0x67: {  	_ =	shalt  }
0x68: {  	_ =	shalt  }
0x69: {  	_ =	shalt  }
0x6a: {  	_ =	shalt  }
0x6b: {  	_ =	shalt  }
0x6c: {  	_ =	shalt  }
0x6d: {  	_ =	shalt  }
0x6e: {  	_ =	shalt  }
0x6f: {  	_ =	shalt  }
0x70: {  	_ =	shalt  }
0x71: {  	_ =	shalt  }
0x72: {  	_ =	shalt  }
0x73: {  	_ =	shalt  }
0x74: {  	_ =	shalt  }
0x75: {  	_ =	shalt  }
0x76: {  	_ =	shalt  }
0x77: {  	_ =	shalt  }
0x78: {  	_ =	shalt  }
0x79: {  	_ =	shalt  }
0x7a: {  	_ =	shalt  }
0x7b: {  	_ =	shalt  }
0x7c: {  	_ =	shalt  }
0x7d: {  	_ =	shalt  }
0x7e: {  	_ =	shalt  }
0x7f: {  	_ =	shalt  }
0x80: {  	_ =	shalt  }
0x81: {  	_ =	shalt  }
0x82: {  	_ =	shalt  }
0x83: {  	_ =	shalt  }
0x84: {  	_ =	shalt  }
0x85: {  	_ =	shalt  }
0x86: {  	_ =	shalt  }
0x87: {  	_ =	shalt  }
.Lfunc_end0:
.L_simem_size_0:
called_computation_lowered:
.L_overlay_start_0:
0x88: {  	s2 =	sld [smem:$0x3FD9]  }
0x89: {  	s3 =	sld [smem:$0x3FFE];
	_ =	sdelay $0x1  }
0x8a: {  	s1 =	srdreg.scid  }
0x8b: {  	s0 =	sand.u32 $0x1, s1  }
0x8c: {  	s17 =	sshll.u32 s0, $0xA;
	s2 =	sadd.s32 s3, s2  }
0x8d: {  	s2 =	sadd.s32 s2, s17  }
0x8e: {  	[smem:$0x3FB4] =	sst s2  }
0x8f: {  	_ = 	snop  }
0x90: {  	(tm) =	ssettm $0x1  }
0x91: {  	s18 =	sld [smem:$0x3FFB];
	_ =	sdelay $0x3  }
0x92: {  	_ =	strace s18  }
0x93: {  	s2 =	sld [smem:$0x3FFC];
	_ =	sdelay $0x3  }
0x94: {  	_ =	strace s2  }
0x95: {  	s2 =	sld [smem:$0x3FFD];
	_ =	sdelay $0x3  }
0x96: {  	_ =	strace s2  }
0x97: {  	_ =	strace $0x8FFFFFFF  }
0x98: {  	s19 =	sld [smem:$0x3FDB];
	_ =	sdelay $0x1  }
0x99: {  	s20 =	simm.s32 $_scs_section_size  }
0x9a: {  	s4 =	simm.s32 $_size__tile_overlayer_lowered;
	s5 =	simm.s32 $_tile_overlayer_lowered  }
0x9b: {  	s6 =	simm.s32 $0x1BFF;
	s21 =	sshll.u32 s5, $0x1;
	s3 =	sadd.s32 s20, s19  }
0x9c: {  	s22 =	simm.s32 $0x0;
	s4 =	sshll.u32 s4, $0x1;
	s5 =	sadd.s32 s21, s3  }
0x9d: {  	[timem:s22], [sflag:s6] =	dma.local [hbm:s5], s4  }
0x9e: {  	_ =	swait.ge [sflag:s6], s4  }
0x9f: {  	s4 =	ssub.s32 $0x0, s4;
	[sflag:s6] =	ssyncset.done $0x0  }
0xa0: {  	[sflag:s6] =	ssyncadd.s32 s4;
	_ =	sdelay $0x1  }
0xa1: {  	s23 =	simm.s32 $0x1B8B  }
0xa2: {  	_ =	swait.ge [sflag:s23], $0x1  }
0xa3: {  	[sflag:s23] =	ssyncset.done $0x0  }
0xa4: {  	[sflag:s23] =	ssyncadd.s32 $0xFFFFFFFF  }
0xa5: {  	s4 =	sld [smem:$0x0]  }
0xa6: {  	s5 =	sand.u32 $0xFFFFFFFE, s1  }
0xa7: {  	p0 =	sne.s32 s1, s5  }
0xa8: {  	s5 =	sshll.u32 @p0 s5, $0xE  }
0xa9: {  	s5 =	sadd.s32 @p0 $0x11B8D, s5;
	s6 =	sshll.u32 @p0 s4, $0x11  }
0xaa: {  	s5 =	sor.u32 @p0 s6, s5  }
0xab: {  	[sflag:s5] =	ssyncadd.remote.s32 @p0 $0x1;
	_ =	sdelay $0x1  }
0xac: {  	s5 =	simm.s32 @p0 $0x1B8D  }
0xad: {  	_ =	swait.eq @p0 [sflag:s5], $0x1  }
0xae: {  	[sflag:s5] =	ssyncadd.s32 @p0 $0xFFFFFFFF  }
0xaf: {  	s6 =	sshll.u32 @!p0 s1, $0xE  }
0xb0: {  	s6 =	sor.u32 @!p0 $0x4000, s6;
	s5 =	simm.s32 @!p0 $0x1B8D  }
0xb1: {  	s4 =	sshll.u32 @!p0 s4, $0x11;
	s6 =	sadd.s32 @!p0 $0x11B8D, s6;
	_ =	swait.eq @!p0 [sflag:s5], $0x1  }
0xb2: {  	s4 =	sor.u32 @!p0 s4, s6;
	[sflag:s5] =	ssyncadd.s32 @!p0 $0xFFFFFFFF  }
0xb3: {  	s25 =	simm.s32 $0x1B8E;
	s24 =	sld [smem:$0x3FFE];
	[sflag:s4] =	ssyncadd.remote.s32 @!p0 $0x1  }
0xb4: {  	s26 =	simm.s32 $execute0_lowered;
	[smem:$0x3FD2] =	sst s25  }
0xb5: {  	s5 =	sshll.u32 s26, $0x1;
	_ =	strace $0x8000004F;
	[dreg:$0x1] =	wrdreg $0xFFFFFFFF  }
0xb6: {  	s28 =	simm.s32 $_size_execute0_lowered;
	s3 =	sadd.s32 s3, s5;
	[dreg:$0x0] =	wrdreg $0x0  }
0xb7: {  	s5 =	sshll.u32 s28, $0x1;
	[dreg:$0x2] =	wrdreg s3  }
0xb8: {  	[dreg:$0x3] =	wrdreg s5  }
0xb9: {  	[dreg:$0x4] =	wrdreg $0xC0  }
0xba: {  	_ =	task [dreg:s22], $0x5FFFF  }
0xbb: {  	[dreg:$0x1] =	wrdreg $0xFFFFFFFF  }
0xbc: {  	[dreg:$0x0] =	wrdreg $0x60  }
0xbd: {  	[dreg:$0x2] =	wrdreg s24  }
0xbe: {  	[dreg:$0x3] =	wrdreg $0x9  }
0xbf: {  	_ =	task.clear_ibuf [dreg:s22], $0x4FFFF;
	_ =	strace $0x9000004F  }
0xc0: {  	s29 =	simm.s32 $0x9;
	_ =	strace $0x80000051  }
0xc1: {  	_ =	swait.ge [sflag:s29], $0x1  }
0xc2: {  	[sflag:s29] =	ssyncadd.s32 $0xFFFFFFFF  }
0xc3: {  	_ =	strace $0x90000051  }
0xc4: {  	_ =	sfence  }
0xc5: {  	s30 =	sld [smem:$0x0];
	_ =	sdelay $0x2  }
0xc6: {  	s31 =	sshll.u32 s1, $0xD;
	s1 =	sshrl.u32 s1, $0x2  }
0xc7: {  	s4 =	sand.u32 $0x4000, s31;
	s1 =	sadd.s32 s1, s30  }
0xc8: {  	s0 =	sor.u32 s4, s0;
	s1 =	sshll.u32 s1, $0x11  }
0xc9: {  	s0 =	sor.u32 s1, s0  }
0xca: {  	s0 =	sadd.s32 $0x8F2B, s0  }
0xcb: {  	[sflag:s0] =	ssyncadd.remote.s32 $0x1  }
0xcc: {  	_ =	sfence.sel $0xFFFF  }
0xcd: {  	[dreg:$0x0] =	wrdreg $0xFFFFFFFF;
	(pc) =	sbr.abs _section_cstart, $3  }
0xce: {  	[dreg:$0x1] =	wrdreg $0xFFFFFFFF  }
0xcf: {  	_ =	task.clear_ibuf [dreg:s22], $0x2FFFF;
	_ =	strace $0x9FFFFFFF  }
0xd0: {  	(tm) =	ssettm $0x7FFFFFFF  }
0xd1: {  	_ =	shalt  }
tec
execute0_lowered:
.L_overlay_start_1:
0x0: {  	(tag) =	ssettag $0x1  }
0x1: {  	s4 =	rddreg [dreg:$0x0]  }
0x2: {  	s0 =	rddreg [dreg:$0x1];
	s2 =	simm.s32 $0x0;
	s3 =	srdreg.scid  }
0x3: {  	s1 =	stileid.u32;
	s10 =	simm.s32 $0x1080;
	s11 =	simm.s32 $0x1880  }
0x4: {  	s12 =	simm.s32 $0x2080;
	s13 =	simm.s32 $0x2880;
	s14 =	simm.s32 $0x3080  }
0x5: {  	s15 =	simm.s32 $0x3880;
	s16 =	simm.s32 $0x4080;
	s17 =	simm.s32 $0x4880  }
0x6: {  	s18 =	simm.s32 $0x5080;
	s19 =	simm.s32 $0x5880;
	s20 =	simm.s32 $0x6080  }
0x7: {  	s21 =	simm.s32 $0x6880;
	s22 =	simm.s32 $0x7080;
	s23 =	simm.s32 $0x7880  }
0x8: {  	s24 =	simm.s32 $0x1;
	s25 =	simm.s32 $0x0;
	[smem:$0x7FF] =	sst s2  }
0x9: {  	s5 =	sand.u32 $0x1, s3;
	s6 =	sshll.u32 s1, $0xC;
	s3 =	sadd.s32 $0x88600, s4  }
0xa: {  	s8 =	sshll.u32 s1, $0x11;
	_ =	strace $0x80000050;
	s7 =	sshll.u32 s5, $0xB  }
0xb: {  	s31 =	ssub.s32 $0x2, s5;
	s8 =	sadd.s32 s8, s4;
	s5 =	sshll.u32 s5, $0x10  }
0xc: {  	s6 =	sor.u32 s7, s6;
	s9 =	sshrl.u32 s31, $0x1;
	s5 =	sadd.s32 s5, s8  }
0xd: {  	v2 =	vlaneseq.u32;
	s8 =	simm.s32 $0x80;
	s6 =	sshrl.u32 s6, $0x3;
	s7 =	ssub.s32 s31, s9  }
0xe: {  	vm0 =	vmmov $0xffff;
	v1 =	vshrl.u32 v2, $0x3;
	s5 =	sadd.s32 $0x70C600, s5;
	s9 =	simm.s32 $0x880;
	s6 =	sadd.s32 s6, s4  }
0xf: {  	v0 =	vand.u32 $0x7, v2;
	v2 =	vor.u32 $0x8, v2;
	v1 =	vmul.u32 $0x8, v1;
	s4 =	smax.u32 s7, $0x1;
	s7 =	simm.s32 $0x2;
	s6 =	sadd.s32 $0x4600, s6  }
.LBB2_1:
0x10: {  	s26 =	smov.u32 s5;
	s28 =	simm.s32 $0x0  }
.LBB2_2:
0x11: {  	s29 =	sadd.s32 s28, s6  }
0x12: {  	[tilespmem:s2], [sflag:$0x2] =	stream.linear.gather [hbm4b:s29+s2], $0x80, $0x38;
	[tilespmem:$0x8080] =	vst v63  }
0x13: {  	_ =	swait.ge [sflag:s7], $0x80  }
0x14: {  	[sflag:s7] =	ssyncset.done $0x0  }
0x15: {  	[sflag:s7] =	ssyncadd.s32 $0xFFFFFF80  }
0x16: {  	v3 =	vld [tilespmem:$0x0];
	_ =	sdelay $0x4  }
0x17: {  	v4 =	vshll.u32 v3, $0x1  }
0x18: {  	v3 =	vand.u32 $0x7, v3;
	v4 =	vand.u32 $0xFFFFFFF0, v4  }
0x19: {  	v3 =	vor.u32 v3, v4  }
0x1a: {  	v4 =	vperm.xlane v3, v0;
	_ =	sdelay $0x1  }
0x1b: {  	v3 =	vperm.xlane v3, v2;
	v4 =	vadd.s32 v1, v4;
	_ =	sdelay $0x1  }
0x1c: {  	v3 =	vadd.s32 v1, v3;
	_ =	sdelay $0x2  }
0x1d: {  	[tilespmem:s8], [sflag:$0x1] =	stream.indirect_vreg.gather [hbm4b:s3+s2], $0x80, v4, vm0, $0xb8;
	[tilespmem:$0x8080] =	vst v63  }
0x1e: {  	_ = 	snop  }
0x1f: {  	[tilespmem:s9], [sflag:$0x1] =	stream.indirect_vreg.gather [hbm4b:s3+s2], $0x80, v3, vm0, $0xb8;
	[tilespmem:$0x8080] =	vst v63  }
0x20: {  	v3 =	vld [tilespmem:$0x10];
	_ =	sdelay $0x4  }
0x21: {  	v57 =	vshll.u32 v3, $0x1  }
0x22: {  	v3 =	vand.u32 $0x7, v3;
	v4 =	vand.u32 $0xFFFFFFF0, v57  }
0x23: {  	v3 =	vor.u32 v3, v4  }
0x24: {  	v4 =	vperm.xlane v3, v0;
	_ =	sdelay $0x1  }
0x25: {  	v3 =	vperm.xlane v3, v2;
	v4 =	vadd.s32 v1, v4;
	_ =	sdelay $0x1  }
0x26: {  	v3 =	vadd.s32 v1, v3;
	_ =	sdelay $0x2  }
0x27: {  	[tilespmem:s10], [sflag:$0x1] =	stream.indirect_vreg.gather [hbm4b:s3+s2], $0x80, v4, vm0, $0xb8;
	[tilespmem:$0x8080] =	vst v63  }
0x28: {  	_ = 	snop  }
0x29: {  	[tilespmem:s11], [sflag:$0x1] =	stream.indirect_vreg.gather [hbm4b:s3+s2], $0x80, v3, vm0, $0xb8;
	[tilespmem:$0x8080] =	vst v63  }
0x2a: {  	v3 =	vld [tilespmem:$0x20];
	_ =	sdelay $0x4  }
0x2b: {  	v58 =	vshll.u32 v3, $0x1  }
0x2c: {  	v3 =	vand.u32 $0x7, v3;
	v4 =	vand.u32 $0xFFFFFFF0, v58  }
0x2d: {  	v3 =	vor.u32 v3, v4  }
0x2e: {  	v4 =	vperm.xlane v3, v0;
	_ =	sdelay $0x1  }
0x2f: {  	v3 =	vperm.xlane v3, v2;
	v4 =	vadd.s32 v1, v4;
	_ =	sdelay $0x1  }
0x30: {  	v3 =	vadd.s32 v1, v3;
	_ =	sdelay $0x2  }
0x31: {  	[tilespmem:s12], [sflag:$0x1] =	stream.indirect_vreg.gather [hbm4b:s3+s2], $0x80, v4, vm0, $0xb8;
	[tilespmem:$0x8080] =	vst v63  }
0x32: {  	_ = 	snop  }
0x33: {  	[tilespmem:s13], [sflag:$0x1] =	stream.indirect_vreg.gather [hbm4b:s3+s2], $0x80, v3, vm0, $0xb8;
	[tilespmem:$0x8080] =	vst v63  }
0x34: {  	v3 =	vld [tilespmem:$0x30];
	_ =	sdelay $0x4  }
0x35: {  	v59 =	vshll.u32 v3, $0x1  }
0x36: {  	v3 =	vand.u32 $0x7, v3;
	v4 =	vand.u32 $0xFFFFFFF0, v59  }
0x37: {  	v3 =	vor.u32 v3, v4  }
0x38: {  	v4 =	vperm.xlane v3, v0;
	_ =	sdelay $0x1  }
0x39: {  	v3 =	vperm.xlane v3, v2;
	v4 =	vadd.s32 v1, v4;
	_ =	sdelay $0x1  }
0x3a: {  	v3 =	vadd.s32 v1, v3;
	_ =	sdelay $0x2  }
0x3b: {  	[tilespmem:s14], [sflag:$0x1] =	stream.indirect_vreg.gather [hbm4b:s3+s2], $0x80, v4, vm0, $0xb8;
	[tilespmem:$0x8080] =	vst v63  }
0x3c: {  	_ = 	snop  }
0x3d: {  	[tilespmem:s15], [sflag:$0x1] =	stream.indirect_vreg.gather [hbm4b:s3+s2], $0x80, v3, vm0, $0xb8;
	[tilespmem:$0x8080] =	vst v63  }
0x3e: {  	v3 =	vld [tilespmem:$0x40];
	_ =	sdelay $0x4  }
0x3f: {  	v60 =	vshll.u32 v3, $0x1  }
0x40: {  	v3 =	vand.u32 $0x7, v3;
	v4 =	vand.u32 $0xFFFFFFF0, v60  }
0x41: {  	v3 =	vor.u32 v3, v4  }
0x42: {  	v4 =	vperm.xlane v3, v0;
	_ =	sdelay $0x1  }
0x43: {  	v3 =	vperm.xlane v3, v2;
	v4 =	vadd.s32 v1, v4;
	_ =	sdelay $0x1  }
0x44: {  	v3 =	vadd.s32 v1, v3;
	_ =	sdelay $0x2  }
0x45: {  	[tilespmem:s16], [sflag:$0x1] =	stream.indirect_vreg.gather [hbm4b:s3+s2], $0x80, v4, vm0, $0xb8;
	[tilespmem:$0x8080] =	vst v63  }
0x46: {  	_ = 	snop  }
0x47: {  	[tilespmem:s17], [sflag:$0x1] =	stream.indirect_vreg.gather [hbm4b:s3+s2], $0x80, v3, vm0, $0xb8;
	[tilespmem:$0x8080] =	vst v63  }
0x48: {  	v3 =	vld [tilespmem:$0x50];
	_ =	sdelay $0x4  }
0x49: {  	v61 =	vshll.u32 v3, $0x1  }
0x4a: {  	v3 =	vand.u32 $0x7, v3;
	v4 =	vand.u32 $0xFFFFFFF0, v61  }
0x4b: {  	v3 =	vor.u32 v3, v4  }
0x4c: {  	v4 =	vperm.xlane v3, v0;
	_ =	sdelay $0x1  }
0x4d: {  	v3 =	vperm.xlane v3, v2;
	v4 =	vadd.s32 v1, v4;
	_ =	sdelay $0x1  }
0x4e: {  	v3 =	vadd.s32 v1, v3;
	_ =	sdelay $0x2  }
0x4f: {  	[tilespmem:s18], [sflag:$0x1] =	stream.indirect_vreg.gather [hbm4b:s3+s2], $0x80, v4, vm0, $0xb8;
	[tilespmem:$0x8080] =	vst v63  }
0x50: {  	_ = 	snop  }
0x51: {  	[tilespmem:s19], [sflag:$0x1] =	stream.indirect_vreg.gather [hbm4b:s3+s2], $0x80, v3, vm0, $0xb8;
	[tilespmem:$0x8080] =	vst v63  }
0x52: {  	v3 =	vld [tilespmem:$0x60];
	_ =	sdelay $0x4  }
0x53: {  	v62 =	vshll.u32 v3, $0x1  }
0x54: {  	v3 =	vand.u32 $0x7, v3;
	v4 =	vand.u32 $0xFFFFFFF0, v62  }
0x55: {  	v3 =	vor.u32 v3, v4  }
0x56: {  	v4 =	vperm.xlane v3, v0;
	_ =	sdelay $0x1  }
0x57: {  	v3 =	vperm.xlane v3, v2;
	v4 =	vadd.s32 v1, v4;
	_ =	sdelay $0x1  }
0x58: {  	v3 =	vadd.s32 v1, v3;
	_ =	sdelay $0x2  }
0x59: {  	[tilespmem:s20], [sflag:$0x1] =	stream.indirect_vreg.gather [hbm4b:s3+s2], $0x80, v4, vm0, $0xb8;
	[tilespmem:$0x8080] =	vst v63  }
0x5a: {  	_ = 	snop  }
0x5b: {  	[tilespmem:s21], [sflag:$0x1] =	stream.indirect_vreg.gather [hbm4b:s3+s2], $0x80, v3, vm0, $0xb8;
	[tilespmem:$0x8080] =	vst v63  }
0x5c: {  	v3 =	vld [tilespmem:$0x70];
	_ =	sdelay $0x4  }
0x5d: {  	v63 =	vshll.u32 v3, $0x1  }
0x5e: {  	v3 =	vand.u32 $0x7, v3;
	v4 =	vand.u32 $0xFFFFFFF0, v63  }
0x5f: {  	v3 =	vor.u32 v3, v4  }
0x60: {  	v4 =	vperm.xlane v3, v0;
	_ =	sdelay $0x1  }
0x61: {  	v3 =	vperm.xlane v3, v2;
	v4 =	vadd.s32 v1, v4;
	_ =	sdelay $0x1  }
0x62: {  	v3 =	vadd.s32 v1, v3;
	_ =	sdelay $0x2  }
0x63: {  	[tilespmem:s22], [sflag:$0x1] =	stream.indirect_vreg.gather [hbm4b:s3+s2], $0x80, v4, vm0, $0xb8;
	[tilespmem:$0x8080] =	vst v63  }
0x64: {  	_ = 	snop  }
0x65: {  	[tilespmem:s23], [sflag:$0x1] =	stream.indirect_vreg.gather [hbm4b:s3+s2], $0x80, v3, vm0, $0xb8;
	[tilespmem:$0x8080] =	vst v63  }
0x66: {  	_ =	swait.ge [sflag:s24], $0x8000  }
0x67: {  	p0 =	sne.s32 s28, $0xF0;
	[sflag:s24] =	ssyncset.done $0x0  }
.Ltmp0:
0x68: {  	[sflag:s24] =	ssyncadd.s32 $0xFFFF8000;
	(pc) =	sbr.rel @p0 .LBB2_2-.Ltmp0, $4  }
0x69: {  	[hbm4b:s26+s2] =	stream.linear.scatter [tilespmem:s8], [sflag:$0x2], $0x8000, $0x38;
	[tilespmem:$0x8080] =	vst v63  }
0x6a: {  	_ =	swait.ge [sflag:s7], $0x8000  }
0x6b: {  	[sflag:s7] =	ssyncset.done $0x0  }
0x6c: {  	s28 =	sadd.s32 $0x10, s28;
	s26 =	sadd.s32 $0x1000, s26;
	[sflag:s7] =	ssyncadd.s32 $0xFFFF8000  }
0x6d: {  	s25 =	sadd.s32 $0x1, s25  }
0x6e: {  	p0 =	sne.s32 s25, s4  }
.Ltmp1:
0x6f: {  	_ = 	snop;
	(pc) =	sbr.rel @p0 .LBB2_1-.Ltmp1, $1  }
0x70: {  	_ =	sdelay $0x3  }
0x71: {  	_ =	sfence.sel $0x180000  }
0x72: {  	[bflag:$0x0] =	sbarrier.arrive $0xFFFF  }
0x73: {  	p0 =	sne.s32 s1, $0x0;
	_ =	strace $0x90000050  }
0x74: {  	s0 =	sadd.s32 @!p0 $0x100000, s0;
	[bflag:$0x2] =	sbarrier.arrive $0xFFFF  }
0x75: {  	[sflag:s0] =	ssyncadd.tile.s32 @!p0 $0x1;
	_ =	shalt  }
.Lfunc_end2:
_tile_overlayer_lowered:
.L_overlay_start_2:
0x76: {  	(tag) =	ssettag $0x2  }
0x77: {  	s0 =	rddreg [dreg:$0x0];
	s2 =	stileid.u32  }
0x78: {  	s1 =	rddreg [dreg:$0x1];
	p0 =	sne.s32 s2, $0x0  }
0x79: {  	s3 =	rddreg [dreg:$0x2];
	[bflag:$0x3] =	sbarrier.arrive $0xFFFF;
	s2 =	simm.s32 @!p0 $0x1C02  }
0x7a: {  	[timem:s3], [sflag:s2] =	dma.local @!p0 [hbm:s0], s1  }
0x7b: {  	s0 =	simm.s32 @!p0 $0x2  }
0x7c: {  	_ =	swait.ge @!p0 [sflag:s0], s1  }
0x7d: {  	s1 =	ssub.s32 @!p0 $0x0, s1;
	[sflag:s0] =	ssyncset.done @!p0 $0x0  }
0x7e: {  	[sflag:s0] =	ssyncadd.s32 @!p0 s1  }
0x7f: {  	[bflag:$0x3] =	sbarrier.arrive $0xFFFF  }
0x80: {  	_ =	shalt  }

// kernel: kernel.18.cloned.1.call-start
scs
__scs_entry_jumppad:
0x0: {  	(pc) =	sbr.rel $0x88, $3  }
0x1: {  	(tag) =	ssettag $0x0;
	lr =	simm.s32 $0x1  }
0x2: {  	[smem:$0x3F8D] =	sst lr;
	_ =	strace $0xD0000000  }
0x3: {  	_ = 	snop  }
0x4: {  	_ = 	snop  }
0x5: {  	_ = 	snop  }
0x6: {  	_ = 	snop  }
0x7: {  	_ = 	snop  }
__scs_overlays_trampoline_lowered:
0x8: {  	[smem:$0x3F9C] =	sst s0  }
0x9: {  	[smem:$0x3F9D] =	sst s1  }
0xa: {  	[smem:$0x3F9E] =	sst s2  }
0xb: {  	[smem:$0x3F9F] =	sst s3  }
0xc: {  	[smem:$0x3FA0] =	sst s4  }
0xd: {  	[smem:$0x3FA1] =	sst s5  }
0xe: {  	[smem:$0x3FA2] =	sst s6  }
0xf: {  	[smem:$0x3FA3] =	sst s7  }
0x10: {  	[smem:$0x3FA4] =	sst s8  }
0x11: {  	[smem:$0x3FA5] =	sst s9;
	s0 =	simm.s32 @!p0 $0x0  }
0x12: {  	s1 =	sld [smem:$0x3F8B];
	s0 =	simm.s32 @p0 $0x1  }
0x13: {  	[smem:$0x3FA6] =	sst s0;
	s0 =	simm.s32 @!p1 $0x0  }
0x14: {  	s2 =	sld [smem:$0x3F8A];
	s0 =	simm.s32 @p1 $0x1  }
0x15: {  	[smem:$0x3FA7] =	sst s0;
	s0 =	simm.s32 @!p2 $0x0  }
0x16: {  	s3 =	sld [smem:$0x3FDB];
	s0 =	simm.s32 @p2 $0x1  }
0x17: {  	s4 =	simm.s32 $0x1BF5;
	[smem:$0x3FA9] =	sst s0  }
0x18: {  	s0 =	sld [smem:$0x3F8C];
	_ =	swait.ge [sflag:s4], $0x0  }
0x19: {  	s7 =	sld [smem:$0x3F8D]  }
0x1a: {  	s8 =	sadd.s32 $0xFFFFE003, lr  }
0x1b: {  	s9 =	sadd.s32 $0xFFFFFEF7, lr;
	s5 =	simm.s32 $0xFFFFFFFF;
	p2 =	slt.u32 s8, $0xFFFFF086  }
0x1c: {  	p1 =	slt.u32 s9, $0xF7A;
	s5 =	simm.s32 @!p2 $0x0  }
0x1d: {  	s5 =	simm.s32 @p1 $0x1;
	p0 =	seq.s32 s7, s2  }
0x1e: {  	s7 =	smul.u32 @!p0 $0xF7A, s2;
	p2 =	seq.s32 @!p0 s5, $0x0  }
0x1f: {  	s9 =	smul.u32 $0xF7A, s1;
	s8 =	simm.s32 @!p0 $0x1BF5;
	p2 =	por !p2, p0  }
0x20: {  	[sflag:s8] =	ssyncset.s32 @!p0 $0xFFFFF086;
	s6 =	sadd.s32 @!p0 s3, s7;
	s7 =	simm.s32 @!p0 $0x108  }
0x21: {  	s3 =	sadd.s32 s3, s9;
	s6 =	sadd.s32 @!p0 $0x88, s6;
	s7 =	simm.s32 @p2 $0x1082  }
0x22: {  	[simem:s7], [sflag:s8] =	dma.local @!p0 [hbm:s6], $0xF7A  }
0x23: {  	s9 =	sor.u32 $0xD0000000, s2;
	s6 =	simm.s32 $0x108;
	_ =	swait.ge @!p0 [sflag:s8], $0x0  }
0x24: {  	s3 =	sadd.s32 $0x88, s3;
	s6 =	simm.s32 @!p1 $0x1082;
	[sflag:s4] =	ssyncset.s32 $0xFFFFF086  }
0x25: {  	[simem:s6], [sflag:s4] =	dma.local [hbm:s3], $0xF7A  }
0x26: {  	[smem:$0x3F8D] =	sst s1;
	(tag) =	ssettag s2;
	_ =	strace s9  }
0x27: {  	s1 =	sld [smem:$0x3F9D]  }
0x28: {  	s2 =	sld [smem:$0x3F9E]  }
0x29: {  	s4 =	sld [smem:$0x3FA0]  }
0x2a: {  	p0 =	seq.s32 s5, $0x0;
	s5 =	sld [smem:$0x3FA1]  }
0x2b: {  	s6 =	sld [smem:$0x3FA2]  }
0x2c: {  	s7 =	sld [smem:$0x3FA3]  }
0x2d: {  	s3 =	simm.s32 $0x108;
	s8 =	sld [smem:$0x3FA4]  }
0x2e: {  	s3 =	simm.s32 @!p0 $0x1082;
	s9 =	sld [smem:$0x3FA5]  }
0x2f: {  	lr =	sadd.s32 s0, s3;
	s0 =	sld [smem:$0x3F9C]  }
0x30: {  	s3 =	sld [smem:$0x3F9F]  }
0x31: {  	[smem:$0x3FA8] =	sst s10  }
0x32: {  	s10 =	sld [smem:$0x3FA6];
	_ =	sdelay $0x3  }
0x33: {  	p0 =	seq.s32 s10, $0x1;
	s10 =	sld [smem:$0x3FA8];
	_ =	sdelay $0x3  }
0x34: {  	[smem:$0x3FA8] =	sst s10  }
0x35: {  	s10 =	sld [smem:$0x3FA7];
	_ =	sdelay $0x3  }
0x36: {  	p1 =	seq.s32 s10, $0x1;
	s10 =	sld [smem:$0x3FA8];
	_ =	sdelay $0x3  }
0x37: {  	[smem:$0x3FA8] =	sst s10  }
0x38: {  	s10 =	sld [smem:$0x3FA9]  }
0x39: {  	_ = 	snop;
	(pc) =	sbr.ind lr, $3  }
0x3a: {  	_ = 	snop  }
0x3b: {  	_ = 	snop  }
0x3c: {  	p2 =	seq.s32 s10, $0x1;
	s10 =	sld [smem:$0x3FA8]  }
0x3d: {  	_ =	shalt  }
0x3e: {  	_ =	shalt  }
0x3f: {  	_ =	shalt  }
0x40: {  	_ =	shalt  }
0x41: {  	_ =	shalt  }
0x42: {  	_ =	shalt  }
0x43: {  	_ =	shalt  }
0x44: {  	_ =	shalt  }
0x45: {  	_ =	shalt  }
0x46: {  	_ =	shalt  }
0x47: {  	_ =	shalt  }
0x48: {  	_ =	shalt  }
0x49: {  	_ =	shalt  }
0x4a: {  	_ =	shalt  }
0x4b: {  	_ =	shalt  }
0x4c: {  	_ =	shalt  }
0x4d: {  	_ =	shalt  }
0x4e: {  	_ =	shalt  }
0x4f: {  	_ =	shalt  }
0x50: {  	_ =	shalt  }
0x51: {  	_ =	shalt  }
0x52: {  	_ =	shalt  }
0x53: {  	_ =	shalt  }
0x54: {  	_ =	shalt  }
0x55: {  	_ =	shalt  }
0x56: {  	_ =	shalt  }
0x57: {  	_ =	shalt  }
0x58: {  	_ =	shalt  }
0x59: {  	_ =	shalt  }
0x5a: {  	_ =	shalt  }
0x5b: {  	_ =	shalt  }
0x5c: {  	_ =	shalt  }
0x5d: {  	_ =	shalt  }
0x5e: {  	_ =	shalt  }
0x5f: {  	_ =	shalt  }
0x60: {  	_ =	shalt  }
0x61: {  	_ =	shalt  }
0x62: {  	_ =	shalt  }
0x63: {  	_ =	shalt  }
0x64: {  	_ =	shalt  }
0x65: {  	_ =	shalt  }
0x66: {  	_ =	shalt  }
0x67: {  	_ =	shalt  }
0x68: {  	_ =	shalt  }
0x69: {  	_ =	shalt  }
0x6a: {  	_ =	shalt  }
0x6b: {  	_ =	shalt  }
0x6c: {  	_ =	shalt  }
0x6d: {  	_ =	shalt  }
0x6e: {  	_ =	shalt  }
0x6f: {  	_ =	shalt  }
0x70: {  	_ =	shalt  }
0x71: {  	_ =	shalt  }
0x72: {  	_ =	shalt  }
0x73: {  	_ =	shalt  }
0x74: {  	_ =	shalt  }
0x75: {  	_ =	shalt  }
0x76: {  	_ =	shalt  }
0x77: {  	_ =	shalt  }
0x78: {  	_ =	shalt  }
0x79: {  	_ =	shalt  }
0x7a: {  	_ =	shalt  }
0x7b: {  	_ =	shalt  }
0x7c: {  	_ =	shalt  }
0x7d: {  	_ =	shalt  }
0x7e: {  	_ =	shalt  }
0x7f: {  	_ =	shalt  }
0x80: {  	_ =	shalt  }
0x81: {  	_ =	shalt  }
0x82: {  	_ =	shalt  }
0x83: {  	_ =	shalt  }
0x84: {  	_ =	shalt  }
0x85: {  	_ =	shalt  }
0x86: {  	_ =	shalt  }
0x87: {  	_ =	shalt  }
.Lfunc_end0:
.L_simem_size_0:
called_computation.1_lowered:
.L_overlay_start_0:
0x88: {  	s2 =	sld [smem:$0x3FD9]  }
0x89: {  	s3 =	sld [smem:$0x3FFE];
	_ =	sdelay $0x1  }
0x8a: {  	s1 =	srdreg.scid  }
0x8b: {  	s0 =	sand.u32 $0x1, s1  }
0x8c: {  	s17 =	sshll.u32 s0, $0xA;
	s2 =	sadd.s32 s3, s2  }
0x8d: {  	s2 =	sadd.s32 s2, s17  }
0x8e: {  	[smem:$0x3FB4] =	sst s2  }
0x8f: {  	_ = 	snop  }
0x90: {  	(tm) =	ssettm $0x1  }
0x91: {  	s18 =	sld [smem:$0x3FFB];
	_ =	sdelay $0x3  }
0x92: {  	_ =	strace s18  }
0x93: {  	s2 =	sld [smem:$0x3FFC];
	_ =	sdelay $0x3  }
0x94: {  	_ =	strace s2  }
0x95: {  	s2 =	sld [smem:$0x3FFD];
	_ =	sdelay $0x3  }
0x96: {  	_ =	strace s2  }
0x97: {  	_ =	strace $0x8FFFFFFF  }
0x98: {  	s19 =	sld [smem:$0x3FDB];
	_ =	sdelay $0x1  }
0x99: {  	s20 =	simm.s32 $_scs_section_size  }
0x9a: {  	s4 =	simm.s32 $_size__tile_overlayer_lowered;
	s5 =	simm.s32 $_tile_overlayer_lowered  }
0x9b: {  	s6 =	simm.s32 $0x1BFF;
	s21 =	sshll.u32 s5, $0x1;
	s3 =	sadd.s32 s20, s19  }
0x9c: {  	s22 =	simm.s32 $0x0;
	s4 =	sshll.u32 s4, $0x1;
	s5 =	sadd.s32 s21, s3  }
0x9d: {  	[timem:s22], [sflag:s6] =	dma.local [hbm:s5], s4  }
0x9e: {  	_ =	swait.ge [sflag:s6], s4  }
0x9f: {  	s4 =	ssub.s32 $0x0, s4;
	[sflag:s6] =	ssyncset.done $0x0  }
0xa0: {  	[sflag:s6] =	ssyncadd.s32 s4;
	_ =	sdelay $0x1  }
0xa1: {  	s23 =	simm.s32 $0x1B8B  }
0xa2: {  	_ =	swait.ge [sflag:s23], $0x1  }
0xa3: {  	[sflag:s23] =	ssyncset.done $0x0  }
0xa4: {  	[sflag:s23] =	ssyncadd.s32 $0xFFFFFFFF  }
0xa5: {  	s4 =	sld [smem:$0x0]  }
0xa6: {  	s5 =	sand.u32 $0xFFFFFFFE, s1  }
0xa7: {  	p0 =	sne.s32 s1, s5  }
0xa8: {  	s5 =	sshll.u32 @p0 s5, $0xE  }
0xa9: {  	s5 =	sadd.s32 @p0 $0x11B8D, s5;
	s6 =	sshll.u32 @p0 s4, $0x11  }
0xaa: {  	s5 =	sor.u32 @p0 s6, s5  }
0xab: {  	[sflag:s5] =	ssyncadd.remote.s32 @p0 $0x1;
	_ =	sdelay $0x1  }
0xac: {  	s5 =	simm.s32 @p0 $0x1B8D  }
0xad: {  	_ =	swait.eq @p0 [sflag:s5], $0x1  }
0xae: {  	[sflag:s5] =	ssyncadd.s32 @p0 $0xFFFFFFFF  }
0xaf: {  	s6 =	sshll.u32 @!p0 s1, $0xE  }
0xb0: {  	s6 =	sor.u32 @!p0 $0x4000, s6;
	s5 =	simm.s32 @!p0 $0x1B8D  }
0xb1: {  	s4 =	sshll.u32 @!p0 s4, $0x11;
	s6 =	sadd.s32 @!p0 $0x11B8D, s6;
	_ =	swait.eq @!p0 [sflag:s5], $0x1  }
0xb2: {  	s4 =	sor.u32 @!p0 s4, s6;
	[sflag:s5] =	ssyncadd.s32 @!p0 $0xFFFFFFFF  }
0xb3: {  	s25 =	simm.s32 $0x1B8E;
	s24 =	sld [smem:$0x3FFE];
	[sflag:s4] =	ssyncadd.remote.s32 @!p0 $0x1  }
0xb4: {  	s26 =	simm.s32 $execute0_lowered;
	[smem:$0x3FD2] =	sst s25  }
0xb5: {  	s5 =	sshll.u32 s26, $0x1;
	_ =	strace $0x8000004C;
	[dreg:$0x1] =	wrdreg $0xFFFFFFFF  }
0xb6: {  	s28 =	simm.s32 $_size_execute0_lowered;
	s3 =	sadd.s32 s3, s5;
	[dreg:$0x0] =	wrdreg $0x0  }
0xb7: {  	s5 =	sshll.u32 s28, $0x1;
	[dreg:$0x2] =	wrdreg s3  }
0xb8: {  	[dreg:$0x3] =	wrdreg s5  }
0xb9: {  	[dreg:$0x4] =	wrdreg $0xC0  }
0xba: {  	_ =	task [dreg:s22], $0x5FFFF  }
0xbb: {  	[dreg:$0x1] =	wrdreg $0xFFFFFFFF  }
0xbc: {  	[dreg:$0x0] =	wrdreg $0x60  }
0xbd: {  	[dreg:$0x2] =	wrdreg s24  }
0xbe: {  	[dreg:$0x3] =	wrdreg $0xA  }
0xbf: {  	_ =	task.clear_ibuf [dreg:s22], $0x4FFFF;
	_ =	strace $0x9000004C  }
0xc0: {  	s29 =	simm.s32 $0xA;
	_ =	strace $0x8000004E  }
0xc1: {  	_ =	swait.ge [sflag:s29], $0x1  }
0xc2: {  	[sflag:s29] =	ssyncadd.s32 $0xFFFFFFFF  }
0xc3: {  	_ =	strace $0x9000004E  }
0xc4: {  	_ =	sfence  }
0xc5: {  	s30 =	sld [smem:$0x0];
	_ =	sdelay $0x2  }
0xc6: {  	s31 =	sshll.u32 s1, $0xD;
	s1 =	sshrl.u32 s1, $0x2  }
0xc7: {  	s4 =	sand.u32 $0x4000, s31;
	s1 =	sadd.s32 s1, s30  }
0xc8: {  	s0 =	sor.u32 s4, s0;
	s1 =	sshll.u32 s1, $0x11  }
0xc9: {  	s0 =	sor.u32 s1, s0  }
0xca: {  	s0 =	sadd.s32 $0x8F2B, s0  }
0xcb: {  	[sflag:s0] =	ssyncadd.remote.s32 $0x1  }
0xcc: {  	_ =	sfence.sel $0xFFFF  }
0xcd: {  	[dreg:$0x0] =	wrdreg $0xFFFFFFFF;
	(pc) =	sbr.abs _section_cstart, $3  }
0xce: {  	[dreg:$0x1] =	wrdreg $0xFFFFFFFF  }
0xcf: {  	_ =	task.clear_ibuf [dreg:s22], $0x2FFFF;
	_ =	strace $0x9FFFFFFF  }
0xd0: {  	(tm) =	ssettm $0x7FFFFFFF  }
0xd1: {  	_ =	shalt  }
tec
execute0_lowered:
.L_overlay_start_1:
0x0: {  	(tag) =	ssettag $0x1  }
0x1: {  	s4 =	rddreg [dreg:$0x0]  }
0x2: {  	s0 =	rddreg [dreg:$0x1];
	s2 =	simm.s32 $0x0;
	s3 =	srdreg.scid  }
0x3: {  	s1 =	stileid.u32;
	s10 =	simm.s32 $0x1080;
	s11 =	simm.s32 $0x1880  }
0x4: {  	s12 =	simm.s32 $0x2080;
	s13 =	simm.s32 $0x2880;
	s14 =	simm.s32 $0x3080  }
0x5: {  	s15 =	simm.s32 $0x3880;
	s16 =	simm.s32 $0x4080;
	s17 =	simm.s32 $0x4880  }
0x6: {  	s18 =	simm.s32 $0x5080;
	s19 =	simm.s32 $0x5880;
	s20 =	simm.s32 $0x6080  }
0x7: {  	s21 =	simm.s32 $0x6880;
	s22 =	simm.s32 $0x7080;
	s23 =	simm.s32 $0x7880  }
0x8: {  	s24 =	simm.s32 $0x1;
	s25 =	simm.s32 $0x0;
	[smem:$0x7FF] =	sst s2  }
0x9: {  	s5 =	sand.u32 $0x1, s3;
	s6 =	sshll.u32 s1, $0xC;
	s3 =	sadd.s32 $0x88600, s4  }
0xa: {  	s8 =	sshll.u32 s1, $0x11;
	_ =	strace $0x8000004D;
	s7 =	sshll.u32 s5, $0xB  }
0xb: {  	s31 =	ssub.s32 $0x2, s5;
	s8 =	sadd.s32 s8, s4;
	s5 =	sshll.u32 s5, $0x10  }
0xc: {  	s6 =	sor.u32 s7, s6;
	s9 =	sshrl.u32 s31, $0x1;
	s5 =	sadd.s32 s5, s8  }
0xd: {  	v2 =	vlaneseq.u32;
	s8 =	simm.s32 $0x80;
	s6 =	sshrl.u32 s6, $0x3;
	s7 =	ssub.s32 s31, s9  }
0xe: {  	vm0 =	vmmov $0xffff;
	v1 =	vshrl.u32 v2, $0x3;
	s5 =	sadd.s32 $0x50C600, s5;
	s9 =	simm.s32 $0x880;
	s6 =	sadd.s32 s6, s4  }
0xf: {  	v0 =	vand.u32 $0x7, v2;
	v2 =	vor.u32 $0x8, v2;
	v1 =	vmul.u32 $0x8, v1;
	s4 =	smax.u32 s7, $0x1;
	s7 =	simm.s32 $0x2;
	s6 =	sadd.s32 $0x50A600, s6  }
.LBB2_1:
0x10: {  	s26 =	smov.u32 s5;
	s28 =	simm.s32 $0x0  }
.LBB2_2:
0x11: {  	s29 =	sadd.s32 s28, s6  }
0x12: {  	[tilespmem:s2], [sflag:$0x2] =	stream.linear.gather [hbm4b:s29+s2], $0x80, $0x38;
	[tilespmem:$0x8080] =	vst v63  }
0x13: {  	_ =	swait.ge [sflag:s7], $0x80  }
0x14: {  	[sflag:s7] =	ssyncset.done $0x0  }
0x15: {  	[sflag:s7] =	ssyncadd.s32 $0xFFFFFF80  }
0x16: {  	v3 =	vld [tilespmem:$0x0];
	_ =	sdelay $0x4  }
0x17: {  	v4 =	vshll.u32 v3, $0x1  }
0x18: {  	v3 =	vand.u32 $0x7, v3;
	v4 =	vand.u32 $0xFFFFFFF0, v4  }
0x19: {  	v3 =	vor.u32 v3, v4  }
0x1a: {  	v4 =	vperm.xlane v3, v0;
	_ =	sdelay $0x1  }
0x1b: {  	v3 =	vperm.xlane v3, v2;
	v4 =	vadd.s32 v1, v4;
	_ =	sdelay $0x1  }
0x1c: {  	v3 =	vadd.s32 v1, v3;
	_ =	sdelay $0x2  }
0x1d: {  	[tilespmem:s8], [sflag:$0x1] =	stream.indirect_vreg.gather [hbm4b:s3+s2], $0x80, v4, vm0, $0xb8;
	[tilespmem:$0x8080] =	vst v63  }
0x1e: {  	_ = 	snop  }
0x1f: {  	[tilespmem:s9], [sflag:$0x1] =	stream.indirect_vreg.gather [hbm4b:s3+s2], $0x80, v3, vm0, $0xb8;
	[tilespmem:$0x8080] =	vst v63  }
0x20: {  	v3 =	vld [tilespmem:$0x10];
	_ =	sdelay $0x4  }
0x21: {  	v57 =	vshll.u32 v3, $0x1  }
0x22: {  	v3 =	vand.u32 $0x7, v3;
	v4 =	vand.u32 $0xFFFFFFF0, v57  }
0x23: {  	v3 =	vor.u32 v3, v4  }
0x24: {  	v4 =	vperm.xlane v3, v0;
	_ =	sdelay $0x1  }
0x25: {  	v3 =	vperm.xlane v3, v2;
	v4 =	vadd.s32 v1, v4;
	_ =	sdelay $0x1  }
0x26: {  	v3 =	vadd.s32 v1, v3;
	_ =	sdelay $0x2  }
0x27: {  	[tilespmem:s10], [sflag:$0x1] =	stream.indirect_vreg.gather [hbm4b:s3+s2], $0x80, v4, vm0, $0xb8;
	[tilespmem:$0x8080] =	vst v63  }
0x28: {  	_ = 	snop  }
0x29: {  	[tilespmem:s11], [sflag:$0x1] =	stream.indirect_vreg.gather [hbm4b:s3+s2], $0x80, v3, vm0, $0xb8;
	[tilespmem:$0x8080] =	vst v63  }
0x2a: {  	v3 =	vld [tilespmem:$0x20];
	_ =	sdelay $0x4  }
0x2b: {  	v58 =	vshll.u32 v3, $0x1  }
0x2c: {  	v3 =	vand.u32 $0x7, v3;
	v4 =	vand.u32 $0xFFFFFFF0, v58  }
0x2d: {  	v3 =	vor.u32 v3, v4  }
0x2e: {  	v4 =	vperm.xlane v3, v0;
	_ =	sdelay $0x1  }
0x2f: {  	v3 =	vperm.xlane v3, v2;
	v4 =	vadd.s32 v1, v4;
	_ =	sdelay $0x1  }
0x30: {  	v3 =	vadd.s32 v1, v3;
	_ =	sdelay $0x2  }
0x31: {  	[tilespmem:s12], [sflag:$0x1] =	stream.indirect_vreg.gather [hbm4b:s3+s2], $0x80, v4, vm0, $0xb8;
	[tilespmem:$0x8080] =	vst v63  }
0x32: {  	_ = 	snop  }
0x33: {  	[tilespmem:s13], [sflag:$0x1] =	stream.indirect_vreg.gather [hbm4b:s3+s2], $0x80, v3, vm0, $0xb8;
	[tilespmem:$0x8080] =	vst v63  }
0x34: {  	v3 =	vld [tilespmem:$0x30];
	_ =	sdelay $0x4  }
0x35: {  	v59 =	vshll.u32 v3, $0x1  }
0x36: {  	v3 =	vand.u32 $0x7, v3;
	v4 =	vand.u32 $0xFFFFFFF0, v59  }
0x37: {  	v3 =	vor.u32 v3, v4  }
0x38: {  	v4 =	vperm.xlane v3, v0;
	_ =	sdelay $0x1  }
0x39: {  	v3 =	vperm.xlane v3, v2;
	v4 =	vadd.s32 v1, v4;
	_ =	sdelay $0x1  }
0x3a: {  	v3 =	vadd.s32 v1, v3;
	_ =	sdelay $0x2  }
0x3b: {  	[tilespmem:s14], [sflag:$0x1] =	stream.indirect_vreg.gather [hbm4b:s3+s2], $0x80, v4, vm0, $0xb8;
	[tilespmem:$0x8080] =	vst v63  }
0x3c: {  	_ = 	snop  }
0x3d: {  	[tilespmem:s15], [sflag:$0x1] =	stream.indirect_vreg.gather [hbm4b:s3+s2], $0x80, v3, vm0, $0xb8;
	[tilespmem:$0x8080] =	vst v63  }
0x3e: {  	v3 =	vld [tilespmem:$0x40];
	_ =	sdelay $0x4  }
0x3f: {  	v60 =	vshll.u32 v3, $0x1  }
0x40: {  	v3 =	vand.u32 $0x7, v3;
	v4 =	vand.u32 $0xFFFFFFF0, v60  }
0x41: {  	v3 =	vor.u32 v3, v4  }
0x42: {  	v4 =	vperm.xlane v3, v0;
	_ =	sdelay $0x1  }
0x43: {  	v3 =	vperm.xlane v3, v2;
	v4 =	vadd.s32 v1, v4;
	_ =	sdelay $0x1  }
0x44: {  	v3 =	vadd.s32 v1, v3;
	_ =	sdelay $0x2  }
0x45: {  	[tilespmem:s16], [sflag:$0x1] =	stream.indirect_vreg.gather [hbm4b:s3+s2], $0x80, v4, vm0, $0xb8;
	[tilespmem:$0x8080] =	vst v63  }
0x46: {  	_ = 	snop  }
0x47: {  	[tilespmem:s17], [sflag:$0x1] =	stream.indirect_vreg.gather [hbm4b:s3+s2], $0x80, v3, vm0, $0xb8;
	[tilespmem:$0x8080] =	vst v63  }
0x48: {  	v3 =	vld [tilespmem:$0x50];
	_ =	sdelay $0x4  }
0x49: {  	v61 =	vshll.u32 v3, $0x1  }
0x4a: {  	v3 =	vand.u32 $0x7, v3;
	v4 =	vand.u32 $0xFFFFFFF0, v61  }
0x4b: {  	v3 =	vor.u32 v3, v4  }
0x4c: {  	v4 =	vperm.xlane v3, v0;
	_ =	sdelay $0x1  }
0x4d: {  	v3 =	vperm.xlane v3, v2;
	v4 =	vadd.s32 v1, v4;
	_ =	sdelay $0x1  }
0x4e: {  	v3 =	vadd.s32 v1, v3;
	_ =	sdelay $0x2  }
0x4f: {  	[tilespmem:s18], [sflag:$0x1] =	stream.indirect_vreg.gather [hbm4b:s3+s2], $0x80, v4, vm0, $0xb8;
	[tilespmem:$0x8080] =	vst v63  }
0x50: {  	_ = 	snop  }
0x51: {  	[tilespmem:s19], [sflag:$0x1] =	stream.indirect_vreg.gather [hbm4b:s3+s2], $0x80, v3, vm0, $0xb8;
	[tilespmem:$0x8080] =	vst v63  }
0x52: {  	v3 =	vld [tilespmem:$0x60];
	_ =	sdelay $0x4  }
0x53: {  	v62 =	vshll.u32 v3, $0x1  }
0x54: {  	v3 =	vand.u32 $0x7, v3;
	v4 =	vand.u32 $0xFFFFFFF0, v62  }
0x55: {  	v3 =	vor.u32 v3, v4  }
0x56: {  	v4 =	vperm.xlane v3, v0;
	_ =	sdelay $0x1  }
0x57: {  	v3 =	vperm.xlane v3, v2;
	v4 =	vadd.s32 v1, v4;
	_ =	sdelay $0x1  }
0x58: {  	v3 =	vadd.s32 v1, v3;
	_ =	sdelay $0x2  }
0x59: {  	[tilespmem:s20], [sflag:$0x1] =	stream.indirect_vreg.gather [hbm4b:s3+s2], $0x80, v4, vm0, $0xb8;
	[tilespmem:$0x8080] =	vst v63  }
0x5a: {  	_ = 	snop  }
0x5b: {  	[tilespmem:s21], [sflag:$0x1] =	stream.indirect_vreg.gather [hbm4b:s3+s2], $0x80, v3, vm0, $0xb8;
	[tilespmem:$0x8080] =	vst v63  }
0x5c: {  	v3 =	vld [tilespmem:$0x70];
	_ =	sdelay $0x4  }
0x5d: {  	v63 =	vshll.u32 v3, $0x1  }
0x5e: {  	v3 =	vand.u32 $0x7, v3;
	v4 =	vand.u32 $0xFFFFFFF0, v63  }
0x5f: {  	v3 =	vor.u32 v3, v4  }
0x60: {  	v4 =	vperm.xlane v3, v0;
	_ =	sdelay $0x1  }
0x61: {  	v3 =	vperm.xlane v3, v2;
	v4 =	vadd.s32 v1, v4;
	_ =	sdelay $0x1  }
0x62: {  	v3 =	vadd.s32 v1, v3;
	_ =	sdelay $0x2  }
0x63: {  	[tilespmem:s22], [sflag:$0x1] =	stream.indirect_vreg.gather [hbm4b:s3+s2], $0x80, v4, vm0, $0xb8;
	[tilespmem:$0x8080] =	vst v63  }
0x64: {  	_ = 	snop  }
0x65: {  	[tilespmem:s23], [sflag:$0x1] =	stream.indirect_vreg.gather [hbm4b:s3+s2], $0x80, v3, vm0, $0xb8;
	[tilespmem:$0x8080] =	vst v63  }
0x66: {  	_ =	swait.ge [sflag:s24], $0x8000  }
0x67: {  	p0 =	sne.s32 s28, $0xF0;
	[sflag:s24] =	ssyncset.done $0x0  }
.Ltmp0:
0x68: {  	[sflag:s24] =	ssyncadd.s32 $0xFFFF8000;
	(pc) =	sbr.rel @p0 .LBB2_2-.Ltmp0, $4  }
0x69: {  	[hbm4b:s26+s2] =	stream.linear.scatter [tilespmem:s8], [sflag:$0x2], $0x8000, $0x38;
	[tilespmem:$0x8080] =	vst v63  }
0x6a: {  	_ =	swait.ge [sflag:s7], $0x8000  }
0x6b: {  	[sflag:s7] =	ssyncset.done $0x0  }
0x6c: {  	s28 =	sadd.s32 $0x10, s28;
	s26 =	sadd.s32 $0x1000, s26;
	[sflag:s7] =	ssyncadd.s32 $0xFFFF8000  }
0x6d: {  	s25 =	sadd.s32 $0x1, s25  }
0x6e: {  	p0 =	sne.s32 s25, s4  }
.Ltmp1:
0x6f: {  	_ = 	snop;
	(pc) =	sbr.rel @p0 .LBB2_1-.Ltmp1, $1  }
0x70: {  	_ =	sdelay $0x3  }
0x71: {  	_ =	sfence.sel $0x180000  }
0x72: {  	[bflag:$0x0] =	sbarrier.arrive $0xFFFF  }
0x73: {  	p0 =	sne.s32 s1, $0x0;
	_ =	strace $0x9000004D  }
0x74: {  	s0 =	sadd.s32 @!p0 $0x100000, s0;
	[bflag:$0x2] =	sbarrier.arrive $0xFFFF  }
0x75: {  	[sflag:s0] =	ssyncadd.tile.s32 @!p0 $0x1;
	_ =	shalt  }
.Lfunc_end2:
_tile_overlayer_lowered:
.L_overlay_start_2:
0x76: {  	(tag) =	ssettag $0x2  }
0x77: {  	s0 =	rddreg [dreg:$0x0];
	s2 =	stileid.u32  }
0x78: {  	s1 =	rddreg [dreg:$0x1];
	p0 =	sne.s32 s2, $0x0  }
0x79: {  	s3 =	rddreg [dreg:$0x2];
	[bflag:$0x3] =	sbarrier.arrive $0xFFFF;
	s2 =	simm.s32 @!p0 $0x1C02  }
0x7a: {  	[timem:s3], [sflag:s2] =	dma.local @!p0 [hbm:s0], s1  }
0x7b: {  	s0 =	simm.s32 @!p0 $0x2  }
0x7c: {  	_ =	swait.ge @!p0 [sflag:s0], s1  }
0x7d: {  	s1 =	ssub.s32 @!p0 $0x0, s1;
	[sflag:s0] =	ssyncset.done @!p0 $0x0  }
0x7e: {  	[sflag:s0] =	ssyncadd.s32 @!p0 s1  }
0x7f: {  	[bflag:$0x3] =	sbarrier.arrive $0xFFFF  }
0x80: {  	_ =	shalt  }

// kernel: kernel.21.cloned.1.call-start
scs
__scs_entry_jumppad:
0x0: {  	(pc) =	sbr.rel $0x88, $3  }
0x1: {  	(tag) =	ssettag $0x0;
	lr =	simm.s32 $0x1  }
0x2: {  	[smem:$0x3F8D] =	sst lr;
	_ =	strace $0xD0000000  }
0x3: {  	_ = 	snop  }
0x4: {  	_ = 	snop  }
0x5: {  	_ = 	snop  }
0x6: {  	_ = 	snop  }
0x7: {  	_ = 	snop  }
__scs_overlays_trampoline_lowered:
0x8: {  	[smem:$0x3F9C] =	sst s0  }
0x9: {  	[smem:$0x3F9D] =	sst s1  }
0xa: {  	[smem:$0x3F9E] =	sst s2  }
0xb: {  	[smem:$0x3F9F] =	sst s3  }
0xc: {  	[smem:$0x3FA0] =	sst s4  }
0xd: {  	[smem:$0x3FA1] =	sst s5  }
0xe: {  	[smem:$0x3FA2] =	sst s6  }
0xf: {  	[smem:$0x3FA3] =	sst s7  }
0x10: {  	[smem:$0x3FA4] =	sst s8  }
0x11: {  	[smem:$0x3FA5] =	sst s9;
	s0 =	simm.s32 @!p0 $0x0  }
0x12: {  	s1 =	sld [smem:$0x3F8B];
	s0 =	simm.s32 @p0 $0x1  }
0x13: {  	[smem:$0x3FA6] =	sst s0;
	s0 =	simm.s32 @!p1 $0x0  }
0x14: {  	s2 =	sld [smem:$0x3F8A];
	s0 =	simm.s32 @p1 $0x1  }
0x15: {  	[smem:$0x3FA7] =	sst s0;
	s0 =	simm.s32 @!p2 $0x0  }
0x16: {  	s3 =	sld [smem:$0x3FDB];
	s0 =	simm.s32 @p2 $0x1  }
0x17: {  	s4 =	simm.s32 $0x1BF5;
	[smem:$0x3FA9] =	sst s0  }
0x18: {  	s0 =	sld [smem:$0x3F8C];
	_ =	swait.ge [sflag:s4], $0x0  }
0x19: {  	s7 =	sld [smem:$0x3F8D]  }
0x1a: {  	s8 =	sadd.s32 $0xFFFFE003, lr  }
0x1b: {  	s9 =	sadd.s32 $0xFFFFFEF7, lr;
	s5 =	simm.s32 $0xFFFFFFFF;
	p2 =	slt.u32 s8, $0xFFFFF086  }
0x1c: {  	p1 =	slt.u32 s9, $0xF7A;
	s5 =	simm.s32 @!p2 $0x0  }
0x1d: {  	s5 =	simm.s32 @p1 $0x1;
	p0 =	seq.s32 s7, s2  }
0x1e: {  	s7 =	smul.u32 @!p0 $0xF7A, s2;
	p2 =	seq.s32 @!p0 s5, $0x0  }
0x1f: {  	s9 =	smul.u32 $0xF7A, s1;
	s8 =	simm.s32 @!p0 $0x1BF5;
	p2 =	por !p2, p0  }
0x20: {  	[sflag:s8] =	ssyncset.s32 @!p0 $0xFFFFF086;
	s6 =	sadd.s32 @!p0 s3, s7;
	s7 =	simm.s32 @!p0 $0x108  }
0x21: {  	s3 =	sadd.s32 s3, s9;
	s6 =	sadd.s32 @!p0 $0x88, s6;
	s7 =	simm.s32 @p2 $0x1082  }
0x22: {  	[simem:s7], [sflag:s8] =	dma.local @!p0 [hbm:s6], $0xF7A  }
0x23: {  	s9 =	sor.u32 $0xD0000000, s2;
	s6 =	simm.s32 $0x108;
	_ =	swait.ge @!p0 [sflag:s8], $0x0  }
0x24: {  	s3 =	sadd.s32 $0x88, s3;
	s6 =	simm.s32 @!p1 $0x1082;
	[sflag:s4] =	ssyncset.s32 $0xFFFFF086  }
0x25: {  	[simem:s6], [sflag:s4] =	dma.local [hbm:s3], $0xF7A  }
0x26: {  	[smem:$0x3F8D] =	sst s1;
	(tag) =	ssettag s2;
	_ =	strace s9  }
0x27: {  	s1 =	sld [smem:$0x3F9D]  }
0x28: {  	s2 =	sld [smem:$0x3F9E]  }
0x29: {  	s4 =	sld [smem:$0x3FA0]  }
0x2a: {  	p0 =	seq.s32 s5, $0x0;
	s5 =	sld [smem:$0x3FA1]  }
0x2b: {  	s6 =	sld [smem:$0x3FA2]  }
0x2c: {  	s7 =	sld [smem:$0x3FA3]  }
0x2d: {  	s3 =	simm.s32 $0x108;
	s8 =	sld [smem:$0x3FA4]  }
0x2e: {  	s3 =	simm.s32 @!p0 $0x1082;
	s9 =	sld [smem:$0x3FA5]  }
0x2f: {  	lr =	sadd.s32 s0, s3;
	s0 =	sld [smem:$0x3F9C]  }
0x30: {  	s3 =	sld [smem:$0x3F9F]  }
0x31: {  	[smem:$0x3FA8] =	sst s10  }
0x32: {  	s10 =	sld [smem:$0x3FA6];
	_ =	sdelay $0x3  }
0x33: {  	p0 =	seq.s32 s10, $0x1;
	s10 =	sld [smem:$0x3FA8];
	_ =	sdelay $0x3  }
0x34: {  	[smem:$0x3FA8] =	sst s10  }
0x35: {  	s10 =	sld [smem:$0x3FA7];
	_ =	sdelay $0x3  }
0x36: {  	p1 =	seq.s32 s10, $0x1;
	s10 =	sld [smem:$0x3FA8];
	_ =	sdelay $0x3  }
0x37: {  	[smem:$0x3FA8] =	sst s10  }
0x38: {  	s10 =	sld [smem:$0x3FA9]  }
0x39: {  	_ = 	snop;
	(pc) =	sbr.ind lr, $3  }
0x3a: {  	_ = 	snop  }
0x3b: {  	_ = 	snop  }
0x3c: {  	p2 =	seq.s32 s10, $0x1;
	s10 =	sld [smem:$0x3FA8]  }
0x3d: {  	_ =	shalt  }
0x3e: {  	_ =	shalt  }
0x3f: {  	_ =	shalt  }
0x40: {  	_ =	shalt  }
0x41: {  	_ =	shalt  }
0x42: {  	_ =	shalt  }
0x43: {  	_ =	shalt  }
0x44: {  	_ =	shalt  }
0x45: {  	_ =	shalt  }
0x46: {  	_ =	shalt  }
0x47: {  	_ =	shalt  }
0x48: {  	_ =	shalt  }
0x49: {  	_ =	shalt  }
0x4a: {  	_ =	shalt  }
0x4b: {  	_ =	shalt  }
0x4c: {  	_ =	shalt  }
0x4d: {  	_ =	shalt  }
0x4e: {  	_ =	shalt  }
0x4f: {  	_ =	shalt  }
0x50: {  	_ =	shalt  }
0x51: {  	_ =	shalt  }
0x52: {  	_ =	shalt  }
0x53: {  	_ =	shalt  }
0x54: {  	_ =	shalt  }
0x55: {  	_ =	shalt  }
0x56: {  	_ =	shalt  }
0x57: {  	_ =	shalt  }
0x58: {  	_ =	shalt  }
0x59: {  	_ =	shalt  }
0x5a: {  	_ =	shalt  }
0x5b: {  	_ =	shalt  }
0x5c: {  	_ =	shalt  }
0x5d: {  	_ =	shalt  }
0x5e: {  	_ =	shalt  }
0x5f: {  	_ =	shalt  }
0x60: {  	_ =	shalt  }
0x61: {  	_ =	shalt  }
0x62: {  	_ =	shalt  }
0x63: {  	_ =	shalt  }
0x64: {  	_ =	shalt  }
0x65: {  	_ =	shalt  }
0x66: {  	_ =	shalt  }
0x67: {  	_ =	shalt  }
0x68: {  	_ =	shalt  }
0x69: {  	_ =	shalt  }
0x6a: {  	_ =	shalt  }
0x6b: {  	_ =	shalt  }
0x6c: {  	_ =	shalt  }
0x6d: {  	_ =	shalt  }
0x6e: {  	_ =	shalt  }
0x6f: {  	_ =	shalt  }
0x70: {  	_ =	shalt  }
0x71: {  	_ =	shalt  }
0x72: {  	_ =	shalt  }
0x73: {  	_ =	shalt  }
0x74: {  	_ =	shalt  }
0x75: {  	_ =	shalt  }
0x76: {  	_ =	shalt  }
0x77: {  	_ =	shalt  }
0x78: {  	_ =	shalt  }
0x79: {  	_ =	shalt  }
0x7a: {  	_ =	shalt  }
0x7b: {  	_ =	shalt  }
0x7c: {  	_ =	shalt  }
0x7d: {  	_ =	shalt  }
0x7e: {  	_ =	shalt  }
0x7f: {  	_ =	shalt  }
0x80: {  	_ =	shalt  }
0x81: {  	_ =	shalt  }
0x82: {  	_ =	shalt  }
0x83: {  	_ =	shalt  }
0x84: {  	_ =	shalt  }
0x85: {  	_ =	shalt  }
0x86: {  	_ =	shalt  }
0x87: {  	_ =	shalt  }
.Lfunc_end0:
.L_simem_size_0:
called_computation.2_lowered:
.L_overlay_start_0:
0x88: {  	s2 =	sld [smem:$0x3FD9]  }
0x89: {  	s3 =	sld [smem:$0x3FFE];
	_ =	sdelay $0x1  }
0x8a: {  	s1 =	srdreg.scid  }
0x8b: {  	s0 =	sand.u32 $0x1, s1  }
0x8c: {  	s17 =	sshll.u32 s0, $0xA;
	s2 =	sadd.s32 s3, s2  }
0x8d: {  	s2 =	sadd.s32 s2, s17  }
0x8e: {  	[smem:$0x3FB4] =	sst s2  }
0x8f: {  	_ = 	snop  }
0x90: {  	(tm) =	ssettm $0x1  }
0x91: {  	s18 =	sld [smem:$0x3FFB];
	_ =	sdelay $0x3  }
0x92: {  	_ =	strace s18  }
0x93: {  	s2 =	sld [smem:$0x3FFC];
	_ =	sdelay $0x3  }
0x94: {  	_ =	strace s2  }
0x95: {  	s2 =	sld [smem:$0x3FFD];
	_ =	sdelay $0x3  }
0x96: {  	_ =	strace s2  }
0x97: {  	_ =	strace $0x8FFFFFFF  }
0x98: {  	s19 =	sld [smem:$0x3FDB];
	_ =	sdelay $0x1  }
0x99: {  	s20 =	simm.s32 $_scs_section_size  }
0x9a: {  	s4 =	simm.s32 $_size__tile_overlayer_lowered;
	s5 =	simm.s32 $_tile_overlayer_lowered  }
0x9b: {  	s6 =	simm.s32 $0x1BFF;
	s21 =	sshll.u32 s5, $0x1;
	s3 =	sadd.s32 s20, s19  }
0x9c: {  	s22 =	simm.s32 $0x0;
	s4 =	sshll.u32 s4, $0x1;
	s5 =	sadd.s32 s21, s3  }
0x9d: {  	[timem:s22], [sflag:s6] =	dma.local [hbm:s5], s4  }
0x9e: {  	_ =	swait.ge [sflag:s6], s4  }
0x9f: {  	s4 =	ssub.s32 $0x0, s4;
	[sflag:s6] =	ssyncset.done $0x0  }
0xa0: {  	[sflag:s6] =	ssyncadd.s32 s4;
	_ =	sdelay $0x1  }
0xa1: {  	s23 =	simm.s32 $0x1B8B  }
0xa2: {  	_ =	swait.ge [sflag:s23], $0x1  }
0xa3: {  	[sflag:s23] =	ssyncset.done $0x0  }
0xa4: {  	[sflag:s23] =	ssyncadd.s32 $0xFFFFFFFF  }
0xa5: {  	s4 =	sld [smem:$0x0]  }
0xa6: {  	s5 =	sand.u32 $0xFFFFFFFE, s1  }
0xa7: {  	p0 =	sne.s32 s1, s5  }
0xa8: {  	s5 =	sshll.u32 @p0 s5, $0xE  }
0xa9: {  	s5 =	sadd.s32 @p0 $0x11B8D, s5;
	s6 =	sshll.u32 @p0 s4, $0x11  }
0xaa: {  	s5 =	sor.u32 @p0 s6, s5  }
0xab: {  	[sflag:s5] =	ssyncadd.remote.s32 @p0 $0x1;
	_ =	sdelay $0x1  }
0xac: {  	s5 =	simm.s32 @p0 $0x1B8D  }
0xad: {  	_ =	swait.eq @p0 [sflag:s5], $0x1  }
0xae: {  	[sflag:s5] =	ssyncadd.s32 @p0 $0xFFFFFFFF  }
0xaf: {  	s6 =	sshll.u32 @!p0 s1, $0xE  }
0xb0: {  	s6 =	sor.u32 @!p0 $0x4000, s6;
	s5 =	simm.s32 @!p0 $0x1B8D  }
0xb1: {  	s4 =	sshll.u32 @!p0 s4, $0x11;
	s6 =	sadd.s32 @!p0 $0x11B8D, s6;
	_ =	swait.eq @!p0 [sflag:s5], $0x1  }
0xb2: {  	s4 =	sor.u32 @!p0 s4, s6;
	[sflag:s5] =	ssyncadd.s32 @!p0 $0xFFFFFFFF  }
0xb3: {  	s25 =	simm.s32 $0x1B8E;
	s24 =	sld [smem:$0x3FFE];
	[sflag:s4] =	ssyncadd.remote.s32 @!p0 $0x1  }
0xb4: {  	s26 =	simm.s32 $execute0_lowered;
	[smem:$0x3FD2] =	sst s25  }
0xb5: {  	s5 =	sshll.u32 s26, $0x1;
	_ =	strace $0x80000049;
	[dreg:$0x1] =	wrdreg $0xFFFFFFFF  }
0xb6: {  	s28 =	simm.s32 $_size_execute0_lowered;
	s3 =	sadd.s32 s3, s5;
	[dreg:$0x0] =	wrdreg $0x0  }
0xb7: {  	s5 =	sshll.u32 s28, $0x1;
	[dreg:$0x2] =	wrdreg s3  }
0xb8: {  	[dreg:$0x3] =	wrdreg s5  }
0xb9: {  	[dreg:$0x4] =	wrdreg $0xC0  }
0xba: {  	_ =	task [dreg:s22], $0x5FFFF  }
0xbb: {  	[dreg:$0x1] =	wrdreg $0xFFFFFFFF  }
0xbc: {  	[dreg:$0x0] =	wrdreg $0x60  }
0xbd: {  	[dreg:$0x2] =	wrdreg s24  }
0xbe: {  	[dreg:$0x3] =	wrdreg $0xB  }
0xbf: {  	_ =	task.clear_ibuf [dreg:s22], $0x4FFFF;
	_ =	strace $0x90000049  }
0xc0: {  	s29 =	simm.s32 $0xB;
	_ =	strace $0x8000004B  }
0xc1: {  	_ =	swait.ge [sflag:s29], $0x1  }
0xc2: {  	[sflag:s29] =	ssyncadd.s32 $0xFFFFFFFF  }
0xc3: {  	_ =	strace $0x9000004B  }
0xc4: {  	_ =	sfence  }
0xc5: {  	s30 =	sld [smem:$0x0];
	_ =	sdelay $0x2  }
0xc6: {  	s31 =	sshll.u32 s1, $0xD;
	s1 =	sshrl.u32 s1, $0x2  }
0xc7: {  	s4 =	sand.u32 $0x4000, s31;
	s1 =	sadd.s32 s1, s30  }
0xc8: {  	s0 =	sor.u32 s4, s0;
	s1 =	sshll.u32 s1, $0x11  }
0xc9: {  	s0 =	sor.u32 s1, s0  }
0xca: {  	s0 =	sadd.s32 $0x8F2B, s0  }
0xcb: {  	[sflag:s0] =	ssyncadd.remote.s32 $0x1  }
0xcc: {  	_ =	sfence.sel $0xFFFF  }
0xcd: {  	[dreg:$0x0] =	wrdreg $0xFFFFFFFF;
	(pc) =	sbr.abs _section_cstart, $3  }
0xce: {  	[dreg:$0x1] =	wrdreg $0xFFFFFFFF  }
0xcf: {  	_ =	task.clear_ibuf [dreg:s22], $0x2FFFF;
	_ =	strace $0x9FFFFFFF  }
0xd0: {  	(tm) =	ssettm $0x7FFFFFFF  }
0xd1: {  	_ =	shalt  }
tec
execute0_lowered:
.L_overlay_start_1:
0x0: {  	(tag) =	ssettag $0x1  }
0x1: {  	s4 =	rddreg [dreg:$0x0]  }
0x2: {  	s0 =	rddreg [dreg:$0x1];
	s2 =	simm.s32 $0x0;
	s3 =	srdreg.scid  }
0x3: {  	s1 =	stileid.u32;
	s10 =	simm.s32 $0x1080;
	s11 =	simm.s32 $0x1880  }
0x4: {  	s12 =	simm.s32 $0x2080;
	s13 =	simm.s32 $0x2880;
	s14 =	simm.s32 $0x3080  }
0x5: {  	s15 =	simm.s32 $0x3880;
	s16 =	simm.s32 $0x4080;
	s17 =	simm.s32 $0x4880  }
0x6: {  	s18 =	simm.s32 $0x5080;
	s19 =	simm.s32 $0x5880;
	s20 =	simm.s32 $0x6080  }
0x7: {  	s21 =	simm.s32 $0x6880;
	s22 =	simm.s32 $0x7080;
	s23 =	simm.s32 $0x7880  }
0x8: {  	s24 =	simm.s32 $0x1;
	s25 =	simm.s32 $0x0;
	[smem:$0x7FF] =	sst s2  }
0x9: {  	s5 =	sand.u32 $0x1, s3;
	s6 =	sshll.u32 s1, $0xC;
	s3 =	sadd.s32 $0x88600, s4  }
0xa: {  	s8 =	sshll.u32 s1, $0x11;
	_ =	strace $0x8000004A;
	s7 =	sshll.u32 s5, $0xB  }
0xb: {  	s31 =	ssub.s32 $0x2, s5;
	s8 =	sadd.s32 s8, s4;
	s5 =	sshll.u32 s5, $0x10  }
0xc: {  	s6 =	sor.u32 s7, s6;
	s9 =	sshrl.u32 s31, $0x1;
	s5 =	sadd.s32 s5, s8  }
0xd: {  	v2 =	vlaneseq.u32;
	s8 =	simm.s32 $0x80;
	s6 =	sshrl.u32 s6, $0x3;
	s7 =	ssub.s32 s31, s9  }
0xe: {  	vm0 =	vmmov $0xffff;
	v1 =	vshrl.u32 v2, $0x3;
	s5 =	sadd.s32 $0x30A600, s5;
	s9 =	simm.s32 $0x880;
	s6 =	sadd.s32 s6, s4  }
0xf: {  	v0 =	vand.u32 $0x7, v2;
	v2 =	vor.u32 $0x8, v2;
	v1 =	vmul.u32 $0x8, v1;
	s4 =	smax.u32 s7, $0x1;
	s7 =	simm.s32 $0x2;
	s6 =	sadd.s32 $0x308600, s6  }
.LBB2_1:
0x10: {  	s26 =	smov.u32 s5;
	s28 =	simm.s32 $0x0  }
.LBB2_2:
0x11: {  	s29 =	sadd.s32 s28, s6  }
0x12: {  	[tilespmem:s2], [sflag:$0x2] =	stream.linear.gather [hbm4b:s29+s2], $0x80, $0x38;
	[tilespmem:$0x8080] =	vst v63  }
0x13: {  	_ =	swait.ge [sflag:s7], $0x80  }
0x14: {  	[sflag:s7] =	ssyncset.done $0x0  }
0x15: {  	[sflag:s7] =	ssyncadd.s32 $0xFFFFFF80  }
0x16: {  	v3 =	vld [tilespmem:$0x0];
	_ =	sdelay $0x4  }
0x17: {  	v4 =	vshll.u32 v3, $0x1  }
0x18: {  	v3 =	vand.u32 $0x7, v3;
	v4 =	vand.u32 $0xFFFFFFF0, v4  }
0x19: {  	v3 =	vor.u32 v3, v4  }
0x1a: {  	v4 =	vperm.xlane v3, v0;
	_ =	sdelay $0x1  }
0x1b: {  	v3 =	vperm.xlane v3, v2;
	v4 =	vadd.s32 v1, v4;
	_ =	sdelay $0x1  }
0x1c: {  	v3 =	vadd.s32 v1, v3;
	_ =	sdelay $0x2  }
0x1d: {  	[tilespmem:s8], [sflag:$0x1] =	stream.indirect_vreg.gather [hbm4b:s3+s2], $0x80, v4, vm0, $0xb8;
	[tilespmem:$0x8080] =	vst v63  }
0x1e: {  	_ = 	snop  }
0x1f: {  	[tilespmem:s9], [sflag:$0x1] =	stream.indirect_vreg.gather [hbm4b:s3+s2], $0x80, v3, vm0, $0xb8;
	[tilespmem:$0x8080] =	vst v63  }
0x20: {  	v3 =	vld [tilespmem:$0x10];
	_ =	sdelay $0x4  }
0x21: {  	v57 =	vshll.u32 v3, $0x1  }
0x22: {  	v3 =	vand.u32 $0x7, v3;
	v4 =	vand.u32 $0xFFFFFFF0, v57  }
0x23: {  	v3 =	vor.u32 v3, v4  }
0x24: {  	v4 =	vperm.xlane v3, v0;
	_ =	sdelay $0x1  }
0x25: {  	v3 =	vperm.xlane v3, v2;
	v4 =	vadd.s32 v1, v4;
	_ =	sdelay $0x1  }
0x26: {  	v3 =	vadd.s32 v1, v3;
	_ =	sdelay $0x2  }
0x27: {  	[tilespmem:s10], [sflag:$0x1] =	stream.indirect_vreg.gather [hbm4b:s3+s2], $0x80, v4, vm0, $0xb8;
	[tilespmem:$0x8080] =	vst v63  }
0x28: {  	_ = 	snop  }
0x29: {  	[tilespmem:s11], [sflag:$0x1] =	stream.indirect_vreg.gather [hbm4b:s3+s2], $0x80, v3, vm0, $0xb8;
	[tilespmem:$0x8080] =	vst v63  }
0x2a: {  	v3 =	vld [tilespmem:$0x20];
	_ =	sdelay $0x4  }
0x2b: {  	v58 =	vshll.u32 v3, $0x1  }
0x2c: {  	v3 =	vand.u32 $0x7, v3;
	v4 =	vand.u32 $0xFFFFFFF0, v58  }
0x2d: {  	v3 =	vor.u32 v3, v4  }
0x2e: {  	v4 =	vperm.xlane v3, v0;
	_ =	sdelay $0x1  }
0x2f: {  	v3 =	vperm.xlane v3, v2;
	v4 =	vadd.s32 v1, v4;
	_ =	sdelay $0x1  }
0x30: {  	v3 =	vadd.s32 v1, v3;
	_ =	sdelay $0x2  }
0x31: {  	[tilespmem:s12], [sflag:$0x1] =	stream.indirect_vreg.gather [hbm4b:s3+s2], $0x80, v4, vm0, $0xb8;
	[tilespmem:$0x8080] =	vst v63  }
0x32: {  	_ = 	snop  }
0x33: {  	[tilespmem:s13], [sflag:$0x1] =	stream.indirect_vreg.gather [hbm4b:s3+s2], $0x80, v3, vm0, $0xb8;
	[tilespmem:$0x8080] =	vst v63  }
0x34: {  	v3 =	vld [tilespmem:$0x30];
	_ =	sdelay $0x4  }
0x35: {  	v59 =	vshll.u32 v3, $0x1  }
0x36: {  	v3 =	vand.u32 $0x7, v3;
	v4 =	vand.u32 $0xFFFFFFF0, v59  }
0x37: {  	v3 =	vor.u32 v3, v4  }
0x38: {  	v4 =	vperm.xlane v3, v0;
	_ =	sdelay $0x1  }
0x39: {  	v3 =	vperm.xlane v3, v2;
	v4 =	vadd.s32 v1, v4;
	_ =	sdelay $0x1  }
0x3a: {  	v3 =	vadd.s32 v1, v3;
	_ =	sdelay $0x2  }
0x3b: {  	[tilespmem:s14], [sflag:$0x1] =	stream.indirect_vreg.gather [hbm4b:s3+s2], $0x80, v4, vm0, $0xb8;
	[tilespmem:$0x8080] =	vst v63  }
0x3c: {  	_ = 	snop  }
0x3d: {  	[tilespmem:s15], [sflag:$0x1] =	stream.indirect_vreg.gather [hbm4b:s3+s2], $0x80, v3, vm0, $0xb8;
	[tilespmem:$0x8080] =	vst v63  }
0x3e: {  	v3 =	vld [tilespmem:$0x40];
	_ =	sdelay $0x4  }
0x3f: {  	v60 =	vshll.u32 v3, $0x1  }
0x40: {  	v3 =	vand.u32 $0x7, v3;
	v4 =	vand.u32 $0xFFFFFFF0, v60  }
0x41: {  	v3 =	vor.u32 v3, v4  }
0x42: {  	v4 =	vperm.xlane v3, v0;
	_ =	sdelay $0x1  }
0x43: {  	v3 =	vperm.xlane v3, v2;
	v4 =	vadd.s32 v1, v4;
	_ =	sdelay $0x1  }
0x44: {  	v3 =	vadd.s32 v1, v3;
	_ =	sdelay $0x2  }
0x45: {  	[tilespmem:s16], [sflag:$0x1] =	stream.indirect_vreg.gather [hbm4b:s3+s2], $0x80, v4, vm0, $0xb8;
	[tilespmem:$0x8080] =	vst v63  }
0x46: {  	_ = 	snop  }
0x47: {  	[tilespmem:s17], [sflag:$0x1] =	stream.indirect_vreg.gather [hbm4b:s3+s2], $0x80, v3, vm0, $0xb8;
	[tilespmem:$0x8080] =	vst v63  }
0x48: {  	v3 =	vld [tilespmem:$0x50];
	_ =	sdelay $0x4  }
0x49: {  	v61 =	vshll.u32 v3, $0x1  }
0x4a: {  	v3 =	vand.u32 $0x7, v3;
	v4 =	vand.u32 $0xFFFFFFF0, v61  }
0x4b: {  	v3 =	vor.u32 v3, v4  }
0x4c: {  	v4 =	vperm.xlane v3, v0;
	_ =	sdelay $0x1  }
0x4d: {  	v3 =	vperm.xlane v3, v2;
	v4 =	vadd.s32 v1, v4;
	_ =	sdelay $0x1  }
0x4e: {  	v3 =	vadd.s32 v1, v3;
	_ =	sdelay $0x2  }
0x4f: {  	[tilespmem:s18], [sflag:$0x1] =	stream.indirect_vreg.gather [hbm4b:s3+s2], $0x80, v4, vm0, $0xb8;
	[tilespmem:$0x8080] =	vst v63  }
0x50: {  	_ = 	snop  }
0x51: {  	[tilespmem:s19], [sflag:$0x1] =	stream.indirect_vreg.gather [hbm4b:s3+s2], $0x80, v3, vm0, $0xb8;
	[tilespmem:$0x8080] =	vst v63  }
0x52: {  	v3 =	vld [tilespmem:$0x60];
	_ =	sdelay $0x4  }
0x53: {  	v62 =	vshll.u32 v3, $0x1  }
0x54: {  	v3 =	vand.u32 $0x7, v3;
	v4 =	vand.u32 $0xFFFFFFF0, v62  }
0x55: {  	v3 =	vor.u32 v3, v4  }
0x56: {  	v4 =	vperm.xlane v3, v0;
	_ =	sdelay $0x1  }
0x57: {  	v3 =	vperm.xlane v3, v2;
	v4 =	vadd.s32 v1, v4;
	_ =	sdelay $0x1  }
0x58: {  	v3 =	vadd.s32 v1, v3;
	_ =	sdelay $0x2  }
0x59: {  	[tilespmem:s20], [sflag:$0x1] =	stream.indirect_vreg.gather [hbm4b:s3+s2], $0x80, v4, vm0, $0xb8;
	[tilespmem:$0x8080] =	vst v63  }
0x5a: {  	_ = 	snop  }
0x5b: {  	[tilespmem:s21], [sflag:$0x1] =	stream.indirect_vreg.gather [hbm4b:s3+s2], $0x80, v3, vm0, $0xb8;
	[tilespmem:$0x8080] =	vst v63  }
0x5c: {  	v3 =	vld [tilespmem:$0x70];
	_ =	sdelay $0x4  }
0x5d: {  	v63 =	vshll.u32 v3, $0x1  }
0x5e: {  	v3 =	vand.u32 $0x7, v3;
	v4 =	vand.u32 $0xFFFFFFF0, v63  }
0x5f: {  	v3 =	vor.u32 v3, v4  }
0x60: {  	v4 =	vperm.xlane v3, v0;
	_ =	sdelay $0x1  }
0x61: {  	v3 =	vperm.xlane v3, v2;
	v4 =	vadd.s32 v1, v4;
	_ =	sdelay $0x1  }
0x62: {  	v3 =	vadd.s32 v1, v3;
	_ =	sdelay $0x2  }
0x63: {  	[tilespmem:s22], [sflag:$0x1] =	stream.indirect_vreg.gather [hbm4b:s3+s2], $0x80, v4, vm0, $0xb8;
	[tilespmem:$0x8080] =	vst v63  }
0x64: {  	_ = 	snop  }
0x65: {  	[tilespmem:s23], [sflag:$0x1] =	stream.indirect_vreg.gather [hbm4b:s3+s2], $0x80, v3, vm0, $0xb8;
	[tilespmem:$0x8080] =	vst v63  }
0x66: {  	_ =	swait.ge [sflag:s24], $0x8000  }
0x67: {  	p0 =	sne.s32 s28, $0xF0;
	[sflag:s24] =	ssyncset.done $0x0  }
.Ltmp0:
0x68: {  	[sflag:s24] =	ssyncadd.s32 $0xFFFF8000;
	(pc) =	sbr.rel @p0 .LBB2_2-.Ltmp0, $4  }
0x69: {  	[hbm4b:s26+s2] =	stream.linear.scatter [tilespmem:s8], [sflag:$0x2], $0x8000, $0x38;
	[tilespmem:$0x8080] =	vst v63  }
0x6a: {  	_ =	swait.ge [sflag:s7], $0x8000  }
0x6b: {  	[sflag:s7] =	ssyncset.done $0x0  }
0x6c: {  	s28 =	sadd.s32 $0x10, s28;
	s26 =	sadd.s32 $0x1000, s26;
	[sflag:s7] =	ssyncadd.s32 $0xFFFF8000  }
0x6d: {  	s25 =	sadd.s32 $0x1, s25  }
0x6e: {  	p0 =	sne.s32 s25, s4  }
.Ltmp1:
0x6f: {  	_ = 	snop;
	(pc) =	sbr.rel @p0 .LBB2_1-.Ltmp1, $1  }
0x70: {  	_ =	sdelay $0x3  }
0x71: {  	_ =	sfence.sel $0x180000  }
0x72: {  	[bflag:$0x0] =	sbarrier.arrive $0xFFFF  }
0x73: {  	p0 =	sne.s32 s1, $0x0;
	_ =	strace $0x9000004A  }
0x74: {  	s0 =	sadd.s32 @!p0 $0x100000, s0;
	[bflag:$0x2] =	sbarrier.arrive $0xFFFF  }
0x75: {  	[sflag:s0] =	ssyncadd.tile.s32 @!p0 $0x1;
	_ =	shalt  }
.Lfunc_end2:
_tile_overlayer_lowered:
.L_overlay_start_2:
0x76: {  	(tag) =	ssettag $0x2  }
0x77: {  	s0 =	rddreg [dreg:$0x0];
	s2 =	stileid.u32  }
0x78: {  	s1 =	rddreg [dreg:$0x1];
	p0 =	sne.s32 s2, $0x0  }
0x79: {  	s3 =	rddreg [dreg:$0x2];
	[bflag:$0x3] =	sbarrier.arrive $0xFFFF;
	s2 =	simm.s32 @!p0 $0x1C02  }
0x7a: {  	[timem:s3], [sflag:s2] =	dma.local @!p0 [hbm:s0], s1  }
0x7b: {  	s0 =	simm.s32 @!p0 $0x2  }
0x7c: {  	_ =	swait.ge @!p0 [sflag:s0], s1  }
0x7d: {  	s1 =	ssub.s32 @!p0 $0x0, s1;
	[sflag:s0] =	ssyncset.done @!p0 $0x0  }
0x7e: {  	[sflag:s0] =	ssyncadd.s32 @!p0 s1  }
0x7f: {  	[bflag:$0x3] =	sbarrier.arrive $0xFFFF  }
0x80: {  	_ =	shalt  }

// kernel: kernel.24.cloned.1.call-start
scs
__scs_entry_jumppad:
0x0: {  	(pc) =	sbr.rel $0x88, $3  }
0x1: {  	(tag) =	ssettag $0x0;
	lr =	simm.s32 $0x1  }
0x2: {  	[smem:$0x3F8D] =	sst lr;
	_ =	strace $0xD0000000  }
0x3: {  	_ = 	snop  }
0x4: {  	_ = 	snop  }
0x5: {  	_ = 	snop  }
0x6: {  	_ = 	snop  }
0x7: {  	_ = 	snop  }
__scs_overlays_trampoline_lowered:
0x8: {  	[smem:$0x3F9C] =	sst s0  }
0x9: {  	[smem:$0x3F9D] =	sst s1  }
0xa: {  	[smem:$0x3F9E] =	sst s2  }
0xb: {  	[smem:$0x3F9F] =	sst s3  }
0xc: {  	[smem:$0x3FA0] =	sst s4  }
0xd: {  	[smem:$0x3FA1] =	sst s5  }
0xe: {  	[smem:$0x3FA2] =	sst s6  }
0xf: {  	[smem:$0x3FA3] =	sst s7  }
0x10: {  	[smem:$0x3FA4] =	sst s8  }
0x11: {  	[smem:$0x3FA5] =	sst s9;
	s0 =	simm.s32 @!p0 $0x0  }
0x12: {  	s1 =	sld [smem:$0x3F8B];
	s0 =	simm.s32 @p0 $0x1  }
0x13: {  	[smem:$0x3FA6] =	sst s0;
	s0 =	simm.s32 @!p1 $0x0  }
0x14: {  	s2 =	sld [smem:$0x3F8A];
	s0 =	simm.s32 @p1 $0x1  }
0x15: {  	[smem:$0x3FA7] =	sst s0;
	s0 =	simm.s32 @!p2 $0x0  }
0x16: {  	s3 =	sld [smem:$0x3FDB];
	s0 =	simm.s32 @p2 $0x1  }
0x17: {  	s4 =	simm.s32 $0x1BF5;
	[smem:$0x3FA9] =	sst s0  }
0x18: {  	s0 =	sld [smem:$0x3F8C];
	_ =	swait.ge [sflag:s4], $0x0  }
0x19: {  	s7 =	sld [smem:$0x3F8D]  }
0x1a: {  	s8 =	sadd.s32 $0xFFFFE003, lr  }
0x1b: {  	s9 =	sadd.s32 $0xFFFFFEF7, lr;
	s5 =	simm.s32 $0xFFFFFFFF;
	p2 =	slt.u32 s8, $0xFFFFF086  }
0x1c: {  	p1 =	slt.u32 s9, $0xF7A;
	s5 =	simm.s32 @!p2 $0x0  }
0x1d: {  	s5 =	simm.s32 @p1 $0x1;
	p0 =	seq.s32 s7, s2  }
0x1e: {  	s7 =	smul.u32 @!p0 $0xF7A, s2;
	p2 =	seq.s32 @!p0 s5, $0x0  }
0x1f: {  	s9 =	smul.u32 $0xF7A, s1;
	s8 =	simm.s32 @!p0 $0x1BF5;
	p2 =	por !p2, p0  }
0x20: {  	[sflag:s8] =	ssyncset.s32 @!p0 $0xFFFFF086;
	s6 =	sadd.s32 @!p0 s3, s7;
	s7 =	simm.s32 @!p0 $0x108  }
0x21: {  	s3 =	sadd.s32 s3, s9;
	s6 =	sadd.s32 @!p0 $0x88, s6;
	s7 =	simm.s32 @p2 $0x1082  }
0x22: {  	[simem:s7], [sflag:s8] =	dma.local @!p0 [hbm:s6], $0xF7A  }
0x23: {  	s9 =	sor.u32 $0xD0000000, s2;
	s6 =	simm.s32 $0x108;
	_ =	swait.ge @!p0 [sflag:s8], $0x0  }
0x24: {  	s3 =	sadd.s32 $0x88, s3;
	s6 =	simm.s32 @!p1 $0x1082;
	[sflag:s4] =	ssyncset.s32 $0xFFFFF086  }
0x25: {  	[simem:s6], [sflag:s4] =	dma.local [hbm:s3], $0xF7A  }
0x26: {  	[smem:$0x3F8D] =	sst s1;
	(tag) =	ssettag s2;
	_ =	strace s9  }
0x27: {  	s1 =	sld [smem:$0x3F9D]  }
0x28: {  	s2 =	sld [smem:$0x3F9E]  }
0x29: {  	s4 =	sld [smem:$0x3FA0]  }
0x2a: {  	p0 =	seq.s32 s5, $0x0;
	s5 =	sld [smem:$0x3FA1]  }
0x2b: {  	s6 =	sld [smem:$0x3FA2]  }
0x2c: {  	s7 =	sld [smem:$0x3FA3]  }
0x2d: {  	s3 =	simm.s32 $0x108;
	s8 =	sld [smem:$0x3FA4]  }
0x2e: {  	s3 =	simm.s32 @!p0 $0x1082;
	s9 =	sld [smem:$0x3FA5]  }
0x2f: {  	lr =	sadd.s32 s0, s3;
	s0 =	sld [smem:$0x3F9C]  }
0x30: {  	s3 =	sld [smem:$0x3F9F]  }
0x31: {  	[smem:$0x3FA8] =	sst s10  }
0x32: {  	s10 =	sld [smem:$0x3FA6];
	_ =	sdelay $0x3  }
0x33: {  	p0 =	seq.s32 s10, $0x1;
	s10 =	sld [smem:$0x3FA8];
	_ =	sdelay $0x3  }
0x34: {  	[smem:$0x3FA8] =	sst s10  }
0x35: {  	s10 =	sld [smem:$0x3FA7];
	_ =	sdelay $0x3  }
0x36: {  	p1 =	seq.s32 s10, $0x1;
	s10 =	sld [smem:$0x3FA8];
	_ =	sdelay $0x3  }
0x37: {  	[smem:$0x3FA8] =	sst s10  }
0x38: {  	s10 =	sld [smem:$0x3FA9]  }
0x39: {  	_ = 	snop;
	(pc) =	sbr.ind lr, $3  }
0x3a: {  	_ = 	snop  }
0x3b: {  	_ = 	snop  }
0x3c: {  	p2 =	seq.s32 s10, $0x1;
	s10 =	sld [smem:$0x3FA8]  }
0x3d: {  	_ =	shalt  }
0x3e: {  	_ =	shalt  }
0x3f: {  	_ =	shalt  }
0x40: {  	_ =	shalt  }
0x41: {  	_ =	shalt  }
0x42: {  	_ =	shalt  }
0x43: {  	_ =	shalt  }
0x44: {  	_ =	shalt  }
0x45: {  	_ =	shalt  }
0x46: {  	_ =	shalt  }
0x47: {  	_ =	shalt  }
0x48: {  	_ =	shalt  }
0x49: {  	_ =	shalt  }
0x4a: {  	_ =	shalt  }
0x4b: {  	_ =	shalt  }
0x4c: {  	_ =	shalt  }
0x4d: {  	_ =	shalt  }
0x4e: {  	_ =	shalt  }
0x4f: {  	_ =	shalt  }
0x50: {  	_ =	shalt  }
0x51: {  	_ =	shalt  }
0x52: {  	_ =	shalt  }
0x53: {  	_ =	shalt  }
0x54: {  	_ =	shalt  }
0x55: {  	_ =	shalt  }
0x56: {  	_ =	shalt  }
0x57: {  	_ =	shalt  }
0x58: {  	_ =	shalt  }
0x59: {  	_ =	shalt  }
0x5a: {  	_ =	shalt  }
0x5b: {  	_ =	shalt  }
0x5c: {  	_ =	shalt  }
0x5d: {  	_ =	shalt  }
0x5e: {  	_ =	shalt  }
0x5f: {  	_ =	shalt  }
0x60: {  	_ =	shalt  }
0x61: {  	_ =	shalt  }
0x62: {  	_ =	shalt  }
0x63: {  	_ =	shalt  }
0x64: {  	_ =	shalt  }
0x65: {  	_ =	shalt  }
0x66: {  	_ =	shalt  }
0x67: {  	_ =	shalt  }
0x68: {  	_ =	shalt  }
0x69: {  	_ =	shalt  }
0x6a: {  	_ =	shalt  }
0x6b: {  	_ =	shalt  }
0x6c: {  	_ =	shalt  }
0x6d: {  	_ =	shalt  }
0x6e: {  	_ =	shalt  }
0x6f: {  	_ =	shalt  }
0x70: {  	_ =	shalt  }
0x71: {  	_ =	shalt  }
0x72: {  	_ =	shalt  }
0x73: {  	_ =	shalt  }
0x74: {  	_ =	shalt  }
0x75: {  	_ =	shalt  }
0x76: {  	_ =	shalt  }
0x77: {  	_ =	shalt  }
0x78: {  	_ =	shalt  }
0x79: {  	_ =	shalt  }
0x7a: {  	_ =	shalt  }
0x7b: {  	_ =	shalt  }
0x7c: {  	_ =	shalt  }
0x7d: {  	_ =	shalt  }
0x7e: {  	_ =	shalt  }
0x7f: {  	_ =	shalt  }
0x80: {  	_ =	shalt  }
0x81: {  	_ =	shalt  }
0x82: {  	_ =	shalt  }
0x83: {  	_ =	shalt  }
0x84: {  	_ =	shalt  }
0x85: {  	_ =	shalt  }
0x86: {  	_ =	shalt  }
0x87: {  	_ =	shalt  }
.Lfunc_end0:
.L_simem_size_0:
called_computation.3_lowered:
.L_overlay_start_0:
0x88: {  	s2 =	sld [smem:$0x3FD9]  }
0x89: {  	s3 =	sld [smem:$0x3FFE];
	_ =	sdelay $0x1  }
0x8a: {  	s1 =	srdreg.scid  }
0x8b: {  	s0 =	sand.u32 $0x1, s1  }
0x8c: {  	s17 =	sshll.u32 s0, $0xA;
	s2 =	sadd.s32 s3, s2  }
0x8d: {  	s2 =	sadd.s32 s2, s17  }
0x8e: {  	[smem:$0x3FB4] =	sst s2  }
0x8f: {  	_ = 	snop  }
0x90: {  	s2 =	sld [smem:$0x3FD0];
	(tm) =	ssettm $0x1  }
0x91: {  	s18 =	sld [smem:$0x3FFB];
	_ =	sdelay $0x3  }
0x92: {  	_ =	strace s18  }
0x93: {  	s3 =	sld [smem:$0x3FFC];
	_ =	sdelay $0x3  }
0x94: {  	_ =	strace s3  }
0x95: {  	s3 =	sld [smem:$0x3FFD];
	_ =	sdelay $0x3  }
0x96: {  	_ =	strace s3  }
0x97: {  	_ =	strace $0x8FFFFFFF  }
0x98: {  	s19 =	sld [smem:$0x3FDB];
	_ =	sdelay $0x1  }
0x99: {  	s4 =	simm.s32 $_scs_section_size  }
0x9a: {  	s5 =	simm.s32 $_size__tile_overlayer_lowered;
	s6 =	simm.s32 $_tile_overlayer_lowered  }
0x9b: {  	s22 =	simm.s32 $0x1BFF;
	s21 =	sshll.u32 s6, $0x1;
	s3 =	sadd.s32 s4, s19  }
0x9c: {  	s7 =	simm.s32 $0x0;
	s20 =	sshll.u32 s5, $0x1;
	s5 =	sadd.s32 s21, s3  }
0x9d: {  	[timem:s7], [sflag:s22] =	dma.local [hbm:s5], s20  }
0x9e: {  	_ =	swait.ge [sflag:s22], s20  }
0x9f: {  	s4 =	ssub.s32 $0x0, s20;
	[sflag:s22] =	ssyncset.done $0x0  }
0xa0: {  	[sflag:s22] =	ssyncadd.s32 s4;
	_ =	sdelay $0x1  }
0xa1: {  	s23 =	simm.s32 $0x1B8B  }
0xa2: {  	_ =	swait.ge [sflag:s23], $0x1  }
0xa3: {  	[sflag:s23] =	ssyncset.done $0x0  }
0xa4: {  	s25 =	simm.s32 $0x1B8E;
	s24 =	sld [smem:$0x3FFE];
	[sflag:s23] =	ssyncadd.s32 $0xFFFFFFFF  }
0xa5: {  	s26 =	simm.s32 $execute0_lowered;
	[smem:$0x3FD2] =	sst s25  }
0xa6: {  	s5 =	sshll.u32 s26, $0x1;
	_ =	strace $0x80000046;
	[dreg:$0x1] =	wrdreg $0xFFFFFFFF  }
0xa7: {  	s28 =	simm.s32 $_size_execute0_lowered;
	s3 =	sadd.s32 s3, s5;
	[dreg:$0x0] =	wrdreg $0x0  }
0xa8: {  	s5 =	sshll.u32 s28, $0x1;
	[dreg:$0x2] =	wrdreg s3  }
0xa9: {  	[dreg:$0x3] =	wrdreg s5  }
0xaa: {  	[dreg:$0x4] =	wrdreg $0xC0  }
0xab: {  	_ =	task [dreg:s7], $0x5FFFF  }
0xac: {  	[dreg:$0x1] =	wrdreg $0xFFFFFFFF  }
0xad: {  	[dreg:$0x0] =	wrdreg $0x60  }
0xae: {  	[dreg:$0x2] =	wrdreg s24  }
0xaf: {  	[dreg:$0x3] =	wrdreg s2  }
0xb0: {  	[dreg:$0x4] =	wrdreg $0xC  }
0xb1: {  	_ =	task.clear_ibuf [dreg:s7], $0x5FFFF;
	_ =	strace $0x90000046  }
0xb2: {  	s29 =	simm.s32 $0xC;
	_ =	strace $0x80000048  }
0xb3: {  	_ =	swait.ge [sflag:s29], $0x1  }
0xb4: {  	[sflag:s29] =	ssyncadd.s32 $0xFFFFFFFF  }
0xb5: {  	_ =	strace $0x90000048  }
0xb6: {  	_ =	sfence  }
0xb7: {  	s30 =	sld [smem:$0x0];
	_ =	sdelay $0x2  }
0xb8: {  	s31 =	sshll.u32 s1, $0xD;
	s1 =	sshrl.u32 s1, $0x2  }
0xb9: {  	s3 =	sand.u32 $0x4000, s31;
	s1 =	sadd.s32 s1, s30  }
0xba: {  	s0 =	sor.u32 s3, s0;
	s1 =	sshll.u32 s1, $0x11  }
0xbb: {  	s0 =	sor.u32 s1, s0  }
0xbc: {  	s0 =	sadd.s32 $0x8F2B, s0  }
0xbd: {  	[sflag:s0] =	ssyncadd.remote.s32 $0x1  }
0xbe: {  	_ =	sfence.sel $0xFFFF  }
0xbf: {  	[dreg:$0x0] =	wrdreg $0xFFFFFFFF;
	(pc) =	sbr.abs _section_cstart, $3  }
0xc0: {  	[dreg:$0x1] =	wrdreg $0xFFFFFFFF  }
0xc1: {  	_ =	task.clear_ibuf [dreg:s7], $0x2FFFF;
	_ =	strace $0x9FFFFFFF  }
0xc2: {  	(tm) =	ssettm $0x7FFFFFFF  }
0xc3: {  	_ =	shalt  }
tec
execute0_lowered:
.L_overlay_start_1:
0x0: {  	(tag) =	ssettag $0x1  }
0x1: {  	s4 =	rddreg [dreg:$0x0]  }
0x2: {  	s6 =	rddreg [dreg:$0x1]  }
0x3: {  	s0 =	rddreg [dreg:$0x2];
	s2 =	simm.s32 $0x0  }
0x4: {  	s1 =	stileid.u32;
	s3 =	srdreg.scid;
	s11 =	simm.s32 $0x1880  }
0x5: {  	s12 =	simm.s32 $0x2080;
	s13 =	simm.s32 $0x2880;
	s14 =	simm.s32 $0x3080  }
0x6: {  	s15 =	simm.s32 $0x3880;
	s16 =	simm.s32 $0x4080;
	s17 =	simm.s32 $0x4880  }
0x7: {  	s18 =	simm.s32 $0x5080;
	s19 =	simm.s32 $0x5880;
	s20 =	simm.s32 $0x6080  }
0x8: {  	s21 =	simm.s32 $0x6880;
	s22 =	simm.s32 $0x7080;
	s23 =	simm.s32 $0x7880  }
0x9: {  	s24 =	simm.s32 $0x1;
	s25 =	simm.s32 $0x0;
	[smem:$0x7FF] =	sst s2  }
0xa: {  	s5 =	sshll.u32 s1, $0x11;
	s7 =	sand.u32 $0x1, s3;
	s3 =	sadd.s32 $0x88600, s4  }
0xb: {  	s9 =	sshll.u32 s1, $0xC;
	_ =	strace $0x80000047;
	s5 =	sadd.s32 s5, s4  }
0xc: {  	s29 =	ssub.s32 $0x2, s7;
	s10 =	sshll.u32 s7, $0xB;
	s7 =	sshll.u32 s7, $0x10  }
0xd: {  	s8 =	sshrl.u32 s29, $0x1;
	s30 =	sor.u32 s10, s9;
	s5 =	sadd.s32 s7, s5  }
0xe: {  	v2 =	vlaneseq.u32;
	s7 =	simm.s32 $0x2;
	s9 =	simm.s32 $0x880;
	s10 =	simm.s32 $0x1080  }
0xf: {  	vm0 =	vmmov $0xffff;
	v1 =	vshrl.u32 v2, $0x3;
	s4 =	ssub.s32 s29, s8;
	s31 =	sshrl.u32 s30, $0x3;
	s5 =	sadd.s32 $0x108600, s5  }
0x10: {  	v0 =	vand.u32 $0x7, v2;
	v2 =	vor.u32 $0x8, v2;
	v1 =	vmul.u32 $0x8, v1;
	s8 =	simm.s32 $0x80;
	s4 =	smax.u32 s4, $0x1;
	s6 =	sadd.s32 s31, s6  }
.LBB2_1:
0x11: {  	s26 =	smov.u32 s5;
	s28 =	simm.s32 $0x0  }
.LBB2_2:
0x12: {  	s29 =	sadd.s32 s28, s6  }
0x13: {  	[tilespmem:s2], [sflag:$0x2] =	stream.linear.gather [hbm4b:s29+s2], $0x80, $0x38;
	[tilespmem:$0x8080] =	vst v63  }
0x14: {  	_ =	swait.ge [sflag:s7], $0x80  }
0x15: {  	[sflag:s7] =	ssyncset.done $0x0  }
0x16: {  	[sflag:s7] =	ssyncadd.s32 $0xFFFFFF80  }
0x17: {  	v3 =	vld [tilespmem:$0x0];
	_ =	sdelay $0x4  }
0x18: {  	v4 =	vshll.u32 v3, $0x1  }
0x19: {  	v3 =	vand.u32 $0x7, v3;
	v4 =	vand.u32 $0xFFFFFFF0, v4  }
0x1a: {  	v3 =	vor.u32 v3, v4  }
0x1b: {  	v4 =	vperm.xlane v3, v0;
	_ =	sdelay $0x1  }
0x1c: {  	v3 =	vperm.xlane v3, v2;
	v4 =	vadd.s32 v1, v4;
	_ =	sdelay $0x1  }
0x1d: {  	v3 =	vadd.s32 v1, v3;
	_ =	sdelay $0x2  }
0x1e: {  	[tilespmem:s8], [sflag:$0x1] =	stream.indirect_vreg.gather [hbm4b:s3+s2], $0x80, v4, vm0, $0xb8;
	[tilespmem:$0x8080] =	vst v63  }
0x1f: {  	_ = 	snop  }
0x20: {  	[tilespmem:s9], [sflag:$0x1] =	stream.indirect_vreg.gather [hbm4b:s3+s2], $0x80, v3, vm0, $0xb8;
	[tilespmem:$0x8080] =	vst v63  }
0x21: {  	v3 =	vld [tilespmem:$0x10];
	_ =	sdelay $0x4  }
0x22: {  	v57 =	vshll.u32 v3, $0x1  }
0x23: {  	v3 =	vand.u32 $0x7, v3;
	v4 =	vand.u32 $0xFFFFFFF0, v57  }
0x24: {  	v3 =	vor.u32 v3, v4  }
0x25: {  	v4 =	vperm.xlane v3, v0;
	_ =	sdelay $0x1  }
0x26: {  	v3 =	vperm.xlane v3, v2;
	v4 =	vadd.s32 v1, v4;
	_ =	sdelay $0x1  }
0x27: {  	v3 =	vadd.s32 v1, v3;
	_ =	sdelay $0x2  }
0x28: {  	[tilespmem:s10], [sflag:$0x1] =	stream.indirect_vreg.gather [hbm4b:s3+s2], $0x80, v4, vm0, $0xb8;
	[tilespmem:$0x8080] =	vst v63  }
0x29: {  	_ = 	snop  }
0x2a: {  	[tilespmem:s11], [sflag:$0x1] =	stream.indirect_vreg.gather [hbm4b:s3+s2], $0x80, v3, vm0, $0xb8;
	[tilespmem:$0x8080] =	vst v63  }
0x2b: {  	v3 =	vld [tilespmem:$0x20];
	_ =	sdelay $0x4  }
0x2c: {  	v58 =	vshll.u32 v3, $0x1  }
0x2d: {  	v3 =	vand.u32 $0x7, v3;
	v4 =	vand.u32 $0xFFFFFFF0, v58  }
0x2e: {  	v3 =	vor.u32 v3, v4  }
0x2f: {  	v4 =	vperm.xlane v3, v0;
	_ =	sdelay $0x1  }
0x30: {  	v3 =	vperm.xlane v3, v2;
	v4 =	vadd.s32 v1, v4;
	_ =	sdelay $0x1  }
0x31: {  	v3 =	vadd.s32 v1, v3;
	_ =	sdelay $0x2  }
0x32: {  	[tilespmem:s12], [sflag:$0x1] =	stream.indirect_vreg.gather [hbm4b:s3+s2], $0x80, v4, vm0, $0xb8;
	[tilespmem:$0x8080] =	vst v63  }
0x33: {  	_ = 	snop  }
0x34: {  	[tilespmem:s13], [sflag:$0x1] =	stream.indirect_vreg.gather [hbm4b:s3+s2], $0x80, v3, vm0, $0xb8;
	[tilespmem:$0x8080] =	vst v63  }
0x35: {  	v3 =	vld [tilespmem:$0x30];
	_ =	sdelay $0x4  }
0x36: {  	v59 =	vshll.u32 v3, $0x1  }
0x37: {  	v3 =	vand.u32 $0x7, v3;
	v4 =	vand.u32 $0xFFFFFFF0, v59  }
0x38: {  	v3 =	vor.u32 v3, v4  }
0x39: {  	v4 =	vperm.xlane v3, v0;
	_ =	sdelay $0x1  }
0x3a: {  	v3 =	vperm.xlane v3, v2;
	v4 =	vadd.s32 v1, v4;
	_ =	sdelay $0x1  }
0x3b: {  	v3 =	vadd.s32 v1, v3;
	_ =	sdelay $0x2  }
0x3c: {  	[tilespmem:s14], [sflag:$0x1] =	stream.indirect_vreg.gather [hbm4b:s3+s2], $0x80, v4, vm0, $0xb8;
	[tilespmem:$0x8080] =	vst v63  }
0x3d: {  	_ = 	snop  }
0x3e: {  	[tilespmem:s15], [sflag:$0x1] =	stream.indirect_vreg.gather [hbm4b:s3+s2], $0x80, v3, vm0, $0xb8;
	[tilespmem:$0x8080] =	vst v63  }
0x3f: {  	v3 =	vld [tilespmem:$0x40];
	_ =	sdelay $0x4  }
0x40: {  	v60 =	vshll.u32 v3, $0x1  }
0x41: {  	v3 =	vand.u32 $0x7, v3;
	v4 =	vand.u32 $0xFFFFFFF0, v60  }
0x42: {  	v3 =	vor.u32 v3, v4  }
0x43: {  	v4 =	vperm.xlane v3, v0;
	_ =	sdelay $0x1  }
0x44: {  	v3 =	vperm.xlane v3, v2;
	v4 =	vadd.s32 v1, v4;
	_ =	sdelay $0x1  }
0x45: {  	v3 =	vadd.s32 v1, v3;
	_ =	sdelay $0x2  }
0x46: {  	[tilespmem:s16], [sflag:$0x1] =	stream.indirect_vreg.gather [hbm4b:s3+s2], $0x80, v4, vm0, $0xb8;
	[tilespmem:$0x8080] =	vst v63  }
0x47: {  	_ = 	snop  }
0x48: {  	[tilespmem:s17], [sflag:$0x1] =	stream.indirect_vreg.gather [hbm4b:s3+s2], $0x80, v3, vm0, $0xb8;
	[tilespmem:$0x8080] =	vst v63  }
0x49: {  	v3 =	vld [tilespmem:$0x50];
	_ =	sdelay $0x4  }
0x4a: {  	v61 =	vshll.u32 v3, $0x1  }
0x4b: {  	v3 =	vand.u32 $0x7, v3;
	v4 =	vand.u32 $0xFFFFFFF0, v61  }
0x4c: {  	v3 =	vor.u32 v3, v4  }
0x4d: {  	v4 =	vperm.xlane v3, v0;
	_ =	sdelay $0x1  }
0x4e: {  	v3 =	vperm.xlane v3, v2;
	v4 =	vadd.s32 v1, v4;
	_ =	sdelay $0x1  }
0x4f: {  	v3 =	vadd.s32 v1, v3;
	_ =	sdelay $0x2  }
0x50: {  	[tilespmem:s18], [sflag:$0x1] =	stream.indirect_vreg.gather [hbm4b:s3+s2], $0x80, v4, vm0, $0xb8;
	[tilespmem:$0x8080] =	vst v63  }
0x51: {  	_ = 	snop  }
0x52: {  	[tilespmem:s19], [sflag:$0x1] =	stream.indirect_vreg.gather [hbm4b:s3+s2], $0x80, v3, vm0, $0xb8;
	[tilespmem:$0x8080] =	vst v63  }
0x53: {  	v3 =	vld [tilespmem:$0x60];
	_ =	sdelay $0x4  }
0x54: {  	v62 =	vshll.u32 v3, $0x1  }
0x55: {  	v3 =	vand.u32 $0x7, v3;
	v4 =	vand.u32 $0xFFFFFFF0, v62  }
0x56: {  	v3 =	vor.u32 v3, v4  }
0x57: {  	v4 =	vperm.xlane v3, v0;
	_ =	sdelay $0x1  }
0x58: {  	v3 =	vperm.xlane v3, v2;
	v4 =	vadd.s32 v1, v4;
	_ =	sdelay $0x1  }
0x59: {  	v3 =	vadd.s32 v1, v3;
	_ =	sdelay $0x2  }
0x5a: {  	[tilespmem:s20], [sflag:$0x1] =	stream.indirect_vreg.gather [hbm4b:s3+s2], $0x80, v4, vm0, $0xb8;
	[tilespmem:$0x8080] =	vst v63  }
0x5b: {  	_ = 	snop  }
0x5c: {  	[tilespmem:s21], [sflag:$0x1] =	stream.indirect_vreg.gather [hbm4b:s3+s2], $0x80, v3, vm0, $0xb8;
	[tilespmem:$0x8080] =	vst v63  }
0x5d: {  	v3 =	vld [tilespmem:$0x70];
	_ =	sdelay $0x4  }
0x5e: {  	v63 =	vshll.u32 v3, $0x1  }
0x5f: {  	v3 =	vand.u32 $0x7, v3;
	v4 =	vand.u32 $0xFFFFFFF0, v63  }
0x60: {  	v3 =	vor.u32 v3, v4  }
0x61: {  	v4 =	vperm.xlane v3, v0;
	_ =	sdelay $0x1  }
0x62: {  	v3 =	vperm.xlane v3, v2;
	v4 =	vadd.s32 v1, v4;
	_ =	sdelay $0x1  }
0x63: {  	v3 =	vadd.s32 v1, v3;
	_ =	sdelay $0x2  }
0x64: {  	[tilespmem:s22], [sflag:$0x1] =	stream.indirect_vreg.gather [hbm4b:s3+s2], $0x80, v4, vm0, $0xb8;
	[tilespmem:$0x8080] =	vst v63  }
0x65: {  	_ = 	snop  }
0x66: {  	[tilespmem:s23], [sflag:$0x1] =	stream.indirect_vreg.gather [hbm4b:s3+s2], $0x80, v3, vm0, $0xb8;
	[tilespmem:$0x8080] =	vst v63  }
0x67: {  	_ =	swait.ge [sflag:s24], $0x8000  }
0x68: {  	p0 =	sne.s32 s28, $0xF0;
	[sflag:s24] =	ssyncset.done $0x0  }
.Ltmp0:
0x69: {  	[sflag:s24] =	ssyncadd.s32 $0xFFFF8000;
	(pc) =	sbr.rel @p0 .LBB2_2-.Ltmp0, $4  }
0x6a: {  	[hbm4b:s26+s2] =	stream.linear.scatter [tilespmem:s8], [sflag:$0x2], $0x8000, $0x38;
	[tilespmem:$0x8080] =	vst v63  }
0x6b: {  	_ =	swait.ge [sflag:s7], $0x8000  }
0x6c: {  	[sflag:s7] =	ssyncset.done $0x0  }
0x6d: {  	s28 =	sadd.s32 $0x10, s28;
	s26 =	sadd.s32 $0x1000, s26;
	[sflag:s7] =	ssyncadd.s32 $0xFFFF8000  }
0x6e: {  	s25 =	sadd.s32 $0x1, s25  }
0x6f: {  	p0 =	sne.s32 s25, s4  }
.Ltmp1:
0x70: {  	_ = 	snop;
	(pc) =	sbr.rel @p0 .LBB2_1-.Ltmp1, $1  }
0x71: {  	_ =	sdelay $0x3  }
0x72: {  	_ =	sfence.sel $0x180000  }
0x73: {  	[bflag:$0x0] =	sbarrier.arrive $0xFFFF  }
0x74: {  	p0 =	sne.s32 s1, $0x0;
	_ =	strace $0x90000047  }
0x75: {  	s0 =	sadd.s32 @!p0 $0x100000, s0;
	[bflag:$0x2] =	sbarrier.arrive $0xFFFF  }
0x76: {  	[sflag:s0] =	ssyncadd.tile.s32 @!p0 $0x1;
	_ =	shalt  }
.Lfunc_end2:
_tile_overlayer_lowered:
.L_overlay_start_2:
0x77: {  	(tag) =	ssettag $0x2  }
0x78: {  	s0 =	rddreg [dreg:$0x0];
	s2 =	stileid.u32  }
0x79: {  	s1 =	rddreg [dreg:$0x1];
	p0 =	sne.s32 s2, $0x0  }
0x7a: {  	s3 =	rddreg [dreg:$0x2];
	[bflag:$0x3] =	sbarrier.arrive $0xFFFF;
	s2 =	simm.s32 @!p0 $0x1C02  }
0x7b: {  	[timem:s3], [sflag:s2] =	dma.local @!p0 [hbm:s0], s1  }
0x7c: {  	s0 =	simm.s32 @!p0 $0x2  }
0x7d: {  	_ =	swait.ge @!p0 [sflag:s0], s1  }
0x7e: {  	s1 =	ssub.s32 @!p0 $0x0, s1;
	[sflag:s0] =	ssyncset.done @!p0 $0x0  }
0x7f: {  	[sflag:s0] =	ssyncadd.s32 @!p0 s1  }
0x80: {  	[bflag:$0x3] =	sbarrier.arrive $0xFFFF  }
0x81: {  	_ =	shalt  }

</sc_bundles>
